<compile_context>
chip_gen: v7x
topology: tpu7x:2x2x1
jax: 0.10.2.dev20260603
libtpu: 0.0.44.dev20260713+nightly
codegen_flags: <defaults>
</compile_context>

<pallas_src>
import jax
import jax.numpy as jnp
from jax import lax
from jax.experimental import pallas as pl
from jax.experimental.pallas import tpu as pltpu
from jax.experimental.pallas import tpu_sc as plsc

NC = 2
NS = 16
NW = NC * NS
LANES = 16

B, S, D = 4, 2048, 768
POS_PER_W = S // NW
K = 16
NQ = POS_PER_W // K
NCH = 2 * NQ
CROWS = 2 * K
COLS = D // LANES
CHALF = COLS // 2
NBUF = 4


def _embed_body(ids_hbm, wte_hbm, wpe_hbm, out_hbm,
                idx_v, bufs, wpe_s, sem_i, sem_p, sem_g, sem_o):
  cid = lax.axis_index("c")
  sid = lax.axis_index("s")
  wid = sid * NC + cid
  pos0 = wid * POS_PER_W

  idx_cps = []
  for n in range(NCH):
    q, hb = n // 2, n % 2
    for b2 in range(2):
      idx_cps.append(pltpu.async_copy(
          ids_hbm.at[hb * 2 + b2, pl.ds(pos0 + q * K, K)],
          idx_v.at[n, pl.ds(b2 * K, K)], sem_i))

  def issue_slab(q):
    return pltpu.async_copy(
        wpe_hbm.at[pl.ds(pos0 + q * K, K)], wpe_s.at[q % 2], sem_p)

  def issue_gather(n):
    return pltpu.async_copy(
        wte_hbm.at[idx_v.at[n]], bufs.at[n % NBUF], sem_g)

  issue_slab(0)
  issue_slab(1)
  for n in range(3):
    idx_cps[2 * n].wait()
    idx_cps[2 * n + 1].wait()
    issue_gather(n)
  for cp in idx_cps[6:]:
    cp.wait()

  def chunk_body(n, _):
    gp = n % NBUF
    q = n // 2
    hb = n % 2
    sp = q % 2

    @pl.when(hb == 0)
    def _():
      pltpu.make_async_copy(
          wpe_hbm.at[pl.ds(pos0, K)], wpe_s.at[0], sem_p).wait()

    pltpu.make_async_copy(
        wte_hbm.at[idx_v.at[n]], bufs.at[gp], sem_g).wait()

    def row_body(r, _):
      for half in range(2):
        base = half * CHALF * LANES
        wrow = [wpe_s[sp, r, pl.ds(base + j * LANES, LANES)]
                for j in range(CHALF)]
        for b2 in range(2):
          row = b2 * K + r
          for j in range(CHALF):
            sl = pl.ds(base + j * LANES, LANES)
            bufs[gp, row, sl] = bufs[gp, row, sl] + wrow[j]
      return 0

    lax.fori_loop(0, K, row_body, 0)

    for b2 in range(2):
      pltpu.async_copy(
          bufs.at[gp, pl.ds(b2 * K, K)],
          out_hbm.at[pl.ds((hb * 2 + b2) * S + pos0 + q * K, K)], sem_o)

    @pl.when(jnp.logical_and(hb == 1, q + 2 < NQ))
    def _():
      pltpu.async_copy(
          wpe_hbm.at[pl.ds(pos0 + (q + 2) * K, K)], wpe_s.at[sp], sem_p)

    @pl.when(n >= 1)
    def _():
      for b2 in range(2):
        pltpu.make_async_copy(
            bufs.at[(n - 1) % NBUF, pl.ds(b2 * K, K)],
            out_hbm.at[pl.ds(pos0, K)], sem_o).wait()

    @pl.when(n + 3 < NCH)
    def _():
      pltpu.async_copy(
          wte_hbm.at[idx_v.at[n + 3]], bufs.at[(n + 3) % NBUF], sem_g)

    return 0

  lax.fori_loop(0, NCH, chunk_body, 0)

  for b2 in range(2):
    pltpu.make_async_copy(
        bufs.at[(NCH - 1) % NBUF, pl.ds(b2 * K, K)],
        out_hbm.at[pl.ds(pos0, K)], sem_o).wait()


@jax.jit
def _embed(ids, wte, wpe):
  mesh = plsc.VectorSubcoreMesh(core_axis_name="c", subcore_axis_name="s")
  f = pl.kernel(
      _embed_body,
      out_type=jax.ShapeDtypeStruct((B * S, D), jnp.float32),
      mesh=mesh,
      scratch_types=[
          pltpu.VMEM((NCH, CROWS), jnp.int32),
          pltpu.VMEM((NBUF, CROWS, D), jnp.float32),
          pltpu.VMEM((2, K, D), jnp.float32),
          pltpu.SemaphoreType.DMA,
          pltpu.SemaphoreType.DMA,
          pltpu.SemaphoreType.DMA,
          pltpu.SemaphoreType.DMA,
      ],
  )
  return f(ids, wte, wpe)


def kernel(input_ids, wte, wpe):
  out = _embed(input_ids.astype(jnp.int32), wte, wpe)
  return out.reshape(B, S, D)

# --- scband reference (transcript-rebuilt; emitter-appended) ---
"""Pipeline reference for scband-text-embedding-68607807586559 (READ-ONLY COPY).

The authoritative reference and input builder live on the scoring server;
editing this copy changes nothing except your own understanding.
"""

import jax, jax.numpy as jnp
import numpy as np

VOCAB = 50257
N_EMBD = 768
MAX_POS = 2048
B, S = 4, 2048


def setup_inputs(seed: int = 0) -> dict:
    key = jax.random.key(seed)
    k1, k2, k3 = jax.random.split(key, 3)
    input_ids = jax.random.randint(k1, (B, S), 0, VOCAB, dtype=jnp.int64 if jax.config.jax_enable_x64 else jnp.int32)
    wte = jax.random.normal(k2, (VOCAB, N_EMBD), dtype=jnp.float32) * 0.02
    wpe = jax.random.normal(k3, (MAX_POS, N_EMBD), dtype=jnp.float32) * 0.02
    return {"input_ids": input_ids, "wte": wte, "wpe": wpe}


def reference(input_ids, wte, wpe):
    # token embedding: gather rows from wte
    tok_emb = jnp.take(wte, input_ids, axis=0)          # [B, S, n_embd]
    # position embedding: gather first S rows from wpe
    positions = jnp.arange(input_ids.shape[1])
    pos_emb = jnp.take(wpe, positions, axis=0)          # [S, n_embd]
    out = tok_emb + pos_emb[None, :, :]
    # dropout is identity in eval/inference mode
    return out

if __name__ == "__main__":
    import jax
    _d = setup_inputs()
    print(jax.jit(kernel)(*tuple(_d.values())))

</pallas_src>

<mosaic_0001>
#map = affine_map<(d0, d1) -> (0, 0)>
module attributes {stable_mosaic.version = 14 : i64} {
  func.func @_embed_body(%arg0: i32, %arg1: i32, %arg2: memref<4x2048xi32, #tpu.memory_space<hbm>>, %arg3: memref<50257x768xf32, #tpu.memory_space<hbm>>, %arg4: memref<2048x768xf32, #tpu.memory_space<hbm>>, %arg5: memref<8192x768xf32, #tpu.memory_space<hbm>>, %arg6: memref<8x32xi32, #tpu.memory_space<vmem>>, %arg7: memref<4x32x768xf32, #tpu.memory_space<vmem>>, %arg8: memref<2x16x768xf32, #tpu.memory_space<vmem>>, %arg9: memref<!tpu.dma_semaphore, #tpu.memory_space<semaphore_mem>>, %arg10: memref<!tpu.dma_semaphore, #tpu.memory_space<semaphore_mem>>, %arg11: memref<!tpu.dma_semaphore, #tpu.memory_space<semaphore_mem>>, %arg12: memref<!tpu.dma_semaphore, #tpu.memory_space<semaphore_mem>>) attributes {dimension_semantics = [#tpu.dimension_semantics<core_parallel>, #tpu.dimension_semantics<subcore_parallel>], iteration_bounds = array<i64: 2, 16>, scalar_prefetch = 0 : i64, scratch_operands = 7 : i64, tpu.core_type = #tpu.core_type<sc_vector_subcore>, window_params = [{transform_indices = #map}, {transform_indices = #map}, {transform_indices = #map}, {transform_indices = #map}]} {
    %mul3A = arith.constant 2 : i32
    %mul3A_0 = arith.muli %arg1, %mul3A : i32
    %add3A = arith.addi %mul3A_0, %arg0 : i32
    %mul3A_1 = arith.constant 64 : i32
    %mul3A_2 = arith.muli %add3A, %mul3A_1 : i32
    %add3A_3 = arith.constant 0 : i32
    %add3A_4 = arith.addi %mul3A_2, %add3A_3 : i32
    %dma_start3A = arith.constant 0 : i32
    %dma_start3A_5 = arith.constant 0 : i32
    %dma_start3A_6 = arith.constant 0 : i32
    %dma_start3A_7 = tpu.memref_slice %arg6[%dma_start3A_5, %dma_start3A_6] : memref<8x32xi32, #tpu.memory_space<vmem>> -> memref<1x16xi32, #tpu.memory_space<vmem>>
    %dma_start3A_8 = tpu.memref_squeeze %dma_start3A_7 : memref<1x16xi32, #tpu.memory_space<vmem>> -> memref<16xi32, #tpu.memory_space<vmem>>
    %dma_start3A_9 = tpu.memref_slice %arg2[%dma_start3A, %add3A_4] : memref<4x2048xi32, #tpu.memory_space<hbm>> -> memref<1x16xi32, #tpu.memory_space<hbm>>
    %dma_start3A_10 = tpu.memref_squeeze %dma_start3A_9 : memref<1x16xi32, #tpu.memory_space<hbm>> -> memref<16xi32, #tpu.memory_space<hbm>>
    %dma_start3A_11 = arith.constant 0 : i32
    %dma_start3A_12 = tpu.memref_slice %arg6[%dma_start3A_5, %dma_start3A_11] : memref<8x32xi32, #tpu.memory_space<vmem>> -> memref<1x16xi32, #tpu.memory_space<vmem>>
    %dma_start3A_13 = tpu.memref_squeeze %dma_start3A_12 : memref<1x16xi32, #tpu.memory_space<vmem>> -> memref<16xi32, #tpu.memory_space<vmem>>
    %dma_start3A_14 = tpu.memref_slice %arg2[%dma_start3A, %add3A_4] : memref<4x2048xi32, #tpu.memory_space<hbm>> -> memref<1x16xi32, #tpu.memory_space<hbm>>
    %dma_start3A_15 = tpu.memref_squeeze %dma_start3A_14 : memref<1x16xi32, #tpu.memory_space<hbm>> -> memref<16xi32, #tpu.memory_space<hbm>>
    tpu.enqueue_dma source(%dma_start3A_15 : memref<16xi32, #tpu.memory_space<hbm>>) target(%dma_start3A_13 : memref<16xi32, #tpu.memory_space<vmem>>) target_semaphore(%arg9 : memref<!tpu.dma_semaphore, #tpu.memory_space<semaphore_mem>>)
    %add3A_16 = arith.constant 0 : i32
    %add3A_17 = arith.addi %mul3A_2, %add3A_16 : i32
    %dma_start3A_18 = arith.constant 1 : i32
    %dma_start3A_19 = arith.constant 0 : i32
    %dma_start3A_20 = arith.constant 16 : i32
    %dma_start3A_21 = tpu.memref_slice %arg6[%dma_start3A_19, %dma_start3A_20] : memref<8x32xi32, #tpu.memory_space<vmem>> -> memref<1x16xi32, #tpu.memory_space<vmem>>
    %dma_start3A_22 = tpu.memref_squeeze %dma_start3A_21 : memref<1x16xi32, #tpu.memory_space<vmem>> -> memref<16xi32, #tpu.memory_space<vmem>>
    %dma_start3A_23 = tpu.memref_slice %arg2[%dma_start3A_18, %add3A_17] : memref<4x2048xi32, #tpu.memory_space<hbm>> -> memref<1x16xi32, #tpu.memory_space<hbm>>
    %dma_start3A_24 = tpu.memref_squeeze %dma_start3A_23 : memref<1x16xi32, #tpu.memory_space<hbm>> -> memref<16xi32, #tpu.memory_space<hbm>>
    %dma_start3A_25 = arith.constant 16 : i32
    %dma_start3A_26 = tpu.memref_slice %arg6[%dma_start3A_19, %dma_start3A_25] : memref<8x32xi32, #tpu.memory_space<vmem>> -> memref<1x16xi32, #tpu.memory_space<vmem>>
    %dma_start3A_27 = tpu.memref_squeeze %dma_start3A_26 : memref<1x16xi32, #tpu.memory_space<vmem>> -> memref<16xi32, #tpu.memory_space<vmem>>
    %dma_start3A_28 = tpu.memref_slice %arg2[%dma_start3A_18, %add3A_17] : memref<4x2048xi32, #tpu.memory_space<hbm>> -> memref<1x16xi32, #tpu.memory_space<hbm>>
    %dma_start3A_29 = tpu.memref_squeeze %dma_start3A_28 : memref<1x16xi32, #tpu.memory_space<hbm>> -> memref<16xi32, #tpu.memory_space<hbm>>
    tpu.enqueue_dma source(%dma_start3A_29 : memref<16xi32, #tpu.memory_space<hbm>>) target(%dma_start3A_27 : memref<16xi32, #tpu.memory_space<vmem>>) target_semaphore(%arg9 : memref<!tpu.dma_semaphore, #tpu.memory_space<semaphore_mem>>)
    %add3A_30 = arith.constant 0 : i32
    %add3A_31 = arith.addi %mul3A_2, %add3A_30 : i32
    %dma_start3A_32 = arith.constant 2 : i32
    %dma_start3A_33 = arith.constant 1 : i32
    %dma_start3A_34 = arith.constant 0 : i32
    %dma_start3A_35 = tpu.memref_slice %arg6[%dma_start3A_33, %dma_start3A_34] : memref<8x32xi32, #tpu.memory_space<vmem>> -> memref<1x16xi32, #tpu.memory_space<vmem>>
    %dma_start3A_36 = tpu.memref_squeeze %dma_start3A_35 : memref<1x16xi32, #tpu.memory_space<vmem>> -> memref<16xi32, #tpu.memory_space<vmem>>
    %dma_start3A_37 = tpu.memref_slice %arg2[%dma_start3A_32, %add3A_31] : memref<4x2048xi32, #tpu.memory_space<hbm>> -> memref<1x16xi32, #tpu.memory_space<hbm>>
    %dma_start3A_38 = tpu.memref_squeeze %dma_start3A_37 : memref<1x16xi32, #tpu.memory_space<hbm>> -> memref<16xi32, #tpu.memory_space<hbm>>
    %dma_start3A_39 = arith.constant 0 : i32
    %dma_start3A_40 = tpu.memref_slice %arg6[%dma_start3A_33, %dma_start3A_39] : memref<8x32xi32, #tpu.memory_space<vmem>> -> memref<1x16xi32, #tpu.memory_space<vmem>>
    %dma_start3A_41 = tpu.memref_squeeze %dma_start3A_40 : memref<1x16xi32, #tpu.memory_space<vmem>> -> memref<16xi32, #tpu.memory_space<vmem>>
    %dma_start3A_42 = tpu.memref_slice %arg2[%dma_start3A_32, %add3A_31] : memref<4x2048xi32, #tpu.memory_space<hbm>> -> memref<1x16xi32, #tpu.memory_space<hbm>>
    %dma_start3A_43 = tpu.memref_squeeze %dma_start3A_42 : memref<1x16xi32, #tpu.memory_space<hbm>> -> memref<16xi32, #tpu.memory_space<hbm>>
    tpu.enqueue_dma source(%dma_start3A_43 : memref<16xi32, #tpu.memory_space<hbm>>) target(%dma_start3A_41 : memref<16xi32, #tpu.memory_space<vmem>>) target_semaphore(%arg9 : memref<!tpu.dma_semaphore, #tpu.memory_space<semaphore_mem>>)
    %add3A_44 = arith.constant 0 : i32
    %add3A_45 = arith.addi %mul3A_2, %add3A_44 : i32
    %dma_start3A_46 = arith.constant 3 : i32
    %dma_start3A_47 = arith.constant 1 : i32
    %dma_start3A_48 = arith.constant 16 : i32
    %dma_start3A_49 = tpu.memref_slice %arg6[%dma_start3A_47, %dma_start3A_48] : memref<8x32xi32, #tpu.memory_space<vmem>> -> memref<1x16xi32, #tpu.memory_space<vmem>>
    %dma_start3A_50 = tpu.memref_squeeze %dma_start3A_49 : memref<1x16xi32, #tpu.memory_space<vmem>> -> memref<16xi32, #tpu.memory_space<vmem>>
    %dma_start3A_51 = tpu.memref_slice %arg2[%dma_start3A_46, %add3A_45] : memref<4x2048xi32, #tpu.memory_space<hbm>> -> memref<1x16xi32, #tpu.memory_space<hbm>>
    %dma_start3A_52 = tpu.memref_squeeze %dma_start3A_51 : memref<1x16xi32, #tpu.memory_space<hbm>> -> memref<16xi32, #tpu.memory_space<hbm>>
    %dma_start3A_53 = arith.constant 16 : i32
    %dma_start3A_54 = tpu.memref_slice %arg6[%dma_start3A_47, %dma_start3A_53] : memref<8x32xi32, #tpu.memory_space<vmem>> -> memref<1x16xi32, #tpu.memory_space<vmem>>
    %dma_start3A_55 = tpu.memref_squeeze %dma_start3A_54 : memref<1x16xi32, #tpu.memory_space<vmem>> -> memref<16xi32, #tpu.memory_space<vmem>>
    %dma_start3A_56 = tpu.memref_slice %arg2[%dma_start3A_46, %add3A_45] : memref<4x2048xi32, #tpu.memory_space<hbm>> -> memref<1x16xi32, #tpu.memory_space<hbm>>
    %dma_start3A_57 = tpu.memref_squeeze %dma_start3A_56 : memref<1x16xi32, #tpu.memory_space<hbm>> -> memref<16xi32, #tpu.memory_space<hbm>>
    tpu.enqueue_dma source(%dma_start3A_57 : memref<16xi32, #tpu.memory_space<hbm>>) target(%dma_start3A_55 : memref<16xi32, #tpu.memory_space<vmem>>) target_semaphore(%arg9 : memref<!tpu.dma_semaphore, #tpu.memory_space<semaphore_mem>>)
    %add3A_58 = arith.constant 16 : i32
    %add3A_59 = arith.addi %mul3A_2, %add3A_58 : i32
    %dma_start3A_60 = arith.constant 0 : i32
    %dma_start3A_61 = arith.constant 2 : i32
    %dma_start3A_62 = arith.constant 0 : i32
    %dma_start3A_63 = tpu.memref_slice %arg6[%dma_start3A_61, %dma_start3A_62] : memref<8x32xi32, #tpu.memory_space<vmem>> -> memref<1x16xi32, #tpu.memory_space<vmem>>
    %dma_start3A_64 = tpu.memref_squeeze %dma_start3A_63 : memref<1x16xi32, #tpu.memory_space<vmem>> -> memref<16xi32, #tpu.memory_space<vmem>>
    %dma_start3A_65 = tpu.memref_slice %arg2[%dma_start3A_60, %add3A_59] : memref<4x2048xi32, #tpu.memory_space<hbm>> -> memref<1x16xi32, #tpu.memory_space<hbm>>
    %dma_start3A_66 = tpu.memref_squeeze %dma_start3A_65 : memref<1x16xi32, #tpu.memory_space<hbm>> -> memref<16xi32, #tpu.memory_space<hbm>>
    %dma_start3A_67 = arith.constant 0 : i32
    %dma_start3A_68 = tpu.memref_slice %arg6[%dma_start3A_61, %dma_start3A_67] : memref<8x32xi32, #tpu.memory_space<vmem>> -> memref<1x16xi32, #tpu.memory_space<vmem>>
    %dma_start3A_69 = tpu.memref_squeeze %dma_start3A_68 : memref<1x16xi32, #tpu.memory_space<vmem>> -> memref<16xi32, #tpu.memory_space<vmem>>
    %dma_start3A_70 = tpu.memref_slice %arg2[%dma_start3A_60, %add3A_59] : memref<4x2048xi32, #tpu.memory_space<hbm>> -> memref<1x16xi32, #tpu.memory_space<hbm>>
    %dma_start3A_71 = tpu.memref_squeeze %dma_start3A_70 : memref<1x16xi32, #tpu.memory_space<hbm>> -> memref<16xi32, #tpu.memory_space<hbm>>
    tpu.enqueue_dma source(%dma_start3A_71 : memref<16xi32, #tpu.memory_space<hbm>>) target(%dma_start3A_69 : memref<16xi32, #tpu.memory_space<vmem>>) target_semaphore(%arg9 : memref<!tpu.dma_semaphore, #tpu.memory_space<semaphore_mem>>)
    %add3A_72 = arith.constant 16 : i32
    %add3A_73 = arith.addi %mul3A_2, %add3A_72 : i32
    %dma_start3A_74 = arith.constant 1 : i32
    %dma_start3A_75 = arith.constant 2 : i32
    %dma_start3A_76 = arith.constant 16 : i32
    %dma_start3A_77 = tpu.memref_slice %arg6[%dma_start3A_75, %dma_start3A_76] : memref<8x32xi32, #tpu.memory_space<vmem>> -> memref<1x16xi32, #tpu.memory_space<vmem>>
    %dma_start3A_78 = tpu.memref_squeeze %dma_start3A_77 : memref<1x16xi32, #tpu.memory_space<vmem>> -> memref<16xi32, #tpu.memory_space<vmem>>
    %dma_start3A_79 = tpu.memref_slice %arg2[%dma_start3A_74, %add3A_73] : memref<4x2048xi32, #tpu.memory_space<hbm>> -> memref<1x16xi32, #tpu.memory_space<hbm>>
    %dma_start3A_80 = tpu.memref_squeeze %dma_start3A_79 : memref<1x16xi32, #tpu.memory_space<hbm>> -> memref<16xi32, #tpu.memory_space<hbm>>
    %dma_start3A_81 = arith.constant 16 : i32
    %dma_start3A_82 = tpu.memref_slice %arg6[%dma_start3A_75, %dma_start3A_81] : memref<8x32xi32, #tpu.memory_space<vmem>> -> memref<1x16xi32, #tpu.memory_space<vmem>>
    %dma_start3A_83 = tpu.memref_squeeze %dma_start3A_82 : memref<1x16xi32, #tpu.memory_space<vmem>> -> memref<16xi32, #tpu.memory_space<vmem>>
    %dma_start3A_84 = tpu.memref_slice %arg2[%dma_start3A_74, %add3A_73] : memref<4x2048xi32, #tpu.memory_space<hbm>> -> memref<1x16xi32, #tpu.memory_space<hbm>>
    %dma_start3A_85 = tpu.memref_squeeze %dma_start3A_84 : memref<1x16xi32, #tpu.memory_space<hbm>> -> memref<16xi32, #tpu.memory_space<hbm>>
    tpu.enqueue_dma source(%dma_start3A_85 : memref<16xi32, #tpu.memory_space<hbm>>) target(%dma_start3A_83 : memref<16xi32, #tpu.memory_space<vmem>>) target_semaphore(%arg9 : memref<!tpu.dma_semaphore, #tpu.memory_space<semaphore_mem>>)
    %add3A_86 = arith.constant 16 : i32
    %add3A_87 = arith.addi %mul3A_2, %add3A_86 : i32
    %dma_start3A_88 = arith.constant 2 : i32
    %dma_start3A_89 = arith.constant 3 : i32
    %dma_start3A_90 = arith.constant 0 : i32
    %dma_start3A_91 = tpu.memref_slice %arg6[%dma_start3A_89, %dma_start3A_90] : memref<8x32xi32, #tpu.memory_space<vmem>> -> memref<1x16xi32, #tpu.memory_space<vmem>>
    %dma_start3A_92 = tpu.memref_squeeze %dma_start3A_91 : memref<1x16xi32, #tpu.memory_space<vmem>> -> memref<16xi32, #tpu.memory_space<vmem>>
    %dma_start3A_93 = tpu.memref_slice %arg2[%dma_start3A_88, %add3A_87] : memref<4x2048xi32, #tpu.memory_space<hbm>> -> memref<1x16xi32, #tpu.memory_space<hbm>>
    %dma_start3A_94 = tpu.memref_squeeze %dma_start3A_93 : memref<1x16xi32, #tpu.memory_space<hbm>> -> memref<16xi32, #tpu.memory_space<hbm>>
    %dma_start3A_95 = arith.constant 0 : i32
    %dma_start3A_96 = tpu.memref_slice %arg6[%dma_start3A_89, %dma_start3A_95] : memref<8x32xi32, #tpu.memory_space<vmem>> -> memref<1x16xi32, #tpu.memory_space<vmem>>
    %dma_start3A_97 = tpu.memref_squeeze %dma_start3A_96 : memref<1x16xi32, #tpu.memory_space<vmem>> -> memref<16xi32, #tpu.memory_space<vmem>>
    %dma_start3A_98 = tpu.memref_slice %arg2[%dma_start3A_88, %add3A_87] : memref<4x2048xi32, #tpu.memory_space<hbm>> -> memref<1x16xi32, #tpu.memory_space<hbm>>
    %dma_start3A_99 = tpu.memref_squeeze %dma_start3A_98 : memref<1x16xi32, #tpu.memory_space<hbm>> -> memref<16xi32, #tpu.memory_space<hbm>>
    tpu.enqueue_dma source(%dma_start3A_99 : memref<16xi32, #tpu.memory_space<hbm>>) target(%dma_start3A_97 : memref<16xi32, #tpu.memory_space<vmem>>) target_semaphore(%arg9 : memref<!tpu.dma_semaphore, #tpu.memory_space<semaphore_mem>>)
    %add3A_100 = arith.constant 16 : i32
    %add3A_101 = arith.addi %mul3A_2, %add3A_100 : i32
    %dma_start3A_102 = arith.constant 3 : i32
    %dma_start3A_103 = arith.constant 3 : i32
    %dma_start3A_104 = arith.constant 16 : i32
    %dma_start3A_105 = tpu.memref_slice %arg6[%dma_start3A_103, %dma_start3A_104] : memref<8x32xi32, #tpu.memory_space<vmem>> -> memref<1x16xi32, #tpu.memory_space<vmem>>
    %dma_start3A_106 = tpu.memref_squeeze %dma_start3A_105 : memref<1x16xi32, #tpu.memory_space<vmem>> -> memref<16xi32, #tpu.memory_space<vmem>>
    %dma_start3A_107 = tpu.memref_slice %arg2[%dma_start3A_102, %add3A_101] : memref<4x2048xi32, #tpu.memory_space<hbm>> -> memref<1x16xi32, #tpu.memory_space<hbm>>
    %dma_start3A_108 = tpu.memref_squeeze %dma_start3A_107 : memref<1x16xi32, #tpu.memory_space<hbm>> -> memref<16xi32, #tpu.memory_space<hbm>>
    %dma_start3A_109 = arith.constant 16 : i32
    %dma_start3A_110 = tpu.memref_slice %arg6[%dma_start3A_103, %dma_start3A_109] : memref<8x32xi32, #tpu.memory_space<vmem>> -> memref<1x16xi32, #tpu.memory_space<vmem>>
    %dma_start3A_111 = tpu.memref_squeeze %dma_start3A_110 : memref<1x16xi32, #tpu.memory_space<vmem>> -> memref<16xi32, #tpu.memory_space<vmem>>
    %dma_start3A_112 = tpu.memref_slice %arg2[%dma_start3A_102, %add3A_101] : memref<4x2048xi32, #tpu.memory_space<hbm>> -> memref<1x16xi32, #tpu.memory_space<hbm>>
    %dma_start3A_113 = tpu.memref_squeeze %dma_start3A_112 : memref<1x16xi32, #tpu.memory_space<hbm>> -> memref<16xi32, #tpu.memory_space<hbm>>
    tpu.enqueue_dma source(%dma_start3A_113 : memref<16xi32, #tpu.memory_space<hbm>>) target(%dma_start3A_111 : memref<16xi32, #tpu.memory_space<vmem>>) target_semaphore(%arg9 : memref<!tpu.dma_semaphore, #tpu.memory_space<semaphore_mem>>)
    %add3A_114 = arith.constant 32 : i32
    %add3A_115 = arith.addi %mul3A_2, %add3A_114 : i32
    %dma_start3A_116 = arith.constant 0 : i32
    %dma_start3A_117 = arith.constant 4 : i32
    %dma_start3A_118 = arith.constant 0 : i32
    %dma_start3A_119 = tpu.memref_slice %arg6[%dma_start3A_117, %dma_start3A_118] : memref<8x32xi32, #tpu.memory_space<vmem>> -> memref<1x16xi32, #tpu.memory_space<vmem>>
    %dma_start3A_120 = tpu.memref_squeeze %dma_start3A_119 : memref<1x16xi32, #tpu.memory_space<vmem>> -> memref<16xi32, #tpu.memory_space<vmem>>
    %dma_start3A_121 = tpu.memref_slice %arg2[%dma_start3A_116, %add3A_115] : memref<4x2048xi32, #tpu.memory_space<hbm>> -> memref<1x16xi32, #tpu.memory_space<hbm>>
    %dma_start3A_122 = tpu.memref_squeeze %dma_start3A_121 : memref<1x16xi32, #tpu.memory_space<hbm>> -> memref<16xi32, #tpu.memory_space<hbm>>
    %dma_start3A_123 = arith.constant 0 : i32
    %dma_start3A_124 = tpu.memref_slice %arg6[%dma_start3A_117, %dma_start3A_123] : memref<8x32xi32, #tpu.memory_space<vmem>> -> memref<1x16xi32, #tpu.memory_space<vmem>>
    %dma_start3A_125 = tpu.memref_squeeze %dma_start3A_124 : memref<1x16xi32, #tpu.memory_space<vmem>> -> memref<16xi32, #tpu.memory_space<vmem>>
    %dma_start3A_126 = tpu.memref_slice %arg2[%dma_start3A_116, %add3A_115] : memref<4x2048xi32, #tpu.memory_space<hbm>> -> memref<1x16xi32, #tpu.memory_space<hbm>>
    %dma_start3A_127 = tpu.memref_squeeze %dma_start3A_126 : memref<1x16xi32, #tpu.memory_space<hbm>> -> memref<16xi32, #tpu.memory_space<hbm>>
    tpu.enqueue_dma source(%dma_start3A_127 : memref<16xi32, #tpu.memory_space<hbm>>) target(%dma_start3A_125 : memref<16xi32, #tpu.memory_space<vmem>>) target_semaphore(%arg9 : memref<!tpu.dma_semaphore, #tpu.memory_space<semaphore_mem>>)
    %add3A_128 = arith.constant 32 : i32
    %add3A_129 = arith.addi %mul3A_2, %add3A_128 : i32
    %dma_start3A_130 = arith.constant 1 : i32
    %dma_start3A_131 = arith.constant 4 : i32
    %dma_start3A_132 = arith.constant 16 : i32
    %dma_start3A_133 = tpu.memref_slice %arg6[%dma_start3A_131, %dma_start3A_132] : memref<8x32xi32, #tpu.memory_space<vmem>> -> memref<1x16xi32, #tpu.memory_space<vmem>>
    %dma_start3A_134 = tpu.memref_squeeze %dma_start3A_133 : memref<1x16xi32, #tpu.memory_space<vmem>> -> memref<16xi32, #tpu.memory_space<vmem>>
    %dma_start3A_135 = tpu.memref_slice %arg2[%dma_start3A_130, %add3A_129] : memref<4x2048xi32, #tpu.memory_space<hbm>> -> memref<1x16xi32, #tpu.memory_space<hbm>>
    %dma_start3A_136 = tpu.memref_squeeze %dma_start3A_135 : memref<1x16xi32, #tpu.memory_space<hbm>> -> memref<16xi32, #tpu.memory_space<hbm>>
    %dma_start3A_137 = arith.constant 16 : i32
    %dma_start3A_138 = tpu.memref_slice %arg6[%dma_start3A_131, %dma_start3A_137] : memref<8x32xi32, #tpu.memory_space<vmem>> -> memref<1x16xi32, #tpu.memory_space<vmem>>
    %dma_start3A_139 = tpu.memref_squeeze %dma_start3A_138 : memref<1x16xi32, #tpu.memory_space<vmem>> -> memref<16xi32, #tpu.memory_space<vmem>>
    %dma_start3A_140 = tpu.memref_slice %arg2[%dma_start3A_130, %add3A_129] : memref<4x2048xi32, #tpu.memory_space<hbm>> -> memref<1x16xi32, #tpu.memory_space<hbm>>
    %dma_start3A_141 = tpu.memref_squeeze %dma_start3A_140 : memref<1x16xi32, #tpu.memory_space<hbm>> -> memref<16xi32, #tpu.memory_space<hbm>>
    tpu.enqueue_dma source(%dma_start3A_141 : memref<16xi32, #tpu.memory_space<hbm>>) target(%dma_start3A_139 : memref<16xi32, #tpu.memory_space<vmem>>) target_semaphore(%arg9 : memref<!tpu.dma_semaphore, #tpu.memory_space<semaphore_mem>>)
    %add3A_142 = arith.constant 32 : i32
    %add3A_143 = arith.addi %mul3A_2, %add3A_142 : i32
    %dma_start3A_144 = arith.constant 2 : i32
    %dma_start3A_145 = arith.constant 5 : i32
    %dma_start3A_146 = arith.constant 0 : i32
    %dma_start3A_147 = tpu.memref_slice %arg6[%dma_start3A_145, %dma_start3A_146] : memref<8x32xi32, #tpu.memory_space<vmem>> -> memref<1x16xi32, #tpu.memory_space<vmem>>
    %dma_start3A_148 = tpu.memref_squeeze %dma_start3A_147 : memref<1x16xi32, #tpu.memory_space<vmem>> -> memref<16xi32, #tpu.memory_space<vmem>>
    %dma_start3A_149 = tpu.memref_slice %arg2[%dma_start3A_144, %add3A_143] : memref<4x2048xi32, #tpu.memory_space<hbm>> -> memref<1x16xi32, #tpu.memory_space<hbm>>
    %dma_start3A_150 = tpu.memref_squeeze %dma_start3A_149 : memref<1x16xi32, #tpu.memory_space<hbm>> -> memref<16xi32, #tpu.memory_space<hbm>>
    %dma_start3A_151 = arith.constant 0 : i32
    %dma_start3A_152 = tpu.memref_slice %arg6[%dma_start3A_145, %dma_start3A_151] : memref<8x32xi32, #tpu.memory_space<vmem>> -> memref<1x16xi32, #tpu.memory_space<vmem>>
    %dma_start3A_153 = tpu.memref_squeeze %dma_start3A_152 : memref<1x16xi32, #tpu.memory_space<vmem>> -> memref<16xi32, #tpu.memory_space<vmem>>
    %dma_start3A_154 = tpu.memref_slice %arg2[%dma_start3A_144, %add3A_143] : memref<4x2048xi32, #tpu.memory_space<hbm>> -> memref<1x16xi32, #tpu.memory_space<hbm>>
    %dma_start3A_155 = tpu.memref_squeeze %dma_start3A_154 : memref<1x16xi32, #tpu.memory_space<hbm>> -> memref<16xi32, #tpu.memory_space<hbm>>
    tpu.enqueue_dma source(%dma_start3A_155 : memref<16xi32, #tpu.memory_space<hbm>>) target(%dma_start3A_153 : memref<16xi32, #tpu.memory_space<vmem>>) target_semaphore(%arg9 : memref<!tpu.dma_semaphore, #tpu.memory_space<semaphore_mem>>)
    %add3A_156 = arith.constant 32 : i32
    %add3A_157 = arith.addi %mul3A_2, %add3A_156 : i32
    %dma_start3A_158 = arith.constant 3 : i32
    %dma_start3A_159 = arith.constant 5 : i32
    %dma_start3A_160 = arith.constant 16 : i32
    %dma_start3A_161 = tpu.memref_slice %arg6[%dma_start3A_159, %dma_start3A_160] : memref<8x32xi32, #tpu.memory_space<vmem>> -> memref<1x16xi32, #tpu.memory_space<vmem>>
    %dma_start3A_162 = tpu.memref_squeeze %dma_start3A_161 : memref<1x16xi32, #tpu.memory_space<vmem>> -> memref<16xi32, #tpu.memory_space<vmem>>
    %dma_start3A_163 = tpu.memref_slice %arg2[%dma_start3A_158, %add3A_157] : memref<4x2048xi32, #tpu.memory_space<hbm>> -> memref<1x16xi32, #tpu.memory_space<hbm>>
    %dma_start3A_164 = tpu.memref_squeeze %dma_start3A_163 : memref<1x16xi32, #tpu.memory_space<hbm>> -> memref<16xi32, #tpu.memory_space<hbm>>
    %dma_start3A_165 = arith.constant 16 : i32
    %dma_start3A_166 = tpu.memref_slice %arg6[%dma_start3A_159, %dma_start3A_165] : memref<8x32xi32, #tpu.memory_space<vmem>> -> memref<1x16xi32, #tpu.memory_space<vmem>>
    %dma_start3A_167 = tpu.memref_squeeze %dma_start3A_166 : memref<1x16xi32, #tpu.memory_space<vmem>> -> memref<16xi32, #tpu.memory_space<vmem>>
    %dma_start3A_168 = tpu.memref_slice %arg2[%dma_start3A_158, %add3A_157] : memref<4x2048xi32, #tpu.memory_space<hbm>> -> memref<1x16xi32, #tpu.memory_space<hbm>>
    %dma_start3A_169 = tpu.memref_squeeze %dma_start3A_168 : memref<1x16xi32, #tpu.memory_space<hbm>> -> memref<16xi32, #tpu.memory_space<hbm>>
    tpu.enqueue_dma source(%dma_start3A_169 : memref<16xi32, #tpu.memory_space<hbm>>) target(%dma_start3A_167 : memref<16xi32, #tpu.memory_space<vmem>>) target_semaphore(%arg9 : memref<!tpu.dma_semaphore, #tpu.memory_space<semaphore_mem>>)
    %add3A_170 = arith.constant 48 : i32
    %add3A_171 = arith.addi %mul3A_2, %add3A_170 : i32
    %dma_start3A_172 = arith.constant 0 : i32
    %dma_start3A_173 = arith.constant 6 : i32
    %dma_start3A_174 = arith.constant 0 : i32
    %dma_start3A_175 = tpu.memref_slice %arg6[%dma_start3A_173, %dma_start3A_174] : memref<8x32xi32, #tpu.memory_space<vmem>> -> memref<1x16xi32, #tpu.memory_space<vmem>>
    %dma_start3A_176 = tpu.memref_squeeze %dma_start3A_175 : memref<1x16xi32, #tpu.memory_space<vmem>> -> memref<16xi32, #tpu.memory_space<vmem>>
    %dma_start3A_177 = tpu.memref_slice %arg2[%dma_start3A_172, %add3A_171] : memref<4x2048xi32, #tpu.memory_space<hbm>> -> memref<1x16xi32, #tpu.memory_space<hbm>>
    %dma_start3A_178 = tpu.memref_squeeze %dma_start3A_177 : memref<1x16xi32, #tpu.memory_space<hbm>> -> memref<16xi32, #tpu.memory_space<hbm>>
    %dma_start3A_179 = arith.constant 0 : i32
    %dma_start3A_180 = tpu.memref_slice %arg6[%dma_start3A_173, %dma_start3A_179] : memref<8x32xi32, #tpu.memory_space<vmem>> -> memref<1x16xi32, #tpu.memory_space<vmem>>
    %dma_start3A_181 = tpu.memref_squeeze %dma_start3A_180 : memref<1x16xi32, #tpu.memory_space<vmem>> -> memref<16xi32, #tpu.memory_space<vmem>>
    %dma_start3A_182 = tpu.memref_slice %arg2[%dma_start3A_172, %add3A_171] : memref<4x2048xi32, #tpu.memory_space<hbm>> -> memref<1x16xi32, #tpu.memory_space<hbm>>
    %dma_start3A_183 = tpu.memref_squeeze %dma_start3A_182 : memref<1x16xi32, #tpu.memory_space<hbm>> -> memref<16xi32, #tpu.memory_space<hbm>>
    tpu.enqueue_dma source(%dma_start3A_183 : memref<16xi32, #tpu.memory_space<hbm>>) target(%dma_start3A_181 : memref<16xi32, #tpu.memory_space<vmem>>) target_semaphore(%arg9 : memref<!tpu.dma_semaphore, #tpu.memory_space<semaphore_mem>>)
    %add3A_184 = arith.constant 48 : i32
    %add3A_185 = arith.addi %mul3A_2, %add3A_184 : i32
    %dma_start3A_186 = arith.constant 1 : i32
    %dma_start3A_187 = arith.constant 6 : i32
    %dma_start3A_188 = arith.constant 16 : i32
    %dma_start3A_189 = tpu.memref_slice %arg6[%dma_start3A_187, %dma_start3A_188] : memref<8x32xi32, #tpu.memory_space<vmem>> -> memref<1x16xi32, #tpu.memory_space<vmem>>
    %dma_start3A_190 = tpu.memref_squeeze %dma_start3A_189 : memref<1x16xi32, #tpu.memory_space<vmem>> -> memref<16xi32, #tpu.memory_space<vmem>>
    %dma_start3A_191 = tpu.memref_slice %arg2[%dma_start3A_186, %add3A_185] : memref<4x2048xi32, #tpu.memory_space<hbm>> -> memref<1x16xi32, #tpu.memory_space<hbm>>
    %dma_start3A_192 = tpu.memref_squeeze %dma_start3A_191 : memref<1x16xi32, #tpu.memory_space<hbm>> -> memref<16xi32, #tpu.memory_space<hbm>>
    %dma_start3A_193 = arith.constant 16 : i32
    %dma_start3A_194 = tpu.memref_slice %arg6[%dma_start3A_187, %dma_start3A_193] : memref<8x32xi32, #tpu.memory_space<vmem>> -> memref<1x16xi32, #tpu.memory_space<vmem>>
    %dma_start3A_195 = tpu.memref_squeeze %dma_start3A_194 : memref<1x16xi32, #tpu.memory_space<vmem>> -> memref<16xi32, #tpu.memory_space<vmem>>
    %dma_start3A_196 = tpu.memref_slice %arg2[%dma_start3A_186, %add3A_185] : memref<4x2048xi32, #tpu.memory_space<hbm>> -> memref<1x16xi32, #tpu.memory_space<hbm>>
    %dma_start3A_197 = tpu.memref_squeeze %dma_start3A_196 : memref<1x16xi32, #tpu.memory_space<hbm>> -> memref<16xi32, #tpu.memory_space<hbm>>
    tpu.enqueue_dma source(%dma_start3A_197 : memref<16xi32, #tpu.memory_space<hbm>>) target(%dma_start3A_195 : memref<16xi32, #tpu.memory_space<vmem>>) target_semaphore(%arg9 : memref<!tpu.dma_semaphore, #tpu.memory_space<semaphore_mem>>)
    %add3A_198 = arith.constant 48 : i32
    %add3A_199 = arith.addi %mul3A_2, %add3A_198 : i32
    %dma_start3A_200 = arith.constant 2 : i32
    %dma_start3A_201 = arith.constant 7 : i32
    %dma_start3A_202 = arith.constant 0 : i32
    %dma_start3A_203 = tpu.memref_slice %arg6[%dma_start3A_201, %dma_start3A_202] : memref<8x32xi32, #tpu.memory_space<vmem>> -> memref<1x16xi32, #tpu.memory_space<vmem>>
    %dma_start3A_204 = tpu.memref_squeeze %dma_start3A_203 : memref<1x16xi32, #tpu.memory_space<vmem>> -> memref<16xi32, #tpu.memory_space<vmem>>
    %dma_start3A_205 = tpu.memref_slice %arg2[%dma_start3A_200, %add3A_199] : memref<4x2048xi32, #tpu.memory_space<hbm>> -> memref<1x16xi32, #tpu.memory_space<hbm>>
    %dma_start3A_206 = tpu.memref_squeeze %dma_start3A_205 : memref<1x16xi32, #tpu.memory_space<hbm>> -> memref<16xi32, #tpu.memory_space<hbm>>
    %dma_start3A_207 = arith.constant 0 : i32
    %dma_start3A_208 = tpu.memref_slice %arg6[%dma_start3A_201, %dma_start3A_207] : memref<8x32xi32, #tpu.memory_space<vmem>> -> memref<1x16xi32, #tpu.memory_space<vmem>>
    %dma_start3A_209 = tpu.memref_squeeze %dma_start3A_208 : memref<1x16xi32, #tpu.memory_space<vmem>> -> memref<16xi32, #tpu.memory_space<vmem>>
    %dma_start3A_210 = tpu.memref_slice %arg2[%dma_start3A_200, %add3A_199] : memref<4x2048xi32, #tpu.memory_space<hbm>> -> memref<1x16xi32, #tpu.memory_space<hbm>>
    %dma_start3A_211 = tpu.memref_squeeze %dma_start3A_210 : memref<1x16xi32, #tpu.memory_space<hbm>> -> memref<16xi32, #tpu.memory_space<hbm>>
    tpu.enqueue_dma source(%dma_start3A_211 : memref<16xi32, #tpu.memory_space<hbm>>) target(%dma_start3A_209 : memref<16xi32, #tpu.memory_space<vmem>>) target_semaphore(%arg9 : memref<!tpu.dma_semaphore, #tpu.memory_space<semaphore_mem>>)
    %add3A_212 = arith.constant 48 : i32
    %add3A_213 = arith.addi %mul3A_2, %add3A_212 : i32
    %dma_start3A_214 = arith.constant 3 : i32
    %dma_start3A_215 = arith.constant 7 : i32
    %dma_start3A_216 = arith.constant 16 : i32
    %dma_start3A_217 = tpu.memref_slice %arg6[%dma_start3A_215, %dma_start3A_216] : memref<8x32xi32, #tpu.memory_space<vmem>> -> memref<1x16xi32, #tpu.memory_space<vmem>>
    %dma_start3A_218 = tpu.memref_squeeze %dma_start3A_217 : memref<1x16xi32, #tpu.memory_space<vmem>> -> memref<16xi32, #tpu.memory_space<vmem>>
    %dma_start3A_219 = tpu.memref_slice %arg2[%dma_start3A_214, %add3A_213] : memref<4x2048xi32, #tpu.memory_space<hbm>> -> memref<1x16xi32, #tpu.memory_space<hbm>>
    %dma_start3A_220 = tpu.memref_squeeze %dma_start3A_219 : memref<1x16xi32, #tpu.memory_space<hbm>> -> memref<16xi32, #tpu.memory_space<hbm>>
    %dma_start3A_221 = arith.constant 16 : i32
    %dma_start3A_222 = tpu.memref_slice %arg6[%dma_start3A_215, %dma_start3A_221] : memref<8x32xi32, #tpu.memory_space<vmem>> -> memref<1x16xi32, #tpu.memory_space<vmem>>
    %dma_start3A_223 = tpu.memref_squeeze %dma_start3A_222 : memref<1x16xi32, #tpu.memory_space<vmem>> -> memref<16xi32, #tpu.memory_space<vmem>>
    %dma_start3A_224 = tpu.memref_slice %arg2[%dma_start3A_214, %add3A_213] : memref<4x2048xi32, #tpu.memory_space<hbm>> -> memref<1x16xi32, #tpu.memory_space<hbm>>
    %dma_start3A_225 = tpu.memref_squeeze %dma_start3A_224 : memref<1x16xi32, #tpu.memory_space<hbm>> -> memref<16xi32, #tpu.memory_space<hbm>>
    tpu.enqueue_dma source(%dma_start3A_225 : memref<16xi32, #tpu.memory_space<hbm>>) target(%dma_start3A_223 : memref<16xi32, #tpu.memory_space<vmem>>) target_semaphore(%arg9 : memref<!tpu.dma_semaphore, #tpu.memory_space<semaphore_mem>>)
    %add3A_226 = arith.constant 0 : i32
    %add3A_227 = arith.addi %mul3A_2, %add3A_226 : i32
    %dma_start3A_228 = arith.constant 0 : i32
    %dma_start3A_229 = arith.constant 0 : i32
    %dma_start3A_230 = arith.constant 0 : i32
    %dma_start3A_231 = tpu.memref_slice %arg8[%dma_start3A_228, %dma_start3A_229, %dma_start3A_230] : memref<2x16x768xf32, #tpu.memory_space<vmem>> -> memref<1x16x768xf32, #tpu.memory_space<vmem>>
    %dma_start3A_232 = tpu.memref_squeeze %dma_start3A_231 : memref<1x16x768xf32, #tpu.memory_space<vmem>> -> memref<16x768xf32, #tpu.memory_space<vmem>>
    %dma_start3A_233 = arith.constant 0 : i32
    %dma_start3A_234 = tpu.memref_slice %arg4[%add3A_227, %dma_start3A_233] : memref<2048x768xf32, #tpu.memory_space<hbm>> -> memref<16x768xf32, #tpu.memory_space<hbm>>
    %dma_start3A_235 = arith.constant 0 : i32
    %dma_start3A_236 = arith.constant 0 : i32
    %dma_start3A_237 = tpu.memref_slice %arg8[%dma_start3A_228, %dma_start3A_235, %dma_start3A_236] : memref<2x16x768xf32, #tpu.memory_space<vmem>> -> memref<1x16x768xf32, #tpu.memory_space<vmem>>
    %dma_start3A_238 = tpu.memref_squeeze %dma_start3A_237 : memref<1x16x768xf32, #tpu.memory_space<vmem>> -> memref<16x768xf32, #tpu.memory_space<vmem>>
    %dma_start3A_239 = arith.constant 0 : i32
    %dma_start3A_240 = tpu.memref_slice %arg4[%add3A_227, %dma_start3A_239] : memref<2048x768xf32, #tpu.memory_space<hbm>> -> memref<16x768xf32, #tpu.memory_space<hbm>>
    tpu.enqueue_dma source(%dma_start3A_240 : memref<16x768xf32, #tpu.memory_space<hbm>>) target(%dma_start3A_238 : memref<16x768xf32, #tpu.memory_space<vmem>>) target_semaphore(%arg10 : memref<!tpu.dma_semaphore, #tpu.memory_space<semaphore_mem>>)
    %add3A_241 = arith.constant 16 : i32
    %add3A_242 = arith.addi %mul3A_2, %add3A_241 : i32
    %dma_start3A_243 = arith.constant 1 : i32
    %dma_start3A_244 = arith.constant 0 : i32
    %dma_start3A_245 = arith.constant 0 : i32
    %dma_start3A_246 = tpu.memref_slice %arg8[%dma_start3A_243, %dma_start3A_244, %dma_start3A_245] : memref<2x16x768xf32, #tpu.memory_space<vmem>> -> memref<1x16x768xf32, #tpu.memory_space<vmem>>
    %dma_start3A_247 = tpu.memref_squeeze %dma_start3A_246 : memref<1x16x768xf32, #tpu.memory_space<vmem>> -> memref<16x768xf32, #tpu.memory_space<vmem>>
    %dma_start3A_248 = arith.constant 0 : i32
    %dma_start3A_249 = tpu.memref_slice %arg4[%add3A_242, %dma_start3A_248] : memref<2048x768xf32, #tpu.memory_space<hbm>> -> memref<16x768xf32, #tpu.memory_space<hbm>>
    %dma_start3A_250 = arith.constant 0 : i32
    %dma_start3A_251 = arith.constant 0 : i32
    %dma_start3A_252 = tpu.memref_slice %arg8[%dma_start3A_243, %dma_start3A_250, %dma_start3A_251] : memref<2x16x768xf32, #tpu.memory_space<vmem>> -> memref<1x16x768xf32, #tpu.memory_space<vmem>>
    %dma_start3A_253 = tpu.memref_squeeze %dma_start3A_252 : memref<1x16x768xf32, #tpu.memory_space<vmem>> -> memref<16x768xf32, #tpu.memory_space<vmem>>
    %dma_start3A_254 = arith.constant 0 : i32
    %dma_start3A_255 = tpu.memref_slice %arg4[%add3A_242, %dma_start3A_254] : memref<2048x768xf32, #tpu.memory_space<hbm>> -> memref<16x768xf32, #tpu.memory_space<hbm>>
    tpu.enqueue_dma source(%dma_start3A_255 : memref<16x768xf32, #tpu.memory_space<hbm>>) target(%dma_start3A_253 : memref<16x768xf32, #tpu.memory_space<vmem>>) target_semaphore(%arg10 : memref<!tpu.dma_semaphore, #tpu.memory_space<semaphore_mem>>)
    %dma_wait3A = arith.constant 0 : i32
    %dma_wait3A_256 = arith.constant 0 : i32
    %dma_wait3A_257 = arith.constant 0 : i32
    %dma_wait3A_258 = tpu.memref_slice %arg6[%dma_wait3A_256, %dma_wait3A_257] : memref<8x32xi32, #tpu.memory_space<vmem>> -> memref<1x16xi32, #tpu.memory_space<vmem>>
    %dma_wait3A_259 = tpu.memref_squeeze %dma_wait3A_258 : memref<1x16xi32, #tpu.memory_space<vmem>> -> memref<16xi32, #tpu.memory_space<vmem>>
    %dma_wait3A_260 = tpu.memref_slice %arg2[%dma_wait3A, %add3A_4] : memref<4x2048xi32, #tpu.memory_space<hbm>> -> memref<1x16xi32, #tpu.memory_space<hbm>>
    %dma_wait3A_261 = tpu.memref_squeeze %dma_wait3A_260 : memref<1x16xi32, #tpu.memory_space<hbm>> -> memref<16xi32, #tpu.memory_space<hbm>>
    %dma_wait3A_262 = arith.constant 0 : i32
    %dma_wait3A_263 = tpu.memref_slice %arg6[%dma_wait3A_256, %dma_wait3A_262] : memref<8x32xi32, #tpu.memory_space<vmem>> -> memref<1x16xi32, #tpu.memory_space<vmem>>
    %dma_wait3A_264 = tpu.memref_squeeze %dma_wait3A_263 : memref<1x16xi32, #tpu.memory_space<vmem>> -> memref<16xi32, #tpu.memory_space<vmem>>
    %dma_wait3A_265 = tpu.memref_slice %arg2[%dma_wait3A, %add3A_4] : memref<4x2048xi32, #tpu.memory_space<hbm>> -> memref<1x16xi32, #tpu.memory_space<hbm>>
    %dma_wait3A_266 = tpu.memref_squeeze %dma_wait3A_265 : memref<1x16xi32, #tpu.memory_space<hbm>> -> memref<16xi32, #tpu.memory_space<hbm>>
    tpu.wait_dma2 semaphore(%arg9 : memref<!tpu.dma_semaphore, #tpu.memory_space<semaphore_mem>>) src(%dma_wait3A_266 : memref<16xi32, #tpu.memory_space<hbm>>) dst(%dma_wait3A_264 : memref<16xi32, #tpu.memory_space<vmem>>)
    %dma_wait3A_267 = arith.constant 1 : i32
    %dma_wait3A_268 = arith.constant 0 : i32
    %dma_wait3A_269 = arith.constant 16 : i32
    %dma_wait3A_270 = tpu.memref_slice %arg6[%dma_wait3A_268, %dma_wait3A_269] : memref<8x32xi32, #tpu.memory_space<vmem>> -> memref<1x16xi32, #tpu.memory_space<vmem>>
    %dma_wait3A_271 = tpu.memref_squeeze %dma_wait3A_270 : memref<1x16xi32, #tpu.memory_space<vmem>> -> memref<16xi32, #tpu.memory_space<vmem>>
    %dma_wait3A_272 = tpu.memref_slice %arg2[%dma_wait3A_267, %add3A_17] : memref<4x2048xi32, #tpu.memory_space<hbm>> -> memref<1x16xi32, #tpu.memory_space<hbm>>
    %dma_wait3A_273 = tpu.memref_squeeze %dma_wait3A_272 : memref<1x16xi32, #tpu.memory_space<hbm>> -> memref<16xi32, #tpu.memory_space<hbm>>
    %dma_wait3A_274 = arith.constant 16 : i32
    %dma_wait3A_275 = tpu.memref_slice %arg6[%dma_wait3A_268, %dma_wait3A_274] : memref<8x32xi32, #tpu.memory_space<vmem>> -> memref<1x16xi32, #tpu.memory_space<vmem>>
    %dma_wait3A_276 = tpu.memref_squeeze %dma_wait3A_275 : memref<1x16xi32, #tpu.memory_space<vmem>> -> memref<16xi32, #tpu.memory_space<vmem>>
    %dma_wait3A_277 = tpu.memref_slice %arg2[%dma_wait3A_267, %add3A_17] : memref<4x2048xi32, #tpu.memory_space<hbm>> -> memref<1x16xi32, #tpu.memory_space<hbm>>
    %dma_wait3A_278 = tpu.memref_squeeze %dma_wait3A_277 : memref<1x16xi32, #tpu.memory_space<hbm>> -> memref<16xi32, #tpu.memory_space<hbm>>
    tpu.wait_dma2 semaphore(%arg9 : memref<!tpu.dma_semaphore, #tpu.memory_space<semaphore_mem>>) src(%dma_wait3A_278 : memref<16xi32, #tpu.memory_space<hbm>>) dst(%dma_wait3A_276 : memref<16xi32, #tpu.memory_space<vmem>>)
    %dma_start3A_279 = arith.constant 0 : i32
    %dma_start3A_280 = arith.constant 0 : i32
    %dma_start3A_281 = arith.constant 0 : i32
    %dma_start3A_282 = arith.constant 0 : i32
    %dma_start3A_283 = tpu.memref_slice %arg7[%dma_start3A_280, %dma_start3A_281, %dma_start3A_282] : memref<4x32x768xf32, #tpu.memory_space<vmem>> -> memref<1x32x768xf32, #tpu.memory_space<vmem>>
    %dma_start3A_284 = tpu.memref_squeeze %dma_start3A_283 : memref<1x32x768xf32, #tpu.memory_space<vmem>> -> memref<32x768xf32, #tpu.memory_space<vmem>>
    %dma_start3A_285 = arith.constant 0 : i32
    %dma_start3A_286 = tpu.memref_slice %arg6[%dma_start3A_279, %dma_start3A_285] : memref<8x32xi32, #tpu.memory_space<vmem>> -> memref<1x32xi32, #tpu.memory_space<vmem>>
    %dma_start3A_287 = tpu.memref_squeeze %dma_start3A_286 : memref<1x32xi32, #tpu.memory_space<vmem>> -> memref<32xi32, #tpu.memory_space<vmem>>
    %dma_start3A_288 = arith.constant 0 : i32
    %dma_start3A_289 = arith.constant 0 : i32
    %dma_start3A_290 = tpu.memref_slice %arg3[%dma_start3A_288, %dma_start3A_289] : memref<50257x768xf32, #tpu.memory_space<hbm>> -> memref<50257x768xf32, #tpu.memory_space<hbm>>
    tpu.enqueue_indirect_dma source(%dma_start3A_290 : memref<50257x768xf32, #tpu.memory_space<hbm>>) target(%dma_start3A_284 : memref<32x768xf32, #tpu.memory_space<vmem>>) offsets(%dma_start3A_287 : memref<32xi32, #tpu.memory_space<vmem>>) semaphore(%arg11 : memref<!tpu.dma_semaphore, #tpu.memory_space<semaphore_mem>>)
    %dma_wait3A_291 = arith.constant 2 : i32
    %dma_wait3A_292 = arith.constant 1 : i32
    %dma_wait3A_293 = arith.constant 0 : i32
    %dma_wait3A_294 = tpu.memref_slice %arg6[%dma_wait3A_292, %dma_wait3A_293] : memref<8x32xi32, #tpu.memory_space<vmem>> -> memref<1x16xi32, #tpu.memory_space<vmem>>
    %dma_wait3A_295 = tpu.memref_squeeze %dma_wait3A_294 : memref<1x16xi32, #tpu.memory_space<vmem>> -> memref<16xi32, #tpu.memory_space<vmem>>
    %dma_wait3A_296 = tpu.memref_slice %arg2[%dma_wait3A_291, %add3A_31] : memref<4x2048xi32, #tpu.memory_space<hbm>> -> memref<1x16xi32, #tpu.memory_space<hbm>>
    %dma_wait3A_297 = tpu.memref_squeeze %dma_wait3A_296 : memref<1x16xi32, #tpu.memory_space<hbm>> -> memref<16xi32, #tpu.memory_space<hbm>>
    %dma_wait3A_298 = arith.constant 0 : i32
    %dma_wait3A_299 = tpu.memref_slice %arg6[%dma_wait3A_292, %dma_wait3A_298] : memref<8x32xi32, #tpu.memory_space<vmem>> -> memref<1x16xi32, #tpu.memory_space<vmem>>
    %dma_wait3A_300 = tpu.memref_squeeze %dma_wait3A_299 : memref<1x16xi32, #tpu.memory_space<vmem>> -> memref<16xi32, #tpu.memory_space<vmem>>
    %dma_wait3A_301 = tpu.memref_slice %arg2[%dma_wait3A_291, %add3A_31] : memref<4x2048xi32, #tpu.memory_space<hbm>> -> memref<1x16xi32, #tpu.memory_space<hbm>>
    %dma_wait3A_302 = tpu.memref_squeeze %dma_wait3A_301 : memref<1x16xi32, #tpu.memory_space<hbm>> -> memref<16xi32, #tpu.memory_space<hbm>>
    tpu.wait_dma2 semaphore(%arg9 : memref<!tpu.dma_semaphore, #tpu.memory_space<semaphore_mem>>) src(%dma_wait3A_302 : memref<16xi32, #tpu.memory_space<hbm>>) dst(%dma_wait3A_300 : memref<16xi32, #tpu.memory_space<vmem>>)
    %dma_wait3A_303 = arith.constant 3 : i32
    %dma_wait3A_304 = arith.constant 1 : i32
    %dma_wait3A_305 = arith.constant 16 : i32
    %dma_wait3A_306 = tpu.memref_slice %arg6[%dma_wait3A_304, %dma_wait3A_305] : memref<8x32xi32, #tpu.memory_space<vmem>> -> memref<1x16xi32, #tpu.memory_space<vmem>>
    %dma_wait3A_307 = tpu.memref_squeeze %dma_wait3A_306 : memref<1x16xi32, #tpu.memory_space<vmem>> -> memref<16xi32, #tpu.memory_space<vmem>>
    %dma_wait3A_308 = tpu.memref_slice %arg2[%dma_wait3A_303, %add3A_45] : memref<4x2048xi32, #tpu.memory_space<hbm>> -> memref<1x16xi32, #tpu.memory_space<hbm>>
    %dma_wait3A_309 = tpu.memref_squeeze %dma_wait3A_308 : memref<1x16xi32, #tpu.memory_space<hbm>> -> memref<16xi32, #tpu.memory_space<hbm>>
    %dma_wait3A_310 = arith.constant 16 : i32
    %dma_wait3A_311 = tpu.memref_slice %arg6[%dma_wait3A_304, %dma_wait3A_310] : memref<8x32xi32, #tpu.memory_space<vmem>> -> memref<1x16xi32, #tpu.memory_space<vmem>>
    %dma_wait3A_312 = tpu.memref_squeeze %dma_wait3A_311 : memref<1x16xi32, #tpu.memory_space<vmem>> -> memref<16xi32, #tpu.memory_space<vmem>>
    %dma_wait3A_313 = tpu.memref_slice %arg2[%dma_wait3A_303, %add3A_45] : memref<4x2048xi32, #tpu.memory_space<hbm>> -> memref<1x16xi32, #tpu.memory_space<hbm>>
    %dma_wait3A_314 = tpu.memref_squeeze %dma_wait3A_313 : memref<1x16xi32, #tpu.memory_space<hbm>> -> memref<16xi32, #tpu.memory_space<hbm>>
    tpu.wait_dma2 semaphore(%arg9 : memref<!tpu.dma_semaphore, #tpu.memory_space<semaphore_mem>>) src(%dma_wait3A_314 : memref<16xi32, #tpu.memory_space<hbm>>) dst(%dma_wait3A_312 : memref<16xi32, #tpu.memory_space<vmem>>)
    %dma_start3A_315 = arith.constant 1 : i32
    %dma_start3A_316 = arith.constant 1 : i32
    %dma_start3A_317 = arith.constant 0 : i32
    %dma_start3A_318 = arith.constant 0 : i32
    %dma_start3A_319 = tpu.memref_slice %arg7[%dma_start3A_316, %dma_start3A_317, %dma_start3A_318] : memref<4x32x768xf32, #tpu.memory_space<vmem>> -> memref<1x32x768xf32, #tpu.memory_space<vmem>>
    %dma_start3A_320 = tpu.memref_squeeze %dma_start3A_319 : memref<1x32x768xf32, #tpu.memory_space<vmem>> -> memref<32x768xf32, #tpu.memory_space<vmem>>
    %dma_start3A_321 = arith.constant 0 : i32
    %dma_start3A_322 = tpu.memref_slice %arg6[%dma_start3A_315, %dma_start3A_321] : memref<8x32xi32, #tpu.memory_space<vmem>> -> memref<1x32xi32, #tpu.memory_space<vmem>>
    %dma_start3A_323 = tpu.memref_squeeze %dma_start3A_322 : memref<1x32xi32, #tpu.memory_space<vmem>> -> memref<32xi32, #tpu.memory_space<vmem>>
    %dma_start3A_324 = arith.constant 0 : i32
    %dma_start3A_325 = arith.constant 0 : i32
    %dma_start3A_326 = tpu.memref_slice %arg3[%dma_start3A_324, %dma_start3A_325] : memref<50257x768xf32, #tpu.memory_space<hbm>> -> memref<50257x768xf32, #tpu.memory_space<hbm>>
    tpu.enqueue_indirect_dma source(%dma_start3A_326 : memref<50257x768xf32, #tpu.memory_space<hbm>>) target(%dma_start3A_320 : memref<32x768xf32, #tpu.memory_space<vmem>>) offsets(%dma_start3A_323 : memref<32xi32, #tpu.memory_space<vmem>>) semaphore(%arg11 : memref<!tpu.dma_semaphore, #tpu.memory_space<semaphore_mem>>)
    %dma_wait3A_327 = arith.constant 0 : i32
    %dma_wait3A_328 = arith.constant 2 : i32
    %dma_wait3A_329 = arith.constant 0 : i32
    %dma_wait3A_330 = tpu.memref_slice %arg6[%dma_wait3A_328, %dma_wait3A_329] : memref<8x32xi32, #tpu.memory_space<vmem>> -> memref<1x16xi32, #tpu.memory_space<vmem>>
    %dma_wait3A_331 = tpu.memref_squeeze %dma_wait3A_330 : memref<1x16xi32, #tpu.memory_space<vmem>> -> memref<16xi32, #tpu.memory_space<vmem>>
    %dma_wait3A_332 = tpu.memref_slice %arg2[%dma_wait3A_327, %add3A_59] : memref<4x2048xi32, #tpu.memory_space<hbm>> -> memref<1x16xi32, #tpu.memory_space<hbm>>
    %dma_wait3A_333 = tpu.memref_squeeze %dma_wait3A_332 : memref<1x16xi32, #tpu.memory_space<hbm>> -> memref<16xi32, #tpu.memory_space<hbm>>
    %dma_wait3A_334 = arith.constant 0 : i32
    %dma_wait3A_335 = tpu.memref_slice %arg6[%dma_wait3A_328, %dma_wait3A_334] : memref<8x32xi32, #tpu.memory_space<vmem>> -> memref<1x16xi32, #tpu.memory_space<vmem>>
    %dma_wait3A_336 = tpu.memref_squeeze %dma_wait3A_335 : memref<1x16xi32, #tpu.memory_space<vmem>> -> memref<16xi32, #tpu.memory_space<vmem>>
    %dma_wait3A_337 = tpu.memref_slice %arg2[%dma_wait3A_327, %add3A_59] : memref<4x2048xi32, #tpu.memory_space<hbm>> -> memref<1x16xi32, #tpu.memory_space<hbm>>
    %dma_wait3A_338 = tpu.memref_squeeze %dma_wait3A_337 : memref<1x16xi32, #tpu.memory_space<hbm>> -> memref<16xi32, #tpu.memory_space<hbm>>
    tpu.wait_dma2 semaphore(%arg9 : memref<!tpu.dma_semaphore, #tpu.memory_space<semaphore_mem>>) src(%dma_wait3A_338 : memref<16xi32, #tpu.memory_space<hbm>>) dst(%dma_wait3A_336 : memref<16xi32, #tpu.memory_space<vmem>>)
    %dma_wait3A_339 = arith.constant 1 : i32
    %dma_wait3A_340 = arith.constant 2 : i32
    %dma_wait3A_341 = arith.constant 16 : i32
    %dma_wait3A_342 = tpu.memref_slice %arg6[%dma_wait3A_340, %dma_wait3A_341] : memref<8x32xi32, #tpu.memory_space<vmem>> -> memref<1x16xi32, #tpu.memory_space<vmem>>
    %dma_wait3A_343 = tpu.memref_squeeze %dma_wait3A_342 : memref<1x16xi32, #tpu.memory_space<vmem>> -> memref<16xi32, #tpu.memory_space<vmem>>
    %dma_wait3A_344 = tpu.memref_slice %arg2[%dma_wait3A_339, %add3A_73] : memref<4x2048xi32, #tpu.memory_space<hbm>> -> memref<1x16xi32, #tpu.memory_space<hbm>>
    %dma_wait3A_345 = tpu.memref_squeeze %dma_wait3A_344 : memref<1x16xi32, #tpu.memory_space<hbm>> -> memref<16xi32, #tpu.memory_space<hbm>>
    %dma_wait3A_346 = arith.constant 16 : i32
    %dma_wait3A_347 = tpu.memref_slice %arg6[%dma_wait3A_340, %dma_wait3A_346] : memref<8x32xi32, #tpu.memory_space<vmem>> -> memref<1x16xi32, #tpu.memory_space<vmem>>
    %dma_wait3A_348 = tpu.memref_squeeze %dma_wait3A_347 : memref<1x16xi32, #tpu.memory_space<vmem>> -> memref<16xi32, #tpu.memory_space<vmem>>
    %dma_wait3A_349 = tpu.memref_slice %arg2[%dma_wait3A_339, %add3A_73] : memref<4x2048xi32, #tpu.memory_space<hbm>> -> memref<1x16xi32, #tpu.memory_space<hbm>>
    %dma_wait3A_350 = tpu.memref_squeeze %dma_wait3A_349 : memref<1x16xi32, #tpu.memory_space<hbm>> -> memref<16xi32, #tpu.memory_space<hbm>>
    tpu.wait_dma2 semaphore(%arg9 : memref<!tpu.dma_semaphore, #tpu.memory_space<semaphore_mem>>) src(%dma_wait3A_350 : memref<16xi32, #tpu.memory_space<hbm>>) dst(%dma_wait3A_348 : memref<16xi32, #tpu.memory_space<vmem>>)
    %dma_start3A_351 = arith.constant 2 : i32
    %dma_start3A_352 = arith.constant 2 : i32
    %dma_start3A_353 = arith.constant 0 : i32
    %dma_start3A_354 = arith.constant 0 : i32
    %dma_start3A_355 = tpu.memref_slice %arg7[%dma_start3A_352, %dma_start3A_353, %dma_start3A_354] : memref<4x32x768xf32, #tpu.memory_space<vmem>> -> memref<1x32x768xf32, #tpu.memory_space<vmem>>
    %dma_start3A_356 = tpu.memref_squeeze %dma_start3A_355 : memref<1x32x768xf32, #tpu.memory_space<vmem>> -> memref<32x768xf32, #tpu.memory_space<vmem>>
    %dma_start3A_357 = arith.constant 0 : i32
    %dma_start3A_358 = tpu.memref_slice %arg6[%dma_start3A_351, %dma_start3A_357] : memref<8x32xi32, #tpu.memory_space<vmem>> -> memref<1x32xi32, #tpu.memory_space<vmem>>
    %dma_start3A_359 = tpu.memref_squeeze %dma_start3A_358 : memref<1x32xi32, #tpu.memory_space<vmem>> -> memref<32xi32, #tpu.memory_space<vmem>>
    %dma_start3A_360 = arith.constant 0 : i32
    %dma_start3A_361 = arith.constant 0 : i32
    %dma_start3A_362 = tpu.memref_slice %arg3[%dma_start3A_360, %dma_start3A_361] : memref<50257x768xf32, #tpu.memory_space<hbm>> -> memref<50257x768xf32, #tpu.memory_space<hbm>>
    tpu.enqueue_indirect_dma source(%dma_start3A_362 : memref<50257x768xf32, #tpu.memory_space<hbm>>) target(%dma_start3A_356 : memref<32x768xf32, #tpu.memory_space<vmem>>) offsets(%dma_start3A_359 : memref<32xi32, #tpu.memory_space<vmem>>) semaphore(%arg11 : memref<!tpu.dma_semaphore, #tpu.memory_space<semaphore_mem>>)
    %dma_wait3A_363 = arith.constant 2 : i32
    %dma_wait3A_364 = arith.constant 3 : i32
    %dma_wait3A_365 = arith.constant 0 : i32
    %dma_wait3A_366 = tpu.memref_slice %arg6[%dma_wait3A_364, %dma_wait3A_365] : memref<8x32xi32, #tpu.memory_space<vmem>> -> memref<1x16xi32, #tpu.memory_space<vmem>>
    %dma_wait3A_367 = tpu.memref_squeeze %dma_wait3A_366 : memref<1x16xi32, #tpu.memory_space<vmem>> -> memref<16xi32, #tpu.memory_space<vmem>>
    %dma_wait3A_368 = tpu.memref_slice %arg2[%dma_wait3A_363, %add3A_87] : memref<4x2048xi32, #tpu.memory_space<hbm>> -> memref<1x16xi32, #tpu.memory_space<hbm>>
    %dma_wait3A_369 = tpu.memref_squeeze %dma_wait3A_368 : memref<1x16xi32, #tpu.memory_space<hbm>> -> memref<16xi32, #tpu.memory_space<hbm>>
    %dma_wait3A_370 = arith.constant 0 : i32
    %dma_wait3A_371 = tpu.memref_slice %arg6[%dma_wait3A_364, %dma_wait3A_370] : memref<8x32xi32, #tpu.memory_space<vmem>> -> memref<1x16xi32, #tpu.memory_space<vmem>>
    %dma_wait3A_372 = tpu.memref_squeeze %dma_wait3A_371 : memref<1x16xi32, #tpu.memory_space<vmem>> -> memref<16xi32, #tpu.memory_space<vmem>>
    %dma_wait3A_373 = tpu.memref_slice %arg2[%dma_wait3A_363, %add3A_87] : memref<4x2048xi32, #tpu.memory_space<hbm>> -> memref<1x16xi32, #tpu.memory_space<hbm>>
    %dma_wait3A_374 = tpu.memref_squeeze %dma_wait3A_373 : memref<1x16xi32, #tpu.memory_space<hbm>> -> memref<16xi32, #tpu.memory_space<hbm>>
    tpu.wait_dma2 semaphore(%arg9 : memref<!tpu.dma_semaphore, #tpu.memory_space<semaphore_mem>>) src(%dma_wait3A_374 : memref<16xi32, #tpu.memory_space<hbm>>) dst(%dma_wait3A_372 : memref<16xi32, #tpu.memory_space<vmem>>)
    %dma_wait3A_375 = arith.constant 3 : i32
    %dma_wait3A_376 = arith.constant 3 : i32
    %dma_wait3A_377 = arith.constant 16 : i32
    %dma_wait3A_378 = tpu.memref_slice %arg6[%dma_wait3A_376, %dma_wait3A_377] : memref<8x32xi32, #tpu.memory_space<vmem>> -> memref<1x16xi32, #tpu.memory_space<vmem>>
    %dma_wait3A_379 = tpu.memref_squeeze %dma_wait3A_378 : memref<1x16xi32, #tpu.memory_space<vmem>> -> memref<16xi32, #tpu.memory_space<vmem>>
    %dma_wait3A_380 = tpu.memref_slice %arg2[%dma_wait3A_375, %add3A_101] : memref<4x2048xi32, #tpu.memory_space<hbm>> -> memref<1x16xi32, #tpu.memory_space<hbm>>
    %dma_wait3A_381 = tpu.memref_squeeze %dma_wait3A_380 : memref<1x16xi32, #tpu.memory_space<hbm>> -> memref<16xi32, #tpu.memory_space<hbm>>
    %dma_wait3A_382 = arith.constant 16 : i32
    %dma_wait3A_383 = tpu.memref_slice %arg6[%dma_wait3A_376, %dma_wait3A_382] : memref<8x32xi32, #tpu.memory_space<vmem>> -> memref<1x16xi32, #tpu.memory_space<vmem>>
    %dma_wait3A_384 = tpu.memref_squeeze %dma_wait3A_383 : memref<1x16xi32, #tpu.memory_space<vmem>> -> memref<16xi32, #tpu.memory_space<vmem>>
    %dma_wait3A_385 = tpu.memref_slice %arg2[%dma_wait3A_375, %add3A_101] : memref<4x2048xi32, #tpu.memory_space<hbm>> -> memref<1x16xi32, #tpu.memory_space<hbm>>
    %dma_wait3A_386 = tpu.memref_squeeze %dma_wait3A_385 : memref<1x16xi32, #tpu.memory_space<hbm>> -> memref<16xi32, #tpu.memory_space<hbm>>
    tpu.wait_dma2 semaphore(%arg9 : memref<!tpu.dma_semaphore, #tpu.memory_space<semaphore_mem>>) src(%dma_wait3A_386 : memref<16xi32, #tpu.memory_space<hbm>>) dst(%dma_wait3A_384 : memref<16xi32, #tpu.memory_space<vmem>>)
    %dma_wait3A_387 = arith.constant 0 : i32
    %dma_wait3A_388 = arith.constant 4 : i32
    %dma_wait3A_389 = arith.constant 0 : i32
    %dma_wait3A_390 = tpu.memref_slice %arg6[%dma_wait3A_388, %dma_wait3A_389] : memref<8x32xi32, #tpu.memory_space<vmem>> -> memref<1x16xi32, #tpu.memory_space<vmem>>
    %dma_wait3A_391 = tpu.memref_squeeze %dma_wait3A_390 : memref<1x16xi32, #tpu.memory_space<vmem>> -> memref<16xi32, #tpu.memory_space<vmem>>
    %dma_wait3A_392 = tpu.memref_slice %arg2[%dma_wait3A_387, %add3A_115] : memref<4x2048xi32, #tpu.memory_space<hbm>> -> memref<1x16xi32, #tpu.memory_space<hbm>>
    %dma_wait3A_393 = tpu.memref_squeeze %dma_wait3A_392 : memref<1x16xi32, #tpu.memory_space<hbm>> -> memref<16xi32, #tpu.memory_space<hbm>>
    %dma_wait3A_394 = arith.constant 0 : i32
    %dma_wait3A_395 = tpu.memref_slice %arg6[%dma_wait3A_388, %dma_wait3A_394] : memref<8x32xi32, #tpu.memory_space<vmem>> -> memref<1x16xi32, #tpu.memory_space<vmem>>
    %dma_wait3A_396 = tpu.memref_squeeze %dma_wait3A_395 : memref<1x16xi32, #tpu.memory_space<vmem>> -> memref<16xi32, #tpu.memory_space<vmem>>
    %dma_wait3A_397 = tpu.memref_slice %arg2[%dma_wait3A_387, %add3A_115] : memref<4x2048xi32, #tpu.memory_space<hbm>> -> memref<1x16xi32, #tpu.memory_space<hbm>>
    %dma_wait3A_398 = tpu.memref_squeeze %dma_wait3A_397 : memref<1x16xi32, #tpu.memory_space<hbm>> -> memref<16xi32, #tpu.memory_space<hbm>>
    tpu.wait_dma2 semaphore(%arg9 : memref<!tpu.dma_semaphore, #tpu.memory_space<semaphore_mem>>) src(%dma_wait3A_398 : memref<16xi32, #tpu.memory_space<hbm>>) dst(%dma_wait3A_396 : memref<16xi32, #tpu.memory_space<vmem>>)
    %dma_wait3A_399 = arith.constant 1 : i32
    %dma_wait3A_400 = arith.constant 4 : i32
    %dma_wait3A_401 = arith.constant 16 : i32
    %dma_wait3A_402 = tpu.memref_slice %arg6[%dma_wait3A_400, %dma_wait3A_401] : memref<8x32xi32, #tpu.memory_space<vmem>> -> memref<1x16xi32, #tpu.memory_space<vmem>>
    %dma_wait3A_403 = tpu.memref_squeeze %dma_wait3A_402 : memref<1x16xi32, #tpu.memory_space<vmem>> -> memref<16xi32, #tpu.memory_space<vmem>>
    %dma_wait3A_404 = tpu.memref_slice %arg2[%dma_wait3A_399, %add3A_129] : memref<4x2048xi32, #tpu.memory_space<hbm>> -> memref<1x16xi32, #tpu.memory_space<hbm>>
    %dma_wait3A_405 = tpu.memref_squeeze %dma_wait3A_404 : memref<1x16xi32, #tpu.memory_space<hbm>> -> memref<16xi32, #tpu.memory_space<hbm>>
    %dma_wait3A_406 = arith.constant 16 : i32
    %dma_wait3A_407 = tpu.memref_slice %arg6[%dma_wait3A_400, %dma_wait3A_406] : memref<8x32xi32, #tpu.memory_space<vmem>> -> memref<1x16xi32, #tpu.memory_space<vmem>>
    %dma_wait3A_408 = tpu.memref_squeeze %dma_wait3A_407 : memref<1x16xi32, #tpu.memory_space<vmem>> -> memref<16xi32, #tpu.memory_space<vmem>>
    %dma_wait3A_409 = tpu.memref_slice %arg2[%dma_wait3A_399, %add3A_129] : memref<4x2048xi32, #tpu.memory_space<hbm>> -> memref<1x16xi32, #tpu.memory_space<hbm>>
    %dma_wait3A_410 = tpu.memref_squeeze %dma_wait3A_409 : memref<1x16xi32, #tpu.memory_space<hbm>> -> memref<16xi32, #tpu.memory_space<hbm>>
    tpu.wait_dma2 semaphore(%arg9 : memref<!tpu.dma_semaphore, #tpu.memory_space<semaphore_mem>>) src(%dma_wait3A_410 : memref<16xi32, #tpu.memory_space<hbm>>) dst(%dma_wait3A_408 : memref<16xi32, #tpu.memory_space<vmem>>)
    %dma_wait3A_411 = arith.constant 2 : i32
    %dma_wait3A_412 = arith.constant 5 : i32
    %dma_wait3A_413 = arith.constant 0 : i32
    %dma_wait3A_414 = tpu.memref_slice %arg6[%dma_wait3A_412, %dma_wait3A_413] : memref<8x32xi32, #tpu.memory_space<vmem>> -> memref<1x16xi32, #tpu.memory_space<vmem>>
    %dma_wait3A_415 = tpu.memref_squeeze %dma_wait3A_414 : memref<1x16xi32, #tpu.memory_space<vmem>> -> memref<16xi32, #tpu.memory_space<vmem>>
    %dma_wait3A_416 = tpu.memref_slice %arg2[%dma_wait3A_411, %add3A_143] : memref<4x2048xi32, #tpu.memory_space<hbm>> -> memref<1x16xi32, #tpu.memory_space<hbm>>
    %dma_wait3A_417 = tpu.memref_squeeze %dma_wait3A_416 : memref<1x16xi32, #tpu.memory_space<hbm>> -> memref<16xi32, #tpu.memory_space<hbm>>
    %dma_wait3A_418 = arith.constant 0 : i32
    %dma_wait3A_419 = tpu.memref_slice %arg6[%dma_wait3A_412, %dma_wait3A_418] : memref<8x32xi32, #tpu.memory_space<vmem>> -> memref<1x16xi32, #tpu.memory_space<vmem>>
    %dma_wait3A_420 = tpu.memref_squeeze %dma_wait3A_419 : memref<1x16xi32, #tpu.memory_space<vmem>> -> memref<16xi32, #tpu.memory_space<vmem>>
    %dma_wait3A_421 = tpu.memref_slice %arg2[%dma_wait3A_411, %add3A_143] : memref<4x2048xi32, #tpu.memory_space<hbm>> -> memref<1x16xi32, #tpu.memory_space<hbm>>
    %dma_wait3A_422 = tpu.memref_squeeze %dma_wait3A_421 : memref<1x16xi32, #tpu.memory_space<hbm>> -> memref<16xi32, #tpu.memory_space<hbm>>
    tpu.wait_dma2 semaphore(%arg9 : memref<!tpu.dma_semaphore, #tpu.memory_space<semaphore_mem>>) src(%dma_wait3A_422 : memref<16xi32, #tpu.memory_space<hbm>>) dst(%dma_wait3A_420 : memref<16xi32, #tpu.memory_space<vmem>>)
    %dma_wait3A_423 = arith.constant 3 : i32
    %dma_wait3A_424 = arith.constant 5 : i32
    %dma_wait3A_425 = arith.constant 16 : i32
    %dma_wait3A_426 = tpu.memref_slice %arg6[%dma_wait3A_424, %dma_wait3A_425] : memref<8x32xi32, #tpu.memory_space<vmem>> -> memref<1x16xi32, #tpu.memory_space<vmem>>
    %dma_wait3A_427 = tpu.memref_squeeze %dma_wait3A_426 : memref<1x16xi32, #tpu.memory_space<vmem>> -> memref<16xi32, #tpu.memory_space<vmem>>
    %dma_wait3A_428 = tpu.memref_slice %arg2[%dma_wait3A_423, %add3A_157] : memref<4x2048xi32, #tpu.memory_space<hbm>> -> memref<1x16xi32, #tpu.memory_space<hbm>>
    %dma_wait3A_429 = tpu.memref_squeeze %dma_wait3A_428 : memref<1x16xi32, #tpu.memory_space<hbm>> -> memref<16xi32, #tpu.memory_space<hbm>>
    %dma_wait3A_430 = arith.constant 16 : i32
    %dma_wait3A_431 = tpu.memref_slice %arg6[%dma_wait3A_424, %dma_wait3A_430] : memref<8x32xi32, #tpu.memory_space<vmem>> -> memref<1x16xi32, #tpu.memory_space<vmem>>
    %dma_wait3A_432 = tpu.memref_squeeze %dma_wait3A_431 : memref<1x16xi32, #tpu.memory_space<vmem>> -> memref<16xi32, #tpu.memory_space<vmem>>
    %dma_wait3A_433 = tpu.memref_slice %arg2[%dma_wait3A_423, %add3A_157] : memref<4x2048xi32, #tpu.memory_space<hbm>> -> memref<1x16xi32, #tpu.memory_space<hbm>>
    %dma_wait3A_434 = tpu.memref_squeeze %dma_wait3A_433 : memref<1x16xi32, #tpu.memory_space<hbm>> -> memref<16xi32, #tpu.memory_space<hbm>>
    tpu.wait_dma2 semaphore(%arg9 : memref<!tpu.dma_semaphore, #tpu.memory_space<semaphore_mem>>) src(%dma_wait3A_434 : memref<16xi32, #tpu.memory_space<hbm>>) dst(%dma_wait3A_432 : memref<16xi32, #tpu.memory_space<vmem>>)
    %dma_wait3A_435 = arith.constant 0 : i32
    %dma_wait3A_436 = arith.constant 6 : i32
    %dma_wait3A_437 = arith.constant 0 : i32
    %dma_wait3A_438 = tpu.memref_slice %arg6[%dma_wait3A_436, %dma_wait3A_437] : memref<8x32xi32, #tpu.memory_space<vmem>> -> memref<1x16xi32, #tpu.memory_space<vmem>>
    %dma_wait3A_439 = tpu.memref_squeeze %dma_wait3A_438 : memref<1x16xi32, #tpu.memory_space<vmem>> -> memref<16xi32, #tpu.memory_space<vmem>>
    %dma_wait3A_440 = tpu.memref_slice %arg2[%dma_wait3A_435, %add3A_171] : memref<4x2048xi32, #tpu.memory_space<hbm>> -> memref<1x16xi32, #tpu.memory_space<hbm>>
    %dma_wait3A_441 = tpu.memref_squeeze %dma_wait3A_440 : memref<1x16xi32, #tpu.memory_space<hbm>> -> memref<16xi32, #tpu.memory_space<hbm>>
    %dma_wait3A_442 = arith.constant 0 : i32
    %dma_wait3A_443 = tpu.memref_slice %arg6[%dma_wait3A_436, %dma_wait3A_442] : memref<8x32xi32, #tpu.memory_space<vmem>> -> memref<1x16xi32, #tpu.memory_space<vmem>>
    %dma_wait3A_444 = tpu.memref_squeeze %dma_wait3A_443 : memref<1x16xi32, #tpu.memory_space<vmem>> -> memref<16xi32, #tpu.memory_space<vmem>>
    %dma_wait3A_445 = tpu.memref_slice %arg2[%dma_wait3A_435, %add3A_171] : memref<4x2048xi32, #tpu.memory_space<hbm>> -> memref<1x16xi32, #tpu.memory_space<hbm>>
    %dma_wait3A_446 = tpu.memref_squeeze %dma_wait3A_445 : memref<1x16xi32, #tpu.memory_space<hbm>> -> memref<16xi32, #tpu.memory_space<hbm>>
    tpu.wait_dma2 semaphore(%arg9 : memref<!tpu.dma_semaphore, #tpu.memory_space<semaphore_mem>>) src(%dma_wait3A_446 : memref<16xi32, #tpu.memory_space<hbm>>) dst(%dma_wait3A_444 : memref<16xi32, #tpu.memory_space<vmem>>)
    %dma_wait3A_447 = arith.constant 1 : i32
    %dma_wait3A_448 = arith.constant 6 : i32
    %dma_wait3A_449 = arith.constant 16 : i32
    %dma_wait3A_450 = tpu.memref_slice %arg6[%dma_wait3A_448, %dma_wait3A_449] : memref<8x32xi32, #tpu.memory_space<vmem>> -> memref<1x16xi32, #tpu.memory_space<vmem>>
    %dma_wait3A_451 = tpu.memref_squeeze %dma_wait3A_450 : memref<1x16xi32, #tpu.memory_space<vmem>> -> memref<16xi32, #tpu.memory_space<vmem>>
    %dma_wait3A_452 = tpu.memref_slice %arg2[%dma_wait3A_447, %add3A_185] : memref<4x2048xi32, #tpu.memory_space<hbm>> -> memref<1x16xi32, #tpu.memory_space<hbm>>
    %dma_wait3A_453 = tpu.memref_squeeze %dma_wait3A_452 : memref<1x16xi32, #tpu.memory_space<hbm>> -> memref<16xi32, #tpu.memory_space<hbm>>
    %dma_wait3A_454 = arith.constant 16 : i32
    %dma_wait3A_455 = tpu.memref_slice %arg6[%dma_wait3A_448, %dma_wait3A_454] : memref<8x32xi32, #tpu.memory_space<vmem>> -> memref<1x16xi32, #tpu.memory_space<vmem>>
    %dma_wait3A_456 = tpu.memref_squeeze %dma_wait3A_455 : memref<1x16xi32, #tpu.memory_space<vmem>> -> memref<16xi32, #tpu.memory_space<vmem>>
    %dma_wait3A_457 = tpu.memref_slice %arg2[%dma_wait3A_447, %add3A_185] : memref<4x2048xi32, #tpu.memory_space<hbm>> -> memref<1x16xi32, #tpu.memory_space<hbm>>
    %dma_wait3A_458 = tpu.memref_squeeze %dma_wait3A_457 : memref<1x16xi32, #tpu.memory_space<hbm>> -> memref<16xi32, #tpu.memory_space<hbm>>
    tpu.wait_dma2 semaphore(%arg9 : memref<!tpu.dma_semaphore, #tpu.memory_space<semaphore_mem>>) src(%dma_wait3A_458 : memref<16xi32, #tpu.memory_space<hbm>>) dst(%dma_wait3A_456 : memref<16xi32, #tpu.memory_space<vmem>>)
    %dma_wait3A_459 = arith.constant 2 : i32
    %dma_wait3A_460 = arith.constant 7 : i32
    %dma_wait3A_461 = arith.constant 0 : i32
    %dma_wait3A_462 = tpu.memref_slice %arg6[%dma_wait3A_460, %dma_wait3A_461] : memref<8x32xi32, #tpu.memory_space<vmem>> -> memref<1x16xi32, #tpu.memory_space<vmem>>
    %dma_wait3A_463 = tpu.memref_squeeze %dma_wait3A_462 : memref<1x16xi32, #tpu.memory_space<vmem>> -> memref<16xi32, #tpu.memory_space<vmem>>
    %dma_wait3A_464 = tpu.memref_slice %arg2[%dma_wait3A_459, %add3A_199] : memref<4x2048xi32, #tpu.memory_space<hbm>> -> memref<1x16xi32, #tpu.memory_space<hbm>>
    %dma_wait3A_465 = tpu.memref_squeeze %dma_wait3A_464 : memref<1x16xi32, #tpu.memory_space<hbm>> -> memref<16xi32, #tpu.memory_space<hbm>>
    %dma_wait3A_466 = arith.constant 0 : i32
    %dma_wait3A_467 = tpu.memref_slice %arg6[%dma_wait3A_460, %dma_wait3A_466] : memref<8x32xi32, #tpu.memory_space<vmem>> -> memref<1x16xi32, #tpu.memory_space<vmem>>
    %dma_wait3A_468 = tpu.memref_squeeze %dma_wait3A_467 : memref<1x16xi32, #tpu.memory_space<vmem>> -> memref<16xi32, #tpu.memory_space<vmem>>
    %dma_wait3A_469 = tpu.memref_slice %arg2[%dma_wait3A_459, %add3A_199] : memref<4x2048xi32, #tpu.memory_space<hbm>> -> memref<1x16xi32, #tpu.memory_space<hbm>>
    %dma_wait3A_470 = tpu.memref_squeeze %dma_wait3A_469 : memref<1x16xi32, #tpu.memory_space<hbm>> -> memref<16xi32, #tpu.memory_space<hbm>>
    tpu.wait_dma2 semaphore(%arg9 : memref<!tpu.dma_semaphore, #tpu.memory_space<semaphore_mem>>) src(%dma_wait3A_470 : memref<16xi32, #tpu.memory_space<hbm>>) dst(%dma_wait3A_468 : memref<16xi32, #tpu.memory_space<vmem>>)
    %dma_wait3A_471 = arith.constant 3 : i32
    %dma_wait3A_472 = arith.constant 7 : i32
    %dma_wait3A_473 = arith.constant 16 : i32
    %dma_wait3A_474 = tpu.memref_slice %arg6[%dma_wait3A_472, %dma_wait3A_473] : memref<8x32xi32, #tpu.memory_space<vmem>> -> memref<1x16xi32, #tpu.memory_space<vmem>>
    %dma_wait3A_475 = tpu.memref_squeeze %dma_wait3A_474 : memref<1x16xi32, #tpu.memory_space<vmem>> -> memref<16xi32, #tpu.memory_space<vmem>>
    %dma_wait3A_476 = tpu.memref_slice %arg2[%dma_wait3A_471, %add3A_213] : memref<4x2048xi32, #tpu.memory_space<hbm>> -> memref<1x16xi32, #tpu.memory_space<hbm>>
    %dma_wait3A_477 = tpu.memref_squeeze %dma_wait3A_476 : memref<1x16xi32, #tpu.memory_space<hbm>> -> memref<16xi32, #tpu.memory_space<hbm>>
    %dma_wait3A_478 = arith.constant 16 : i32
    %dma_wait3A_479 = tpu.memref_slice %arg6[%dma_wait3A_472, %dma_wait3A_478] : memref<8x32xi32, #tpu.memory_space<vmem>> -> memref<1x16xi32, #tpu.memory_space<vmem>>
    %dma_wait3A_480 = tpu.memref_squeeze %dma_wait3A_479 : memref<1x16xi32, #tpu.memory_space<vmem>> -> memref<16xi32, #tpu.memory_space<vmem>>
    %dma_wait3A_481 = tpu.memref_slice %arg2[%dma_wait3A_471, %add3A_213] : memref<4x2048xi32, #tpu.memory_space<hbm>> -> memref<1x16xi32, #tpu.memory_space<hbm>>
    %dma_wait3A_482 = tpu.memref_squeeze %dma_wait3A_481 : memref<1x16xi32, #tpu.memory_space<hbm>> -> memref<16xi32, #tpu.memory_space<hbm>>
    tpu.wait_dma2 semaphore(%arg9 : memref<!tpu.dma_semaphore, #tpu.memory_space<semaphore_mem>>) src(%dma_wait3A_482 : memref<16xi32, #tpu.memory_space<hbm>>) dst(%dma_wait3A_480 : memref<16xi32, #tpu.memory_space<vmem>>)
    %scan3A = arith.constant 0 : i32
    %scan3A_483 = arith.constant 0 : i32
    %scan3A_484 = arith.constant 8 : i32
    %scan3A_485 = arith.addi %scan3A_483, %scan3A_484 : i32
    %scan3A_486 = arith.constant 1 : i32
    %scan3A_487 = scf.for %scan3A_515 = %scan3A_483 to %scan3A_485 step %scan3A_486 iter_args(%scan3A_516 = %scan3A) -> (i32)  : i32 {
      %jit3A = arith.constant 4 : i32
      %eq3A = arith.constant 0 : i32
      %eq3A_517 = arith.cmpi eq, %jit3A, %eq3A : i32
      %jit3A_518 = arith.constant 1 : i32
      %select_n3A = arith.select %eq3A_517, %jit3A_518, %jit3A : i32
      %rem3A = arith.remsi %scan3A_515, %select_n3A : i32
      %ne3A = arith.constant 0 : i32
      %ne3A_519 = arith.cmpi ne, %rem3A, %ne3A : i32
      %lt3A = arith.constant 0 : i32
      %lt3A_520 = arith.cmpi slt, %rem3A, %lt3A : i32
      %lt3A_521 = arith.constant 0 : i32
      %lt3A_522 = arith.cmpi slt, %select_n3A, %lt3A_521 : i32
      %ne3A_523 = arith.xori %lt3A_520, %lt3A_522 : i1
      %and3A = arith.andi %ne3A_523, %ne3A_519 : i1
      %add3A_524 = arith.addi %rem3A, %select_n3A : i32
      %select_n3A_525 = arith.select %and3A, %add3A_524, %rem3A : i32
      %jit3A_526 = arith.constant 2 : i32
      %div3A = arith.divsi %scan3A_515, %jit3A_526 : i32
      %sign3A = arith.constant 0 : i32
      %sign3A_527 = arith.cmpi sgt, %scan3A_515, %sign3A : i32
      %sign3A_528 = arith.extui %sign3A_527 : i1 to i32
      %sign3A_529 = arith.constant 0 : i32
      %sign3A_530 = arith.cmpi slt, %scan3A_515, %sign3A_529 : i32
      %sign3A_531 = arith.extui %sign3A_530 : i1 to i32
      %sign3A_532 = arith.subi %sign3A_528, %sign3A_531 : i32
      %sign3A_533 = arith.constant 0 : i32
      %sign3A_534 = arith.cmpi sgt, %jit3A_526, %sign3A_533 : i32
      %sign3A_535 = arith.extui %sign3A_534 : i1 to i32
      %sign3A_536 = arith.constant 0 : i32
      %sign3A_537 = arith.cmpi slt, %jit3A_526, %sign3A_536 : i32
      %sign3A_538 = arith.extui %sign3A_537 : i1 to i32
      %sign3A_539 = arith.subi %sign3A_535, %sign3A_538 : i32
      %ne3A_540 = arith.cmpi ne, %sign3A_532, %sign3A_539 : i32
      %rem3A_541 = arith.remsi %scan3A_515, %jit3A_526 : i32
      %ne3A_542 = arith.constant 0 : i32
      %ne3A_543 = arith.cmpi ne, %rem3A_541, %ne3A_542 : i32
      %and3A_544 = arith.andi %ne3A_540, %ne3A_543 : i1
      %sub3A = arith.constant 1 : i32
      %sub3A_545 = arith.subi %div3A, %sub3A : i32
      %select_n3A_546 = arith.select %and3A_544, %sub3A_545, %div3A : i32
      %jit3A_547 = arith.constant 2 : i32
      %eq3A_548 = arith.constant 0 : i32
      %eq3A_549 = arith.cmpi eq, %jit3A_547, %eq3A_548 : i32
      %jit3A_550 = arith.constant 1 : i32
      %select_n3A_551 = arith.select %eq3A_549, %jit3A_550, %jit3A_547 : i32
      %rem3A_552 = arith.remsi %scan3A_515, %select_n3A_551 : i32
      %ne3A_553 = arith.constant 0 : i32
      %ne3A_554 = arith.cmpi ne, %rem3A_552, %ne3A_553 : i32
      %lt3A_555 = arith.constant 0 : i32
      %lt3A_556 = arith.cmpi slt, %rem3A_552, %lt3A_555 : i32
      %lt3A_557 = arith.constant 0 : i32
      %lt3A_558 = arith.cmpi slt, %select_n3A_551, %lt3A_557 : i32
      %ne3A_559 = arith.xori %lt3A_556, %lt3A_558 : i1
      %and3A_560 = arith.andi %ne3A_559, %ne3A_554 : i1
      %add3A_561 = arith.addi %rem3A_552, %select_n3A_551 : i32
      %select_n3A_562 = arith.select %and3A_560, %add3A_561, %rem3A_552 : i32
      %jit3A_563 = arith.constant 2 : i32
      %eq3A_564 = arith.constant 0 : i32
      %eq3A_565 = arith.cmpi eq, %jit3A_563, %eq3A_564 : i32
      %jit3A_566 = arith.constant 1 : i32
      %select_n3A_567 = arith.select %eq3A_565, %jit3A_566, %jit3A_563 : i32
      %rem3A_568 = arith.remsi %select_n3A_546, %select_n3A_567 : i32
      %ne3A_569 = arith.constant 0 : i32
      %ne3A_570 = arith.cmpi ne, %rem3A_568, %ne3A_569 : i32
      %lt3A_571 = arith.constant 0 : i32
      %lt3A_572 = arith.cmpi slt, %rem3A_568, %lt3A_571 : i32
      %lt3A_573 = arith.constant 0 : i32
      %lt3A_574 = arith.cmpi slt, %select_n3A_567, %lt3A_573 : i32
      %ne3A_575 = arith.xori %lt3A_572, %lt3A_574 : i1
      %and3A_576 = arith.andi %ne3A_575, %ne3A_570 : i1
      %add3A_577 = arith.addi %rem3A_568, %select_n3A_567 : i32
      %select_n3A_578 = arith.select %and3A_576, %add3A_577, %rem3A_568 : i32
      %eq3A_579 = arith.constant 0 : i32
      %eq3A_580 = arith.cmpi eq, %select_n3A_562, %eq3A_579 : i32
      %convert_element_type3A = arith.extui %eq3A_580 : i1 to i32
      %cond3A = arith.constant 0 : i32
      %cond3A_581 = arith.cmpi ne, %convert_element_type3A, %cond3A : i32
      scf.if %cond3A_581 {
        %dma_wait3A_665 = arith.constant 0 : i32
        %dma_wait3A_666 = arith.constant 0 : i32
        %dma_wait3A_667 = arith.constant 0 : i32
        %dma_wait3A_668 = tpu.memref_slice %arg8[%dma_wait3A_665, %dma_wait3A_666, %dma_wait3A_667] : memref<2x16x768xf32, #tpu.memory_space<vmem>> -> memref<1x16x768xf32, #tpu.memory_space<vmem>>
        %dma_wait3A_669 = tpu.memref_squeeze %dma_wait3A_668 : memref<1x16x768xf32, #tpu.memory_space<vmem>> -> memref<16x768xf32, #tpu.memory_space<vmem>>
        %dma_wait3A_670 = arith.constant 0 : i32
        %dma_wait3A_671 = tpu.memref_slice %arg4[%mul3A_2, %dma_wait3A_670] : memref<2048x768xf32, #tpu.memory_space<hbm>> -> memref<16x768xf32, #tpu.memory_space<hbm>>
        %dma_wait3A_672 = arith.constant 0 : i32
        %dma_wait3A_673 = arith.constant 0 : i32
        %dma_wait3A_674 = tpu.memref_slice %arg8[%dma_wait3A_665, %dma_wait3A_672, %dma_wait3A_673] : memref<2x16x768xf32, #tpu.memory_space<vmem>> -> memref<1x16x768xf32, #tpu.memory_space<vmem>>
        %dma_wait3A_675 = tpu.memref_squeeze %dma_wait3A_674 : memref<1x16x768xf32, #tpu.memory_space<vmem>> -> memref<16x768xf32, #tpu.memory_space<vmem>>
        %dma_wait3A_676 = arith.constant 0 : i32
        %dma_wait3A_677 = tpu.memref_slice %arg4[%mul3A_2, %dma_wait3A_676] : memref<2048x768xf32, #tpu.memory_space<hbm>> -> memref<16x768xf32, #tpu.memory_space<hbm>>
        tpu.wait_dma2 semaphore(%arg10 : memref<!tpu.dma_semaphore, #tpu.memory_space<semaphore_mem>>) src(%dma_wait3A_677 : memref<16x768xf32, #tpu.memory_space<hbm>>) dst(%dma_wait3A_675 : memref<16x768xf32, #tpu.memory_space<vmem>>)
      } else {
      }
      %dma_wait3A_582 = arith.constant 0 : i32
      %dma_wait3A_583 = arith.constant 0 : i32
      %dma_wait3A_584 = tpu.memref_slice %arg7[%select_n3A_525, %dma_wait3A_582, %dma_wait3A_583] : memref<4x32x768xf32, #tpu.memory_space<vmem>> -> memref<1x32x768xf32, #tpu.memory_space<vmem>>
      %dma_wait3A_585 = tpu.memref_squeeze %dma_wait3A_584 : memref<1x32x768xf32, #tpu.memory_space<vmem>> -> memref<32x768xf32, #tpu.memory_space<vmem>>
      %dma_wait3A_586 = arith.constant 0 : i32
      %dma_wait3A_587 = tpu.memref_slice %arg6[%scan3A_515, %dma_wait3A_586] : memref<8x32xi32, #tpu.memory_space<vmem>> -> memref<1x32xi32, #tpu.memory_space<vmem>>
      %dma_wait3A_588 = tpu.memref_squeeze %dma_wait3A_587 : memref<1x32xi32, #tpu.memory_space<vmem>> -> memref<32xi32, #tpu.memory_space<vmem>>
      %dma_wait3A_589 = arith.constant 0 : i32
      %dma_wait3A_590 = arith.constant 0 : i32
      %dma_wait3A_591 = tpu.memref_slice %arg3[%dma_wait3A_589, %dma_wait3A_590] : memref<50257x768xf32, #tpu.memory_space<hbm>> -> memref<50257x768xf32, #tpu.memory_space<hbm>>
      tpu.wait_indirect_dma semaphore(%arg11 : memref<!tpu.dma_semaphore, #tpu.memory_space<semaphore_mem>>) src(%dma_wait3A_591 : memref<50257x768xf32, #tpu.memory_space<hbm>>) dst(%dma_wait3A_585 : memref<32x768xf32, #tpu.memory_space<vmem>>)
      %scan3A_592 = arith.constant 0 : i32
      %scan3A_593 = arith.constant 0 : i32
      %scan3A_594 = arith.constant 16 : i32
      %scan3A_595 = arith.addi %scan3A_593, %scan3A_594 : i32
      %scan3A_596 = arith.constant 1 : i32
      %scan3A_597 = scf.for %scan3A_665 = %scan3A_593 to %scan3A_595 step %scan3A_596 iter_args(%scan3A_666 = %scan3A_592) -> (i32)  : i32 {
        %get3A = arith.index_cast %select_n3A_578 : i32 to index
        %get3A_667 = arith.index_cast %scan3A_665 : i32 to index
        %get3A_668 = arith.constant 0 : index
        %get3A_669 = tpu.vector_load %arg8[%get3A, %get3A_667, %get3A_668] {strides = array<i32>} : memref<2x16x768xf32, #tpu.memory_space<vmem>>, vector<1x1x16xf32>,
        %get3A_670 = vector.shape_cast %get3A_669 : vector<1x1x16xf32> to vector<16xf32>
        %get3A_671 = arith.index_cast %select_n3A_578 : i32 to index
        %get3A_672 = arith.index_cast %scan3A_665 : i32 to index
        %get3A_673 = arith.constant 16 : index
        %get3A_674 = tpu.vector_load %arg8[%get3A_671, %get3A_672, %get3A_673] {strides = array<i32>} : memref<2x16x768xf32, #tpu.memory_space<vmem>>, vector<1x1x16xf32>,
        %get3A_675 = vector.shape_cast %get3A_674 : vector<1x1x16xf32> to vector<16xf32>
        %get3A_676 = arith.index_cast %select_n3A_578 : i32 to index
        %get3A_677 = arith.index_cast %scan3A_665 : i32 to index
        %get3A_678 = arith.constant 32 : index
        %get3A_679 = tpu.vector_load %arg8[%get3A_676, %get3A_677, %get3A_678] {strides = array<i32>} : memref<2x16x768xf32, #tpu.memory_space<vmem>>, vector<1x1x16xf32>,
        %get3A_680 = vector.shape_cast %get3A_679 : vector<1x1x16xf32> to vector<16xf32>
        %get3A_681 = arith.index_cast %select_n3A_578 : i32 to index
        %get3A_682 = arith.index_cast %scan3A_665 : i32 to index
        %get3A_683 = arith.constant 48 : index
        %get3A_684 = tpu.vector_load %arg8[%get3A_681, %get3A_682, %get3A_683] {strides = array<i32>} : memref<2x16x768xf32, #tpu.memory_space<vmem>>, vector<1x1x16xf32>,
        %get3A_685 = vector.shape_cast %get3A_684 : vector<1x1x16xf32> to vector<16xf32>
        %get3A_686 = arith.index_cast %select_n3A_578 : i32 to index
        %get3A_687 = arith.index_cast %scan3A_665 : i32 to index
        %get3A_688 = arith.constant 64 : index
        %get3A_689 = tpu.vector_load %arg8[%get3A_686, %get3A_687, %get3A_688] {strides = array<i32>} : memref<2x16x768xf32, #tpu.memory_space<vmem>>, vector<1x1x16xf32>,
        %get3A_690 = vector.shape_cast %get3A_689 : vector<1x1x16xf32> to vector<16xf32>
        %get3A_691 = arith.index_cast %select_n3A_578 : i32 to index
        %get3A_692 = arith.index_cast %scan3A_665 : i32 to index
        %get3A_693 = arith.constant 80 : index
        %get3A_694 = tpu.vector_load %arg8[%get3A_691, %get3A_692, %get3A_693] {strides = array<i32>} : memref<2x16x768xf32, #tpu.memory_space<vmem>>, vector<1x1x16xf32>,
        %get3A_695 = vector.shape_cast %get3A_694 : vector<1x1x16xf32> to vector<16xf32>
        %get3A_696 = arith.index_cast %select_n3A_578 : i32 to index
        %get3A_697 = arith.index_cast %scan3A_665 : i32 to index
        %get3A_698 = arith.constant 96 : index
        %get3A_699 = tpu.vector_load %arg8[%get3A_696, %get3A_697, %get3A_698] {strides = array<i32>} : memref<2x16x768xf32, #tpu.memory_space<vmem>>, vector<1x1x16xf32>,
        %get3A_700 = vector.shape_cast %get3A_699 : vector<1x1x16xf32> to vector<16xf32>
        %get3A_701 = arith.index_cast %select_n3A_578 : i32 to index
        %get3A_702 = arith.index_cast %scan3A_665 : i32 to index
        %get3A_703 = arith.constant 112 : index
        %get3A_704 = tpu.vector_load %arg8[%get3A_701, %get3A_702, %get3A_703] {strides = array<i32>} : memref<2x16x768xf32, #tpu.memory_space<vmem>>, vector<1x1x16xf32>,
        %get3A_705 = vector.shape_cast %get3A_704 : vector<1x1x16xf32> to vector<16xf32>
        %get3A_706 = arith.index_cast %select_n3A_578 : i32 to index
        %get3A_707 = arith.index_cast %scan3A_665 : i32 to index
        %get3A_708 = arith.constant 128 : index
        %get3A_709 = tpu.vector_load %arg8[%get3A_706, %get3A_707, %get3A_708] {strides = array<i32>} : memref<2x16x768xf32, #tpu.memory_space<vmem>>, vector<1x1x16xf32>,
        %get3A_710 = vector.shape_cast %get3A_709 : vector<1x1x16xf32> to vector<16xf32>
        %get3A_711 = arith.index_cast %select_n3A_578 : i32 to index
        %get3A_712 = arith.index_cast %scan3A_665 : i32 to index
        %get3A_713 = arith.constant 144 : index
        %get3A_714 = tpu.vector_load %arg8[%get3A_711, %get3A_712, %get3A_713] {strides = array<i32>} : memref<2x16x768xf32, #tpu.memory_space<vmem>>, vector<1x1x16xf32>,
        %get3A_715 = vector.shape_cast %get3A_714 : vector<1x1x16xf32> to vector<16xf32>
        %get3A_716 = arith.index_cast %select_n3A_578 : i32 to index
        %get3A_717 = arith.index_cast %scan3A_665 : i32 to index
        %get3A_718 = arith.constant 160 : index
        %get3A_719 = tpu.vector_load %arg8[%get3A_716, %get3A_717, %get3A_718] {strides = array<i32>} : memref<2x16x768xf32, #tpu.memory_space<vmem>>, vector<1x1x16xf32>,
        %get3A_720 = vector.shape_cast %get3A_719 : vector<1x1x16xf32> to vector<16xf32>
        %get3A_721 = arith.index_cast %select_n3A_578 : i32 to index
        %get3A_722 = arith.index_cast %scan3A_665 : i32 to index
        %get3A_723 = arith.constant 176 : index
        %get3A_724 = tpu.vector_load %arg8[%get3A_721, %get3A_722, %get3A_723] {strides = array<i32>} : memref<2x16x768xf32, #tpu.memory_space<vmem>>, vector<1x1x16xf32>,
        %get3A_725 = vector.shape_cast %get3A_724 : vector<1x1x16xf32> to vector<16xf32>
        %get3A_726 = arith.index_cast %select_n3A_578 : i32 to index
        %get3A_727 = arith.index_cast %scan3A_665 : i32 to index
        %get3A_728 = arith.constant 192 : index
        %get3A_729 = tpu.vector_load %arg8[%get3A_726, %get3A_727, %get3A_728] {strides = array<i32>} : memref<2x16x768xf32, #tpu.memory_space<vmem>>, vector<1x1x16xf32>,
        %get3A_730 = vector.shape_cast %get3A_729 : vector<1x1x16xf32> to vector<16xf32>
        %get3A_731 = arith.index_cast %select_n3A_578 : i32 to index
        %get3A_732 = arith.index_cast %scan3A_665 : i32 to index
        %get3A_733 = arith.constant 208 : index
        %get3A_734 = tpu.vector_load %arg8[%get3A_731, %get3A_732, %get3A_733] {strides = array<i32>} : memref<2x16x768xf32, #tpu.memory_space<vmem>>, vector<1x1x16xf32>,
        %get3A_735 = vector.shape_cast %get3A_734 : vector<1x1x16xf32> to vector<16xf32>
        %get3A_736 = arith.index_cast %select_n3A_578 : i32 to index
        %get3A_737 = arith.index_cast %scan3A_665 : i32 to index
        %get3A_738 = arith.constant 224 : index
        %get3A_739 = tpu.vector_load %arg8[%get3A_736, %get3A_737, %get3A_738] {strides = array<i32>} : memref<2x16x768xf32, #tpu.memory_space<vmem>>, vector<1x1x16xf32>,
        %get3A_740 = vector.shape_cast %get3A_739 : vector<1x1x16xf32> to vector<16xf32>
        %get3A_741 = arith.index_cast %select_n3A_578 : i32 to index
        %get3A_742 = arith.index_cast %scan3A_665 : i32 to index
        %get3A_743 = arith.constant 240 : index
        %get3A_744 = tpu.vector_load %arg8[%get3A_741, %get3A_742, %get3A_743] {strides = array<i32>} : memref<2x16x768xf32, #tpu.memory_space<vmem>>, vector<1x1x16xf32>,
        %get3A_745 = vector.shape_cast %get3A_744 : vector<1x1x16xf32> to vector<16xf32>
        %get3A_746 = arith.index_cast %select_n3A_578 : i32 to index
        %get3A_747 = arith.index_cast %scan3A_665 : i32 to index
        %get3A_748 = arith.constant 256 : index
        %get3A_749 = tpu.vector_load %arg8[%get3A_746, %get3A_747, %get3A_748] {strides = array<i32>} : memref<2x16x768xf32, #tpu.memory_space<vmem>>, vector<1x1x16xf32>,
        %get3A_750 = vector.shape_cast %get3A_749 : vector<1x1x16xf32> to vector<16xf32>
        %get3A_751 = arith.index_cast %select_n3A_578 : i32 to index
        %get3A_752 = arith.index_cast %scan3A_665 : i32 to index
        %get3A_753 = arith.constant 272 : index
        %get3A_754 = tpu.vector_load %arg8[%get3A_751, %get3A_752, %get3A_753] {strides = array<i32>} : memref<2x16x768xf32, #tpu.memory_space<vmem>>, vector<1x1x16xf32>,
        %get3A_755 = vector.shape_cast %get3A_754 : vector<1x1x16xf32> to vector<16xf32>
        %get3A_756 = arith.index_cast %select_n3A_578 : i32 to index
        %get3A_757 = arith.index_cast %scan3A_665 : i32 to index
        %get3A_758 = arith.constant 288 : index
        %get3A_759 = tpu.vector_load %arg8[%get3A_756, %get3A_757, %get3A_758] {strides = array<i32>} : memref<2x16x768xf32, #tpu.memory_space<vmem>>, vector<1x1x16xf32>,
        %get3A_760 = vector.shape_cast %get3A_759 : vector<1x1x16xf32> to vector<16xf32>
        %get3A_761 = arith.index_cast %select_n3A_578 : i32 to index
        %get3A_762 = arith.index_cast %scan3A_665 : i32 to index
        %get3A_763 = arith.constant 304 : index
        %get3A_764 = tpu.vector_load %arg8[%get3A_761, %get3A_762, %get3A_763] {strides = array<i32>} : memref<2x16x768xf32, #tpu.memory_space<vmem>>, vector<1x1x16xf32>,
        %get3A_765 = vector.shape_cast %get3A_764 : vector<1x1x16xf32> to vector<16xf32>
        %get3A_766 = arith.index_cast %select_n3A_578 : i32 to index
        %get3A_767 = arith.index_cast %scan3A_665 : i32 to index
        %get3A_768 = arith.constant 320 : index
        %get3A_769 = tpu.vector_load %arg8[%get3A_766, %get3A_767, %get3A_768] {strides = array<i32>} : memref<2x16x768xf32, #tpu.memory_space<vmem>>, vector<1x1x16xf32>,
        %get3A_770 = vector.shape_cast %get3A_769 : vector<1x1x16xf32> to vector<16xf32>
        %get3A_771 = arith.index_cast %select_n3A_578 : i32 to index
        %get3A_772 = arith.index_cast %scan3A_665 : i32 to index
        %get3A_773 = arith.constant 336 : index
        %get3A_774 = tpu.vector_load %arg8[%get3A_771, %get3A_772, %get3A_773] {strides = array<i32>} : memref<2x16x768xf32, #tpu.memory_space<vmem>>, vector<1x1x16xf32>,
        %get3A_775 = vector.shape_cast %get3A_774 : vector<1x1x16xf32> to vector<16xf32>
        %get3A_776 = arith.index_cast %select_n3A_578 : i32 to index
        %get3A_777 = arith.index_cast %scan3A_665 : i32 to index
        %get3A_778 = arith.constant 352 : index
        %get3A_779 = tpu.vector_load %arg8[%get3A_776, %get3A_777, %get3A_778] {strides = array<i32>} : memref<2x16x768xf32, #tpu.memory_space<vmem>>, vector<1x1x16xf32>,
        %get3A_780 = vector.shape_cast %get3A_779 : vector<1x1x16xf32> to vector<16xf32>
        %get3A_781 = arith.index_cast %select_n3A_578 : i32 to index
        %get3A_782 = arith.index_cast %scan3A_665 : i32 to index
        %get3A_783 = arith.constant 368 : index
        %get3A_784 = tpu.vector_load %arg8[%get3A_781, %get3A_782, %get3A_783] {strides = array<i32>} : memref<2x16x768xf32, #tpu.memory_space<vmem>>, vector<1x1x16xf32>,
        %get3A_785 = vector.shape_cast %get3A_784 : vector<1x1x16xf32> to vector<16xf32>
        %add3A_786 = arith.constant 0 : i32
        %add3A_787 = arith.addi %add3A_786, %scan3A_665 : i32
        %get3A_788 = arith.index_cast %select_n3A_525 : i32 to index
        %get3A_789 = arith.index_cast %add3A_787 : i32 to index
        %get3A_790 = arith.constant 0 : index
        %get3A_791 = tpu.vector_load %arg7[%get3A_788, %get3A_789, %get3A_790] {strides = array<i32>} : memref<4x32x768xf32, #tpu.memory_space<vmem>>, vector<1x1x16xf32>,
        %get3A_792 = vector.shape_cast %get3A_791 : vector<1x1x16xf32> to vector<16xf32>
        %add3A_793 = arith.addf %get3A_792, %get3A_670 : vector<16xf32>
        %swap3A = arith.index_cast %select_n3A_525 : i32 to index
        %swap3A_794 = arith.index_cast %add3A_787 : i32 to index
        %swap3A_795 = arith.constant 0 : index
        %swap3A_796 = tpu.vector_load %arg7[%swap3A, %swap3A_794, %swap3A_795] {strides = array<i32>} : memref<4x32x768xf32, #tpu.memory_space<vmem>>, vector<1x1x16xf32>,
        %swap3A_797 = vector.shape_cast %swap3A_796 : vector<1x1x16xf32> to vector<16xf32>
        %swap3A_798 = vector.shape_cast %add3A_793 : vector<16xf32> to vector<1x1x16xf32>
        tpu.vector_store %arg7[%swap3A, %swap3A_794, %swap3A_795], %swap3A_798 {strides = array<i32>} : memref<4x32x768xf32, #tpu.memory_space<vmem>>, vector<1x1x16xf32>,
        %get3A_799 = arith.index_cast %select_n3A_525 : i32 to index
        %get3A_800 = arith.index_cast %add3A_787 : i32 to index
        %get3A_801 = arith.constant 16 : index
        %get3A_802 = tpu.vector_load %arg7[%get3A_799, %get3A_800, %get3A_801] {strides = array<i32>} : memref<4x32x768xf32, #tpu.memory_space<vmem>>, vector<1x1x16xf32>,
        %get3A_803 = vector.shape_cast %get3A_802 : vector<1x1x16xf32> to vector<16xf32>
        %add3A_804 = arith.addf %get3A_803, %get3A_675 : vector<16xf32>
        %swap3A_805 = arith.index_cast %select_n3A_525 : i32 to index
        %swap3A_806 = arith.index_cast %add3A_787 : i32 to index
        %swap3A_807 = arith.constant 16 : index
        %swap3A_808 = tpu.vector_load %arg7[%swap3A_805, %swap3A_806, %swap3A_807] {strides = array<i32>} : memref<4x32x768xf32, #tpu.memory_space<vmem>>, vector<1x1x16xf32>,
        %swap3A_809 = vector.shape_cast %swap3A_808 : vector<1x1x16xf32> to vector<16xf32>
        %swap3A_810 = vector.shape_cast %add3A_804 : vector<16xf32> to vector<1x1x16xf32>
        tpu.vector_store %arg7[%swap3A_805, %swap3A_806, %swap3A_807], %swap3A_810 {strides = array<i32>} : memref<4x32x768xf32, #tpu.memory_space<vmem>>, vector<1x1x16xf32>,
        %get3A_811 = arith.index_cast %select_n3A_525 : i32 to index
        %get3A_812 = arith.index_cast %add3A_787 : i32 to index
        %get3A_813 = arith.constant 32 : index
        %get3A_814 = tpu.vector_load %arg7[%get3A_811, %get3A_812, %get3A_813] {strides = array<i32>} : memref<4x32x768xf32, #tpu.memory_space<vmem>>, vector<1x1x16xf32>,
        %get3A_815 = vector.shape_cast %get3A_814 : vector<1x1x16xf32> to vector<16xf32>
        %add3A_816 = arith.addf %get3A_815, %get3A_680 : vector<16xf32>
        %swap3A_817 = arith.index_cast %select_n3A_525 : i32 to index
        %swap3A_818 = arith.index_cast %add3A_787 : i32 to index
        %swap3A_819 = arith.constant 32 : index
        %swap3A_820 = tpu.vector_load %arg7[%swap3A_817, %swap3A_818, %swap3A_819] {strides = array<i32>} : memref<4x32x768xf32, #tpu.memory_space<vmem>>, vector<1x1x16xf32>,
        %swap3A_821 = vector.shape_cast %swap3A_820 : vector<1x1x16xf32> to vector<16xf32>
        %swap3A_822 = vector.shape_cast %add3A_816 : vector<16xf32> to vector<1x1x16xf32>
        tpu.vector_store %arg7[%swap3A_817, %swap3A_818, %swap3A_819], %swap3A_822 {strides = array<i32>} : memref<4x32x768xf32, #tpu.memory_space<vmem>>, vector<1x1x16xf32>,
        %get3A_823 = arith.index_cast %select_n3A_525 : i32 to index
        %get3A_824 = arith.index_cast %add3A_787 : i32 to index
        %get3A_825 = arith.constant 48 : index
        %get3A_826 = tpu.vector_load %arg7[%get3A_823, %get3A_824, %get3A_825] {strides = array<i32>} : memref<4x32x768xf32, #tpu.memory_space<vmem>>, vector<1x1x16xf32>,
        %get3A_827 = vector.shape_cast %get3A_826 : vector<1x1x16xf32> to vector<16xf32>
        %add3A_828 = arith.addf %get3A_827, %get3A_685 : vector<16xf32>
        %swap3A_829 = arith.index_cast %select_n3A_525 : i32 to index
        %swap3A_830 = arith.index_cast %add3A_787 : i32 to index
        %swap3A_831 = arith.constant 48 : index
        %swap3A_832 = tpu.vector_load %arg7[%swap3A_829, %swap3A_830, %swap3A_831] {strides = array<i32>} : memref<4x32x768xf32, #tpu.memory_space<vmem>>, vector<1x1x16xf32>,
        %swap3A_833 = vector.shape_cast %swap3A_832 : vector<1x1x16xf32> to vector<16xf32>
        %swap3A_834 = vector.shape_cast %add3A_828 : vector<16xf32> to vector<1x1x16xf32>
        tpu.vector_store %arg7[%swap3A_829, %swap3A_830, %swap3A_831], %swap3A_834 {strides = array<i32>} : memref<4x32x768xf32, #tpu.memory_space<vmem>>, vector<1x1x16xf32>,
        %get3A_835 = arith.index_cast %select_n3A_525 : i32 to index
        %get3A_836 = arith.index_cast %add3A_787 : i32 to index
        %get3A_837 = arith.constant 64 : index
        %get3A_838 = tpu.vector_load %arg7[%get3A_835, %get3A_836, %get3A_837] {strides = array<i32>} : memref<4x32x768xf32, #tpu.memory_space<vmem>>, vector<1x1x16xf32>,
        %get3A_839 = vector.shape_cast %get3A_838 : vector<1x1x16xf32> to vector<16xf32>
        %add3A_840 = arith.addf %get3A_839, %get3A_690 : vector<16xf32>
        %swap3A_841 = arith.index_cast %select_n3A_525 : i32 to index
        %swap3A_842 = arith.index_cast %add3A_787 : i32 to index
        %swap3A_843 = arith.constant 64 : index
        %swap3A_844 = tpu.vector_load %arg7[%swap3A_841, %swap3A_842, %swap3A_843] {strides = array<i32>} : memref<4x32x768xf32, #tpu.memory_space<vmem>>, vector<1x1x16xf32>,
        %swap3A_845 = vector.shape_cast %swap3A_844 : vector<1x1x16xf32> to vector<16xf32>
        %swap3A_846 = vector.shape_cast %add3A_840 : vector<16xf32> to vector<1x1x16xf32>
        tpu.vector_store %arg7[%swap3A_841, %swap3A_842, %swap3A_843], %swap3A_846 {strides = array<i32>} : memref<4x32x768xf32, #tpu.memory_space<vmem>>, vector<1x1x16xf32>,
        %get3A_847 = arith.index_cast %select_n3A_525 : i32 to index
        %get3A_848 = arith.index_cast %add3A_787 : i32 to index
        %get3A_849 = arith.constant 80 : index
        %get3A_850 = tpu.vector_load %arg7[%get3A_847, %get3A_848, %get3A_849] {strides = array<i32>} : memref<4x32x768xf32, #tpu.memory_space<vmem>>, vector<1x1x16xf32>,
        %get3A_851 = vector.shape_cast %get3A_850 : vector<1x1x16xf32> to vector<16xf32>
        %add3A_852 = arith.addf %get3A_851, %get3A_695 : vector<16xf32>
        %swap3A_853 = arith.index_cast %select_n3A_525 : i32 to index
        %swap3A_854 = arith.index_cast %add3A_787 : i32 to index
        %swap3A_855 = arith.constant 80 : index
        %swap3A_856 = tpu.vector_load %arg7[%swap3A_853, %swap3A_854, %swap3A_855] {strides = array<i32>} : memref<4x32x768xf32, #tpu.memory_space<vmem>>, vector<1x1x16xf32>,
        %swap3A_857 = vector.shape_cast %swap3A_856 : vector<1x1x16xf32> to vector<16xf32>
        %swap3A_858 = vector.shape_cast %add3A_852 : vector<16xf32> to vector<1x1x16xf32>
        tpu.vector_store %arg7[%swap3A_853, %swap3A_854, %swap3A_855], %swap3A_858 {strides = array<i32>} : memref<4x32x768xf32, #tpu.memory_space<vmem>>, vector<1x1x16xf32>,
        %get3A_859 = arith.index_cast %select_n3A_525 : i32 to index
        %get3A_860 = arith.index_cast %add3A_787 : i32 to index
        %get3A_861 = arith.constant 96 : index
        %get3A_862 = tpu.vector_load %arg7[%get3A_859, %get3A_860, %get3A_861] {strides = array<i32>} : memref<4x32x768xf32, #tpu.memory_space<vmem>>, vector<1x1x16xf32>,
        %get3A_863 = vector.shape_cast %get3A_862 : vector<1x1x16xf32> to vector<16xf32>
        %add3A_864 = arith.addf %get3A_863, %get3A_700 : vector<16xf32>
        %swap3A_865 = arith.index_cast %select_n3A_525 : i32 to index
        %swap3A_866 = arith.index_cast %add3A_787 : i32 to index
        %swap3A_867 = arith.constant 96 : index
        %swap3A_868 = tpu.vector_load %arg7[%swap3A_865, %swap3A_866, %swap3A_867] {strides = array<i32>} : memref<4x32x768xf32, #tpu.memory_space<vmem>>, vector<1x1x16xf32>,
        %swap3A_869 = vector.shape_cast %swap3A_868 : vector<1x1x16xf32> to vector<16xf32>
        %swap3A_870 = vector.shape_cast %add3A_864 : vector<16xf32> to vector<1x1x16xf32>
        tpu.vector_store %arg7[%swap3A_865, %swap3A_866, %swap3A_867], %swap3A_870 {strides = array<i32>} : memref<4x32x768xf32, #tpu.memory_space<vmem>>, vector<1x1x16xf32>,
        %get3A_871 = arith.index_cast %select_n3A_525 : i32 to index
        %get3A_872 = arith.index_cast %add3A_787 : i32 to index
        %get3A_873 = arith.constant 112 : index
        %get3A_874 = tpu.vector_load %arg7[%get3A_871, %get3A_872, %get3A_873] {strides = array<i32>} : memref<4x32x768xf32, #tpu.memory_space<vmem>>, vector<1x1x16xf32>,
        %get3A_875 = vector.shape_cast %get3A_874 : vector<1x1x16xf32> to vector<16xf32>
        %add3A_876 = arith.addf %get3A_875, %get3A_705 : vector<16xf32>
        %swap3A_877 = arith.index_cast %select_n3A_525 : i32 to index
        %swap3A_878 = arith.index_cast %add3A_787 : i32 to index
        %swap3A_879 = arith.constant 112 : index
        %swap3A_880 = tpu.vector_load %arg7[%swap3A_877, %swap3A_878, %swap3A_879] {strides = array<i32>} : memref<4x32x768xf32, #tpu.memory_space<vmem>>, vector<1x1x16xf32>,
        %swap3A_881 = vector.shape_cast %swap3A_880 : vector<1x1x16xf32> to vector<16xf32>
        %swap3A_882 = vector.shape_cast %add3A_876 : vector<16xf32> to vector<1x1x16xf32>
        tpu.vector_store %arg7[%swap3A_877, %swap3A_878, %swap3A_879], %swap3A_882 {strides = array<i32>} : memref<4x32x768xf32, #tpu.memory_space<vmem>>, vector<1x1x16xf32>,
        %get3A_883 = arith.index_cast %select_n3A_525 : i32 to index
        %get3A_884 = arith.index_cast %add3A_787 : i32 to index
        %get3A_885 = arith.constant 128 : index
        %get3A_886 = tpu.vector_load %arg7[%get3A_883, %get3A_884, %get3A_885] {strides = array<i32>} : memref<4x32x768xf32, #tpu.memory_space<vmem>>, vector<1x1x16xf32>,
        %get3A_887 = vector.shape_cast %get3A_886 : vector<1x1x16xf32> to vector<16xf32>
        %add3A_888 = arith.addf %get3A_887, %get3A_710 : vector<16xf32>
        %swap3A_889 = arith.index_cast %select_n3A_525 : i32 to index
        %swap3A_890 = arith.index_cast %add3A_787 : i32 to index
        %swap3A_891 = arith.constant 128 : index
        %swap3A_892 = tpu.vector_load %arg7[%swap3A_889, %swap3A_890, %swap3A_891] {strides = array<i32>} : memref<4x32x768xf32, #tpu.memory_space<vmem>>, vector<1x1x16xf32>,
        %swap3A_893 = vector.shape_cast %swap3A_892 : vector<1x1x16xf32> to vector<16xf32>
        %swap3A_894 = vector.shape_cast %add3A_888 : vector<16xf32> to vector<1x1x16xf32>
        tpu.vector_store %arg7[%swap3A_889, %swap3A_890, %swap3A_891], %swap3A_894 {strides = array<i32>} : memref<4x32x768xf32, #tpu.memory_space<vmem>>, vector<1x1x16xf32>,
        %get3A_895 = arith.index_cast %select_n3A_525 : i32 to index
        %get3A_896 = arith.index_cast %add3A_787 : i32 to index
        %get3A_897 = arith.constant 144 : index
        %get3A_898 = tpu.vector_load %arg7[%get3A_895, %get3A_896, %get3A_897] {strides = array<i32>} : memref<4x32x768xf32, #tpu.memory_space<vmem>>, vector<1x1x16xf32>,
        %get3A_899 = vector.shape_cast %get3A_898 : vector<1x1x16xf32> to vector<16xf32>
        %add3A_900 = arith.addf %get3A_899, %get3A_715 : vector<16xf32>
        %swap3A_901 = arith.index_cast %select_n3A_525 : i32 to index
        %swap3A_902 = arith.index_cast %add3A_787 : i32 to index
        %swap3A_903 = arith.constant 144 : index
        %swap3A_904 = tpu.vector_load %arg7[%swap3A_901, %swap3A_902, %swap3A_903] {strides = array<i32>} : memref<4x32x768xf32, #tpu.memory_space<vmem>>, vector<1x1x16xf32>,
        %swap3A_905 = vector.shape_cast %swap3A_904 : vector<1x1x16xf32> to vector<16xf32>
        %swap3A_906 = vector.shape_cast %add3A_900 : vector<16xf32> to vector<1x1x16xf32>
        tpu.vector_store %arg7[%swap3A_901, %swap3A_902, %swap3A_903], %swap3A_906 {strides = array<i32>} : memref<4x32x768xf32, #tpu.memory_space<vmem>>, vector<1x1x16xf32>,
        %get3A_907 = arith.index_cast %select_n3A_525 : i32 to index
        %get3A_908 = arith.index_cast %add3A_787 : i32 to index
        %get3A_909 = arith.constant 160 : index
        %get3A_910 = tpu.vector_load %arg7[%get3A_907, %get3A_908, %get3A_909] {strides = array<i32>} : memref<4x32x768xf32, #tpu.memory_space<vmem>>, vector<1x1x16xf32>,
        %get3A_911 = vector.shape_cast %get3A_910 : vector<1x1x16xf32> to vector<16xf32>
        %add3A_912 = arith.addf %get3A_911, %get3A_720 : vector<16xf32>
        %swap3A_913 = arith.index_cast %select_n3A_525 : i32 to index
        %swap3A_914 = arith.index_cast %add3A_787 : i32 to index
        %swap3A_915 = arith.constant 160 : index
        %swap3A_916 = tpu.vector_load %arg7[%swap3A_913, %swap3A_914, %swap3A_915] {strides = array<i32>} : memref<4x32x768xf32, #tpu.memory_space<vmem>>, vector<1x1x16xf32>,
        %swap3A_917 = vector.shape_cast %swap3A_916 : vector<1x1x16xf32> to vector<16xf32>
        %swap3A_918 = vector.shape_cast %add3A_912 : vector<16xf32> to vector<1x1x16xf32>
        tpu.vector_store %arg7[%swap3A_913, %swap3A_914, %swap3A_915], %swap3A_918 {strides = array<i32>} : memref<4x32x768xf32, #tpu.memory_space<vmem>>, vector<1x1x16xf32>,
        %get3A_919 = arith.index_cast %select_n3A_525 : i32 to index
        %get3A_920 = arith.index_cast %add3A_787 : i32 to index
        %get3A_921 = arith.constant 176 : index
        %get3A_922 = tpu.vector_load %arg7[%get3A_919, %get3A_920, %get3A_921] {strides = array<i32>} : memref<4x32x768xf32, #tpu.memory_space<vmem>>, vector<1x1x16xf32>,
        %get3A_923 = vector.shape_cast %get3A_922 : vector<1x1x16xf32> to vector<16xf32>
        %add3A_924 = arith.addf %get3A_923, %get3A_725 : vector<16xf32>
        %swap3A_925 = arith.index_cast %select_n3A_525 : i32 to index
        %swap3A_926 = arith.index_cast %add3A_787 : i32 to index
        %swap3A_927 = arith.constant 176 : index
        %swap3A_928 = tpu.vector_load %arg7[%swap3A_925, %swap3A_926, %swap3A_927] {strides = array<i32>} : memref<4x32x768xf32, #tpu.memory_space<vmem>>, vector<1x1x16xf32>,
        %swap3A_929 = vector.shape_cast %swap3A_928 : vector<1x1x16xf32> to vector<16xf32>
        %swap3A_930 = vector.shape_cast %add3A_924 : vector<16xf32> to vector<1x1x16xf32>
        tpu.vector_store %arg7[%swap3A_925, %swap3A_926, %swap3A_927], %swap3A_930 {strides = array<i32>} : memref<4x32x768xf32, #tpu.memory_space<vmem>>, vector<1x1x16xf32>,
        %get3A_931 = arith.index_cast %select_n3A_525 : i32 to index
        %get3A_932 = arith.index_cast %add3A_787 : i32 to index
        %get3A_933 = arith.constant 192 : index
        %get3A_934 = tpu.vector_load %arg7[%get3A_931, %get3A_932, %get3A_933] {strides = array<i32>} : memref<4x32x768xf32, #tpu.memory_space<vmem>>, vector<1x1x16xf32>,
        %get3A_935 = vector.shape_cast %get3A_934 : vector<1x1x16xf32> to vector<16xf32>
        %add3A_936 = arith.addf %get3A_935, %get3A_730 : vector<16xf32>
        %swap3A_937 = arith.index_cast %select_n3A_525 : i32 to index
        %swap3A_938 = arith.index_cast %add3A_787 : i32 to index
        %swap3A_939 = arith.constant 192 : index
        %swap3A_940 = tpu.vector_load %arg7[%swap3A_937, %swap3A_938, %swap3A_939] {strides = array<i32>} : memref<4x32x768xf32, #tpu.memory_space<vmem>>, vector<1x1x16xf32>,
        %swap3A_941 = vector.shape_cast %swap3A_940 : vector<1x1x16xf32> to vector<16xf32>
        %swap3A_942 = vector.shape_cast %add3A_936 : vector<16xf32> to vector<1x1x16xf32>
        tpu.vector_store %arg7[%swap3A_937, %swap3A_938, %swap3A_939], %swap3A_942 {strides = array<i32>} : memref<4x32x768xf32, #tpu.memory_space<vmem>>, vector<1x1x16xf32>,
        %get3A_943 = arith.index_cast %select_n3A_525 : i32 to index
        %get3A_944 = arith.index_cast %add3A_787 : i32 to index
        %get3A_945 = arith.constant 208 : index
        %get3A_946 = tpu.vector_load %arg7[%get3A_943, %get3A_944, %get3A_945] {strides = array<i32>} : memref<4x32x768xf32, #tpu.memory_space<vmem>>, vector<1x1x16xf32>,
        %get3A_947 = vector.shape_cast %get3A_946 : vector<1x1x16xf32> to vector<16xf32>
        %add3A_948 = arith.addf %get3A_947, %get3A_735 : vector<16xf32>
        %swap3A_949 = arith.index_cast %select_n3A_525 : i32 to index
        %swap3A_950 = arith.index_cast %add3A_787 : i32 to index
        %swap3A_951 = arith.constant 208 : index
        %swap3A_952 = tpu.vector_load %arg7[%swap3A_949, %swap3A_950, %swap3A_951] {strides = array<i32>} : memref<4x32x768xf32, #tpu.memory_space<vmem>>, vector<1x1x16xf32>,
        %swap3A_953 = vector.shape_cast %swap3A_952 : vector<1x1x16xf32> to vector<16xf32>
        %swap3A_954 = vector.shape_cast %add3A_948 : vector<16xf32> to vector<1x1x16xf32>
        tpu.vector_store %arg7[%swap3A_949, %swap3A_950, %swap3A_951], %swap3A_954 {strides = array<i32>} : memref<4x32x768xf32, #tpu.memory_space<vmem>>, vector<1x1x16xf32>,
        %get3A_955 = arith.index_cast %select_n3A_525 : i32 to index
        %get3A_956 = arith.index_cast %add3A_787 : i32 to index
        %get3A_957 = arith.constant 224 : index
        %get3A_958 = tpu.vector_load %arg7[%get3A_955, %get3A_956, %get3A_957] {strides = array<i32>} : memref<4x32x768xf32, #tpu.memory_space<vmem>>, vector<1x1x16xf32>,
        %get3A_959 = vector.shape_cast %get3A_958 : vector<1x1x16xf32> to vector<16xf32>
        %add3A_960 = arith.addf %get3A_959, %get3A_740 : vector<16xf32>
        %swap3A_961 = arith.index_cast %select_n3A_525 : i32 to index
        %swap3A_962 = arith.index_cast %add3A_787 : i32 to index
        %swap3A_963 = arith.constant 224 : index
        %swap3A_964 = tpu.vector_load %arg7[%swap3A_961, %swap3A_962, %swap3A_963] {strides = array<i32>} : memref<4x32x768xf32, #tpu.memory_space<vmem>>, vector<1x1x16xf32>,
        %swap3A_965 = vector.shape_cast %swap3A_964 : vector<1x1x16xf32> to vector<16xf32>
        %swap3A_966 = vector.shape_cast %add3A_960 : vector<16xf32> to vector<1x1x16xf32>
        tpu.vector_store %arg7[%swap3A_961, %swap3A_962, %swap3A_963], %swap3A_966 {strides = array<i32>} : memref<4x32x768xf32, #tpu.memory_space<vmem>>, vector<1x1x16xf32>,
        %get3A_967 = arith.index_cast %select_n3A_525 : i32 to index
        %get3A_968 = arith.index_cast %add3A_787 : i32 to index
        %get3A_969 = arith.constant 240 : index
        %get3A_970 = tpu.vector_load %arg7[%get3A_967, %get3A_968, %get3A_969] {strides = array<i32>} : memref<4x32x768xf32, #tpu.memory_space<vmem>>, vector<1x1x16xf32>,
        %get3A_971 = vector.shape_cast %get3A_970 : vector<1x1x16xf32> to vector<16xf32>
        %add3A_972 = arith.addf %get3A_971, %get3A_745 : vector<16xf32>
        %swap3A_973 = arith.index_cast %select_n3A_525 : i32 to index
        %swap3A_974 = arith.index_cast %add3A_787 : i32 to index
        %swap3A_975 = arith.constant 240 : index
        %swap3A_976 = tpu.vector_load %arg7[%swap3A_973, %swap3A_974, %swap3A_975] {strides = array<i32>} : memref<4x32x768xf32, #tpu.memory_space<vmem>>, vector<1x1x16xf32>,
        %swap3A_977 = vector.shape_cast %swap3A_976 : vector<1x1x16xf32> to vector<16xf32>
        %swap3A_978 = vector.shape_cast %add3A_972 : vector<16xf32> to vector<1x1x16xf32>
        tpu.vector_store %arg7[%swap3A_973, %swap3A_974, %swap3A_975], %swap3A_978 {strides = array<i32>} : memref<4x32x768xf32, #tpu.memory_space<vmem>>, vector<1x1x16xf32>,
        %get3A_979 = arith.index_cast %select_n3A_525 : i32 to index
        %get3A_980 = arith.index_cast %add3A_787 : i32 to index
        %get3A_981 = arith.constant 256 : index
        %get3A_982 = tpu.vector_load %arg7[%get3A_979, %get3A_980, %get3A_981] {strides = array<i32>} : memref<4x32x768xf32, #tpu.memory_space<vmem>>, vector<1x1x16xf32>,
        %get3A_983 = vector.shape_cast %get3A_982 : vector<1x1x16xf32> to vector<16xf32>
        %add3A_984 = arith.addf %get3A_983, %get3A_750 : vector<16xf32>
        %swap3A_985 = arith.index_cast %select_n3A_525 : i32 to index
        %swap3A_986 = arith.index_cast %add3A_787 : i32 to index
        %swap3A_987 = arith.constant 256 : index
        %swap3A_988 = tpu.vector_load %arg7[%swap3A_985, %swap3A_986, %swap3A_987] {strides = array<i32>} : memref<4x32x768xf32, #tpu.memory_space<vmem>>, vector<1x1x16xf32>,
        %swap3A_989 = vector.shape_cast %swap3A_988 : vector<1x1x16xf32> to vector<16xf32>
        %swap3A_990 = vector.shape_cast %add3A_984 : vector<16xf32> to vector<1x1x16xf32>
        tpu.vector_store %arg7[%swap3A_985, %swap3A_986, %swap3A_987], %swap3A_990 {strides = array<i32>} : memref<4x32x768xf32, #tpu.memory_space<vmem>>, vector<1x1x16xf32>,
        %get3A_991 = arith.index_cast %select_n3A_525 : i32 to index
        %get3A_992 = arith.index_cast %add3A_787 : i32 to index
        %get3A_993 = arith.constant 272 : index
        %get3A_994 = tpu.vector_load %arg7[%get3A_991, %get3A_992, %get3A_993] {strides = array<i32>} : memref<4x32x768xf32, #tpu.memory_space<vmem>>, vector<1x1x16xf32>,
        %get3A_995 = vector.shape_cast %get3A_994 : vector<1x1x16xf32> to vector<16xf32>
        %add3A_996 = arith.addf %get3A_995, %get3A_755 : vector<16xf32>
        %swap3A_997 = arith.index_cast %select_n3A_525 : i32 to index
        %swap3A_998 = arith.index_cast %add3A_787 : i32 to index
        %swap3A_999 = arith.constant 272 : index
        %swap3A_1000 = tpu.vector_load %arg7[%swap3A_997, %swap3A_998, %swap3A_999] {strides = array<i32>} : memref<4x32x768xf32, #tpu.memory_space<vmem>>, vector<1x1x16xf32>,
        %swap3A_1001 = vector.shape_cast %swap3A_1000 : vector<1x1x16xf32> to vector<16xf32>
        %swap3A_1002 = vector.shape_cast %add3A_996 : vector<16xf32> to vector<1x1x16xf32>
        tpu.vector_store %arg7[%swap3A_997, %swap3A_998, %swap3A_999], %swap3A_1002 {strides = array<i32>} : memref<4x32x768xf32, #tpu.memory_space<vmem>>, vector<1x1x16xf32>,
        %get3A_1003 = arith.index_cast %select_n3A_525 : i32 to index
        %get3A_1004 = arith.index_cast %add3A_787 : i32 to index
        %get3A_1005 = arith.constant 288 : index
        %get3A_1006 = tpu.vector_load %arg7[%get3A_1003, %get3A_1004, %get3A_1005] {strides = array<i32>} : memref<4x32x768xf32, #tpu.memory_space<vmem>>, vector<1x1x16xf32>,
        %get3A_1007 = vector.shape_cast %get3A_1006 : vector<1x1x16xf32> to vector<16xf32>
        %add3A_1008 = arith.addf %get3A_1007, %get3A_760 : vector<16xf32>
        %swap3A_1009 = arith.index_cast %select_n3A_525 : i32 to index
        %swap3A_1010 = arith.index_cast %add3A_787 : i32 to index
        %swap3A_1011 = arith.constant 288 : index
        %swap3A_1012 = tpu.vector_load %arg7[%swap3A_1009, %swap3A_1010, %swap3A_1011] {strides = array<i32>} : memref<4x32x768xf32, #tpu.memory_space<vmem>>, vector<1x1x16xf32>,
        %swap3A_1013 = vector.shape_cast %swap3A_1012 : vector<1x1x16xf32> to vector<16xf32>
        %swap3A_1014 = vector.shape_cast %add3A_1008 : vector<16xf32> to vector<1x1x16xf32>
        tpu.vector_store %arg7[%swap3A_1009, %swap3A_1010, %swap3A_1011], %swap3A_1014 {strides = array<i32>} : memref<4x32x768xf32, #tpu.memory_space<vmem>>, vector<1x1x16xf32>,
        %get3A_1015 = arith.index_cast %select_n3A_525 : i32 to index
        %get3A_1016 = arith.index_cast %add3A_787 : i32 to index
        %get3A_1017 = arith.constant 304 : index
        %get3A_1018 = tpu.vector_load %arg7[%get3A_1015, %get3A_1016, %get3A_1017] {strides = array<i32>} : memref<4x32x768xf32, #tpu.memory_space<vmem>>, vector<1x1x16xf32>,
        %get3A_1019 = vector.shape_cast %get3A_1018 : vector<1x1x16xf32> to vector<16xf32>
        %add3A_1020 = arith.addf %get3A_1019, %get3A_765 : vector<16xf32>
        %swap3A_1021 = arith.index_cast %select_n3A_525 : i32 to index
        %swap3A_1022 = arith.index_cast %add3A_787 : i32 to index
        %swap3A_1023 = arith.constant 304 : index
        %swap3A_1024 = tpu.vector_load %arg7[%swap3A_1021, %swap3A_1022, %swap3A_1023] {strides = array<i32>} : memref<4x32x768xf32, #tpu.memory_space<vmem>>, vector<1x1x16xf32>,
        %swap3A_1025 = vector.shape_cast %swap3A_1024 : vector<1x1x16xf32> to vector<16xf32>
        %swap3A_1026 = vector.shape_cast %add3A_1020 : vector<16xf32> to vector<1x1x16xf32>
        tpu.vector_store %arg7[%swap3A_1021, %swap3A_1022, %swap3A_1023], %swap3A_1026 {strides = array<i32>} : memref<4x32x768xf32, #tpu.memory_space<vmem>>, vector<1x1x16xf32>,
        %get3A_1027 = arith.index_cast %select_n3A_525 : i32 to index
        %get3A_1028 = arith.index_cast %add3A_787 : i32 to index
        %get3A_1029 = arith.constant 320 : index
        %get3A_1030 = tpu.vector_load %arg7[%get3A_1027, %get3A_1028, %get3A_1029] {strides = array<i32>} : memref<4x32x768xf32, #tpu.memory_space<vmem>>, vector<1x1x16xf32>,
        %get3A_1031 = vector.shape_cast %get3A_1030 : vector<1x1x16xf32> to vector<16xf32>
        %add3A_1032 = arith.addf %get3A_1031, %get3A_770 : vector<16xf32>
        %swap3A_1033 = arith.index_cast %select_n3A_525 : i32 to index
        %swap3A_1034 = arith.index_cast %add3A_787 : i32 to index
        %swap3A_1035 = arith.constant 320 : index
        %swap3A_1036 = tpu.vector_load %arg7[%swap3A_1033, %swap3A_1034, %swap3A_1035] {strides = array<i32>} : memref<4x32x768xf32, #tpu.memory_space<vmem>>, vector<1x1x16xf32>,
        %swap3A_1037 = vector.shape_cast %swap3A_1036 : vector<1x1x16xf32> to vector<16xf32>
        %swap3A_1038 = vector.shape_cast %add3A_1032 : vector<16xf32> to vector<1x1x16xf32>
        tpu.vector_store %arg7[%swap3A_1033, %swap3A_1034, %swap3A_1035], %swap3A_1038 {strides = array<i32>} : memref<4x32x768xf32, #tpu.memory_space<vmem>>, vector<1x1x16xf32>,
        %get3A_1039 = arith.index_cast %select_n3A_525 : i32 to index
        %get3A_1040 = arith.index_cast %add3A_787 : i32 to index
        %get3A_1041 = arith.constant 336 : index
        %get3A_1042 = tpu.vector_load %arg7[%get3A_1039, %get3A_1040, %get3A_1041] {strides = array<i32>} : memref<4x32x768xf32, #tpu.memory_space<vmem>>, vector<1x1x16xf32>,
        %get3A_1043 = vector.shape_cast %get3A_1042 : vector<1x1x16xf32> to vector<16xf32>
        %add3A_1044 = arith.addf %get3A_1043, %get3A_775 : vector<16xf32>
        %swap3A_1045 = arith.index_cast %select_n3A_525 : i32 to index
        %swap3A_1046 = arith.index_cast %add3A_787 : i32 to index
        %swap3A_1047 = arith.constant 336 : index
        %swap3A_1048 = tpu.vector_load %arg7[%swap3A_1045, %swap3A_1046, %swap3A_1047] {strides = array<i32>} : memref<4x32x768xf32, #tpu.memory_space<vmem>>, vector<1x1x16xf32>,
        %swap3A_1049 = vector.shape_cast %swap3A_1048 : vector<1x1x16xf32> to vector<16xf32>
        %swap3A_1050 = vector.shape_cast %add3A_1044 : vector<16xf32> to vector<1x1x16xf32>
        tpu.vector_store %arg7[%swap3A_1045, %swap3A_1046, %swap3A_1047], %swap3A_1050 {strides = array<i32>} : memref<4x32x768xf32, #tpu.memory_space<vmem>>, vector<1x1x16xf32>,
        %get3A_1051 = arith.index_cast %select_n3A_525 : i32 to index
        %get3A_1052 = arith.index_cast %add3A_787 : i32 to index
        %get3A_1053 = arith.constant 352 : index
        %get3A_1054 = tpu.vector_load %arg7[%get3A_1051, %get3A_1052, %get3A_1053] {strides = array<i32>} : memref<4x32x768xf32, #tpu.memory_space<vmem>>, vector<1x1x16xf32>,
        %get3A_1055 = vector.shape_cast %get3A_1054 : vector<1x1x16xf32> to vector<16xf32>
        %add3A_1056 = arith.addf %get3A_1055, %get3A_780 : vector<16xf32>
        %swap3A_1057 = arith.index_cast %select_n3A_525 : i32 to index
        %swap3A_1058 = arith.index_cast %add3A_787 : i32 to index
        %swap3A_1059 = arith.constant 352 : index
        %swap3A_1060 = tpu.vector_load %arg7[%swap3A_1057, %swap3A_1058, %swap3A_1059] {strides = array<i32>} : memref<4x32x768xf32, #tpu.memory_space<vmem>>, vector<1x1x16xf32>,
        %swap3A_1061 = vector.shape_cast %swap3A_1060 : vector<1x1x16xf32> to vector<16xf32>
        %swap3A_1062 = vector.shape_cast %add3A_1056 : vector<16xf32> to vector<1x1x16xf32>
        tpu.vector_store %arg7[%swap3A_1057, %swap3A_1058, %swap3A_1059], %swap3A_1062 {strides = array<i32>} : memref<4x32x768xf32, #tpu.memory_space<vmem>>, vector<1x1x16xf32>,
        %get3A_1063 = arith.index_cast %select_n3A_525 : i32 to index
        %get3A_1064 = arith.index_cast %add3A_787 : i32 to index
        %get3A_1065 = arith.constant 368 : index
        %get3A_1066 = tpu.vector_load %arg7[%get3A_1063, %get3A_1064, %get3A_1065] {strides = array<i32>} : memref<4x32x768xf32, #tpu.memory_space<vmem>>, vector<1x1x16xf32>,
        %get3A_1067 = vector.shape_cast %get3A_1066 : vector<1x1x16xf32> to vector<16xf32>
        %add3A_1068 = arith.addf %get3A_1067, %get3A_785 : vector<16xf32>
        %swap3A_1069 = arith.index_cast %select_n3A_525 : i32 to index
        %swap3A_1070 = arith.index_cast %add3A_787 : i32 to index
        %swap3A_1071 = arith.constant 368 : index
        %swap3A_1072 = tpu.vector_load %arg7[%swap3A_1069, %swap3A_1070, %swap3A_1071] {strides = array<i32>} : memref<4x32x768xf32, #tpu.memory_space<vmem>>, vector<1x1x16xf32>,
        %swap3A_1073 = vector.shape_cast %swap3A_1072 : vector<1x1x16xf32> to vector<16xf32>
        %swap3A_1074 = vector.shape_cast %add3A_1068 : vector<16xf32> to vector<1x1x16xf32>
        tpu.vector_store %arg7[%swap3A_1069, %swap3A_1070, %swap3A_1071], %swap3A_1074 {strides = array<i32>} : memref<4x32x768xf32, #tpu.memory_space<vmem>>, vector<1x1x16xf32>,
        %add3A_1075 = arith.constant 16 : i32
        %add3A_1076 = arith.addi %add3A_1075, %scan3A_665 : i32
        %get3A_1077 = arith.index_cast %select_n3A_525 : i32 to index
        %get3A_1078 = arith.index_cast %add3A_1076 : i32 to index
        %get3A_1079 = arith.constant 0 : index
        %get3A_1080 = tpu.vector_load %arg7[%get3A_1077, %get3A_1078, %get3A_1079] {strides = array<i32>} : memref<4x32x768xf32, #tpu.memory_space<vmem>>, vector<1x1x16xf32>,
        %get3A_1081 = vector.shape_cast %get3A_1080 : vector<1x1x16xf32> to vector<16xf32>
        %add3A_1082 = arith.addf %get3A_1081, %get3A_670 : vector<16xf32>
        %swap3A_1083 = arith.index_cast %select_n3A_525 : i32 to index
        %swap3A_1084 = arith.index_cast %add3A_1076 : i32 to index
        %swap3A_1085 = arith.constant 0 : index
        %swap3A_1086 = tpu.vector_load %arg7[%swap3A_1083, %swap3A_1084, %swap3A_1085] {strides = array<i32>} : memref<4x32x768xf32, #tpu.memory_space<vmem>>, vector<1x1x16xf32>,
        %swap3A_1087 = vector.shape_cast %swap3A_1086 : vector<1x1x16xf32> to vector<16xf32>
        %swap3A_1088 = vector.shape_cast %add3A_1082 : vector<16xf32> to vector<1x1x16xf32>
        tpu.vector_store %arg7[%swap3A_1083, %swap3A_1084, %swap3A_1085], %swap3A_1088 {strides = array<i32>} : memref<4x32x768xf32, #tpu.memory_space<vmem>>, vector<1x1x16xf32>,
        %get3A_1089 = arith.index_cast %select_n3A_525 : i32 to index
        %get3A_1090 = arith.index_cast %add3A_1076 : i32 to index
        %get3A_1091 = arith.constant 16 : index
        %get3A_1092 = tpu.vector_load %arg7[%get3A_1089, %get3A_1090, %get3A_1091] {strides = array<i32>} : memref<4x32x768xf32, #tpu.memory_space<vmem>>, vector<1x1x16xf32>,
        %get3A_1093 = vector.shape_cast %get3A_1092 : vector<1x1x16xf32> to vector<16xf32>
        %add3A_1094 = arith.addf %get3A_1093, %get3A_675 : vector<16xf32>
        %swap3A_1095 = arith.index_cast %select_n3A_525 : i32 to index
        %swap3A_1096 = arith.index_cast %add3A_1076 : i32 to index
        %swap3A_1097 = arith.constant 16 : index
        %swap3A_1098 = tpu.vector_load %arg7[%swap3A_1095, %swap3A_1096, %swap3A_1097] {strides = array<i32>} : memref<4x32x768xf32, #tpu.memory_space<vmem>>, vector<1x1x16xf32>,
        %swap3A_1099 = vector.shape_cast %swap3A_1098 : vector<1x1x16xf32> to vector<16xf32>
        %swap3A_1100 = vector.shape_cast %add3A_1094 : vector<16xf32> to vector<1x1x16xf32>
        tpu.vector_store %arg7[%swap3A_1095, %swap3A_1096, %swap3A_1097], %swap3A_1100 {strides = array<i32>} : memref<4x32x768xf32, #tpu.memory_space<vmem>>, vector<1x1x16xf32>,
        %get3A_1101 = arith.index_cast %select_n3A_525 : i32 to index
        %get3A_1102 = arith.index_cast %add3A_1076 : i32 to index
        %get3A_1103 = arith.constant 32 : index
        %get3A_1104 = tpu.vector_load %arg7[%get3A_1101, %get3A_1102, %get3A_1103] {strides = array<i32>} : memref<4x32x768xf32, #tpu.memory_space<vmem>>, vector<1x1x16xf32>,
        %get3A_1105 = vector.shape_cast %get3A_1104 : vector<1x1x16xf32> to vector<16xf32>
        %add3A_1106 = arith.addf %get3A_1105, %get3A_680 : vector<16xf32>
        %swap3A_1107 = arith.index_cast %select_n3A_525 : i32 to index
        %swap3A_1108 = arith.index_cast %add3A_1076 : i32 to index
        %swap3A_1109 = arith.constant 32 : index
        %swap3A_1110 = tpu.vector_load %arg7[%swap3A_1107, %swap3A_1108, %swap3A_1109] {strides = array<i32>} : memref<4x32x768xf32, #tpu.memory_space<vmem>>, vector<1x1x16xf32>,
        %swap3A_1111 = vector.shape_cast %swap3A_1110 : vector<1x1x16xf32> to vector<16xf32>
        %swap3A_1112 = vector.shape_cast %add3A_1106 : vector<16xf32> to vector<1x1x16xf32>
        tpu.vector_store %arg7[%swap3A_1107, %swap3A_1108, %swap3A_1109], %swap3A_1112 {strides = array<i32>} : memref<4x32x768xf32, #tpu.memory_space<vmem>>, vector<1x1x16xf32>,
        %get3A_1113 = arith.index_cast %select_n3A_525 : i32 to index
        %get3A_1114 = arith.index_cast %add3A_1076 : i32 to index
        %get3A_1115 = arith.constant 48 : index
        %get3A_1116 = tpu.vector_load %arg7[%get3A_1113, %get3A_1114, %get3A_1115] {strides = array<i32>} : memref<4x32x768xf32, #tpu.memory_space<vmem>>, vector<1x1x16xf32>,
        %get3A_1117 = vector.shape_cast %get3A_1116 : vector<1x1x16xf32> to vector<16xf32>
        %add3A_1118 = arith.addf %get3A_1117, %get3A_685 : vector<16xf32>
        %swap3A_1119 = arith.index_cast %select_n3A_525 : i32 to index
        %swap3A_1120 = arith.index_cast %add3A_1076 : i32 to index
        %swap3A_1121 = arith.constant 48 : index
        %swap3A_1122 = tpu.vector_load %arg7[%swap3A_1119, %swap3A_1120, %swap3A_1121] {strides = array<i32>} : memref<4x32x768xf32, #tpu.memory_space<vmem>>, vector<1x1x16xf32>,
        %swap3A_1123 = vector.shape_cast %swap3A_1122 : vector<1x1x16xf32> to vector<16xf32>
        %swap3A_1124 = vector.shape_cast %add3A_1118 : vector<16xf32> to vector<1x1x16xf32>
        tpu.vector_store %arg7[%swap3A_1119, %swap3A_1120, %swap3A_1121], %swap3A_1124 {strides = array<i32>} : memref<4x32x768xf32, #tpu.memory_space<vmem>>, vector<1x1x16xf32>,
        %get3A_1125 = arith.index_cast %select_n3A_525 : i32 to index
        %get3A_1126 = arith.index_cast %add3A_1076 : i32 to index
        %get3A_1127 = arith.constant 64 : index
        %get3A_1128 = tpu.vector_load %arg7[%get3A_1125, %get3A_1126, %get3A_1127] {strides = array<i32>} : memref<4x32x768xf32, #tpu.memory_space<vmem>>, vector<1x1x16xf32>,
        %get3A_1129 = vector.shape_cast %get3A_1128 : vector<1x1x16xf32> to vector<16xf32>
        %add3A_1130 = arith.addf %get3A_1129, %get3A_690 : vector<16xf32>
        %swap3A_1131 = arith.index_cast %select_n3A_525 : i32 to index
        %swap3A_1132 = arith.index_cast %add3A_1076 : i32 to index
        %swap3A_1133 = arith.constant 64 : index
        %swap3A_1134 = tpu.vector_load %arg7[%swap3A_1131, %swap3A_1132, %swap3A_1133] {strides = array<i32>} : memref<4x32x768xf32, #tpu.memory_space<vmem>>, vector<1x1x16xf32>,
        %swap3A_1135 = vector.shape_cast %swap3A_1134 : vector<1x1x16xf32> to vector<16xf32>
        %swap3A_1136 = vector.shape_cast %add3A_1130 : vector<16xf32> to vector<1x1x16xf32>
        tpu.vector_store %arg7[%swap3A_1131, %swap3A_1132, %swap3A_1133], %swap3A_1136 {strides = array<i32>} : memref<4x32x768xf32, #tpu.memory_space<vmem>>, vector<1x1x16xf32>,
        %get3A_1137 = arith.index_cast %select_n3A_525 : i32 to index
        %get3A_1138 = arith.index_cast %add3A_1076 : i32 to index
        %get3A_1139 = arith.constant 80 : index
        %get3A_1140 = tpu.vector_load %arg7[%get3A_1137, %get3A_1138, %get3A_1139] {strides = array<i32>} : memref<4x32x768xf32, #tpu.memory_space<vmem>>, vector<1x1x16xf32>,
        %get3A_1141 = vector.shape_cast %get3A_1140 : vector<1x1x16xf32> to vector<16xf32>
        %add3A_1142 = arith.addf %get3A_1141, %get3A_695 : vector<16xf32>
        %swap3A_1143 = arith.index_cast %select_n3A_525 : i32 to index
        %swap3A_1144 = arith.index_cast %add3A_1076 : i32 to index
        %swap3A_1145 = arith.constant 80 : index
        %swap3A_1146 = tpu.vector_load %arg7[%swap3A_1143, %swap3A_1144, %swap3A_1145] {strides = array<i32>} : memref<4x32x768xf32, #tpu.memory_space<vmem>>, vector<1x1x16xf32>,
        %swap3A_1147 = vector.shape_cast %swap3A_1146 : vector<1x1x16xf32> to vector<16xf32>
        %swap3A_1148 = vector.shape_cast %add3A_1142 : vector<16xf32> to vector<1x1x16xf32>
        tpu.vector_store %arg7[%swap3A_1143, %swap3A_1144, %swap3A_1145], %swap3A_1148 {strides = array<i32>} : memref<4x32x768xf32, #tpu.memory_space<vmem>>, vector<1x1x16xf32>,
        %get3A_1149 = arith.index_cast %select_n3A_525 : i32 to index
        %get3A_1150 = arith.index_cast %add3A_1076 : i32 to index
        %get3A_1151 = arith.constant 96 : index
        %get3A_1152 = tpu.vector_load %arg7[%get3A_1149, %get3A_1150, %get3A_1151] {strides = array<i32>} : memref<4x32x768xf32, #tpu.memory_space<vmem>>, vector<1x1x16xf32>,
        %get3A_1153 = vector.shape_cast %get3A_1152 : vector<1x1x16xf32> to vector<16xf32>
        %add3A_1154 = arith.addf %get3A_1153, %get3A_700 : vector<16xf32>
        %swap3A_1155 = arith.index_cast %select_n3A_525 : i32 to index
        %swap3A_1156 = arith.index_cast %add3A_1076 : i32 to index
        %swap3A_1157 = arith.constant 96 : index
        %swap3A_1158 = tpu.vector_load %arg7[%swap3A_1155, %swap3A_1156, %swap3A_1157] {strides = array<i32>} : memref<4x32x768xf32, #tpu.memory_space<vmem>>, vector<1x1x16xf32>,
        %swap3A_1159 = vector.shape_cast %swap3A_1158 : vector<1x1x16xf32> to vector<16xf32>
        %swap3A_1160 = vector.shape_cast %add3A_1154 : vector<16xf32> to vector<1x1x16xf32>
        tpu.vector_store %arg7[%swap3A_1155, %swap3A_1156, %swap3A_1157], %swap3A_1160 {strides = array<i32>} : memref<4x32x768xf32, #tpu.memory_space<vmem>>, vector<1x1x16xf32>,
        %get3A_1161 = arith.index_cast %select_n3A_525 : i32 to index
        %get3A_1162 = arith.index_cast %add3A_1076 : i32 to index
        %get3A_1163 = arith.constant 112 : index
        %get3A_1164 = tpu.vector_load %arg7[%get3A_1161, %get3A_1162, %get3A_1163] {strides = array<i32>} : memref<4x32x768xf32, #tpu.memory_space<vmem>>, vector<1x1x16xf32>,
        %get3A_1165 = vector.shape_cast %get3A_1164 : vector<1x1x16xf32> to vector<16xf32>
        %add3A_1166 = arith.addf %get3A_1165, %get3A_705 : vector<16xf32>
        %swap3A_1167 = arith.index_cast %select_n3A_525 : i32 to index
        %swap3A_1168 = arith.index_cast %add3A_1076 : i32 to index
        %swap3A_1169 = arith.constant 112 : index
        %swap3A_1170 = tpu.vector_load %arg7[%swap3A_1167, %swap3A_1168, %swap3A_1169] {strides = array<i32>} : memref<4x32x768xf32, #tpu.memory_space<vmem>>, vector<1x1x16xf32>,
        %swap3A_1171 = vector.shape_cast %swap3A_1170 : vector<1x1x16xf32> to vector<16xf32>
        %swap3A_1172 = vector.shape_cast %add3A_1166 : vector<16xf32> to vector<1x1x16xf32>
        tpu.vector_store %arg7[%swap3A_1167, %swap3A_1168, %swap3A_1169], %swap3A_1172 {strides = array<i32>} : memref<4x32x768xf32, #tpu.memory_space<vmem>>, vector<1x1x16xf32>,
        %get3A_1173 = arith.index_cast %select_n3A_525 : i32 to index
        %get3A_1174 = arith.index_cast %add3A_1076 : i32 to index
        %get3A_1175 = arith.constant 128 : index
        %get3A_1176 = tpu.vector_load %arg7[%get3A_1173, %get3A_1174, %get3A_1175] {strides = array<i32>} : memref<4x32x768xf32, #tpu.memory_space<vmem>>, vector<1x1x16xf32>,
        %get3A_1177 = vector.shape_cast %get3A_1176 : vector<1x1x16xf32> to vector<16xf32>
        %add3A_1178 = arith.addf %get3A_1177, %get3A_710 : vector<16xf32>
        %swap3A_1179 = arith.index_cast %select_n3A_525 : i32 to index
        %swap3A_1180 = arith.index_cast %add3A_1076 : i32 to index
        %swap3A_1181 = arith.constant 128 : index
        %swap3A_1182 = tpu.vector_load %arg7[%swap3A_1179, %swap3A_1180, %swap3A_1181] {strides = array<i32>} : memref<4x32x768xf32, #tpu.memory_space<vmem>>, vector<1x1x16xf32>,
        %swap3A_1183 = vector.shape_cast %swap3A_1182 : vector<1x1x16xf32> to vector<16xf32>
        %swap3A_1184 = vector.shape_cast %add3A_1178 : vector<16xf32> to vector<1x1x16xf32>
        tpu.vector_store %arg7[%swap3A_1179, %swap3A_1180, %swap3A_1181], %swap3A_1184 {strides = array<i32>} : memref<4x32x768xf32, #tpu.memory_space<vmem>>, vector<1x1x16xf32>,
        %get3A_1185 = arith.index_cast %select_n3A_525 : i32 to index
        %get3A_1186 = arith.index_cast %add3A_1076 : i32 to index
        %get3A_1187 = arith.constant 144 : index
        %get3A_1188 = tpu.vector_load %arg7[%get3A_1185, %get3A_1186, %get3A_1187] {strides = array<i32>} : memref<4x32x768xf32, #tpu.memory_space<vmem>>, vector<1x1x16xf32>,
        %get3A_1189 = vector.shape_cast %get3A_1188 : vector<1x1x16xf32> to vector<16xf32>
        %add3A_1190 = arith.addf %get3A_1189, %get3A_715 : vector<16xf32>
        %swap3A_1191 = arith.index_cast %select_n3A_525 : i32 to index
        %swap3A_1192 = arith.index_cast %add3A_1076 : i32 to index
        %swap3A_1193 = arith.constant 144 : index
        %swap3A_1194 = tpu.vector_load %arg7[%swap3A_1191, %swap3A_1192, %swap3A_1193] {strides = array<i32>} : memref<4x32x768xf32, #tpu.memory_space<vmem>>, vector<1x1x16xf32>,
        %swap3A_1195 = vector.shape_cast %swap3A_1194 : vector<1x1x16xf32> to vector<16xf32>
        %swap3A_1196 = vector.shape_cast %add3A_1190 : vector<16xf32> to vector<1x1x16xf32>
        tpu.vector_store %arg7[%swap3A_1191, %swap3A_1192, %swap3A_1193], %swap3A_1196 {strides = array<i32>} : memref<4x32x768xf32, #tpu.memory_space<vmem>>, vector<1x1x16xf32>,
        %get3A_1197 = arith.index_cast %select_n3A_525 : i32 to index
        %get3A_1198 = arith.index_cast %add3A_1076 : i32 to index
        %get3A_1199 = arith.constant 160 : index
        %get3A_1200 = tpu.vector_load %arg7[%get3A_1197, %get3A_1198, %get3A_1199] {strides = array<i32>} : memref<4x32x768xf32, #tpu.memory_space<vmem>>, vector<1x1x16xf32>,
        %get3A_1201 = vector.shape_cast %get3A_1200 : vector<1x1x16xf32> to vector<16xf32>
        %add3A_1202 = arith.addf %get3A_1201, %get3A_720 : vector<16xf32>
        %swap3A_1203 = arith.index_cast %select_n3A_525 : i32 to index
        %swap3A_1204 = arith.index_cast %add3A_1076 : i32 to index
        %swap3A_1205 = arith.constant 160 : index
        %swap3A_1206 = tpu.vector_load %arg7[%swap3A_1203, %swap3A_1204, %swap3A_1205] {strides = array<i32>} : memref<4x32x768xf32, #tpu.memory_space<vmem>>, vector<1x1x16xf32>,
        %swap3A_1207 = vector.shape_cast %swap3A_1206 : vector<1x1x16xf32> to vector<16xf32>
        %swap3A_1208 = vector.shape_cast %add3A_1202 : vector<16xf32> to vector<1x1x16xf32>
        tpu.vector_store %arg7[%swap3A_1203, %swap3A_1204, %swap3A_1205], %swap3A_1208 {strides = array<i32>} : memref<4x32x768xf32, #tpu.memory_space<vmem>>, vector<1x1x16xf32>,
        %get3A_1209 = arith.index_cast %select_n3A_525 : i32 to index
        %get3A_1210 = arith.index_cast %add3A_1076 : i32 to index
        %get3A_1211 = arith.constant 176 : index
        %get3A_1212 = tpu.vector_load %arg7[%get3A_1209, %get3A_1210, %get3A_1211] {strides = array<i32>} : memref<4x32x768xf32, #tpu.memory_space<vmem>>, vector<1x1x16xf32>,
        %get3A_1213 = vector.shape_cast %get3A_1212 : vector<1x1x16xf32> to vector<16xf32>
        %add3A_1214 = arith.addf %get3A_1213, %get3A_725 : vector<16xf32>
        %swap3A_1215 = arith.index_cast %select_n3A_525 : i32 to index
        %swap3A_1216 = arith.index_cast %add3A_1076 : i32 to index
        %swap3A_1217 = arith.constant 176 : index
        %swap3A_1218 = tpu.vector_load %arg7[%swap3A_1215, %swap3A_1216, %swap3A_1217] {strides = array<i32>} : memref<4x32x768xf32, #tpu.memory_space<vmem>>, vector<1x1x16xf32>,
        %swap3A_1219 = vector.shape_cast %swap3A_1218 : vector<1x1x16xf32> to vector<16xf32>
        %swap3A_1220 = vector.shape_cast %add3A_1214 : vector<16xf32> to vector<1x1x16xf32>
        tpu.vector_store %arg7[%swap3A_1215, %swap3A_1216, %swap3A_1217], %swap3A_1220 {strides = array<i32>} : memref<4x32x768xf32, #tpu.memory_space<vmem>>, vector<1x1x16xf32>,
        %get3A_1221 = arith.index_cast %select_n3A_525 : i32 to index
        %get3A_1222 = arith.index_cast %add3A_1076 : i32 to index
        %get3A_1223 = arith.constant 192 : index
        %get3A_1224 = tpu.vector_load %arg7[%get3A_1221, %get3A_1222, %get3A_1223] {strides = array<i32>} : memref<4x32x768xf32, #tpu.memory_space<vmem>>, vector<1x1x16xf32>,
        %get3A_1225 = vector.shape_cast %get3A_1224 : vector<1x1x16xf32> to vector<16xf32>
        %add3A_1226 = arith.addf %get3A_1225, %get3A_730 : vector<16xf32>
        %swap3A_1227 = arith.index_cast %select_n3A_525 : i32 to index
        %swap3A_1228 = arith.index_cast %add3A_1076 : i32 to index
        %swap3A_1229 = arith.constant 192 : index
        %swap3A_1230 = tpu.vector_load %arg7[%swap3A_1227, %swap3A_1228, %swap3A_1229] {strides = array<i32>} : memref<4x32x768xf32, #tpu.memory_space<vmem>>, vector<1x1x16xf32>,
        %swap3A_1231 = vector.shape_cast %swap3A_1230 : vector<1x1x16xf32> to vector<16xf32>
        %swap3A_1232 = vector.shape_cast %add3A_1226 : vector<16xf32> to vector<1x1x16xf32>
        tpu.vector_store %arg7[%swap3A_1227, %swap3A_1228, %swap3A_1229], %swap3A_1232 {strides = array<i32>} : memref<4x32x768xf32, #tpu.memory_space<vmem>>, vector<1x1x16xf32>,
        %get3A_1233 = arith.index_cast %select_n3A_525 : i32 to index
        %get3A_1234 = arith.index_cast %add3A_1076 : i32 to index
        %get3A_1235 = arith.constant 208 : index
        %get3A_1236 = tpu.vector_load %arg7[%get3A_1233, %get3A_1234, %get3A_1235] {strides = array<i32>} : memref<4x32x768xf32, #tpu.memory_space<vmem>>, vector<1x1x16xf32>,
        %get3A_1237 = vector.shape_cast %get3A_1236 : vector<1x1x16xf32> to vector<16xf32>
        %add3A_1238 = arith.addf %get3A_1237, %get3A_735 : vector<16xf32>
        %swap3A_1239 = arith.index_cast %select_n3A_525 : i32 to index
        %swap3A_1240 = arith.index_cast %add3A_1076 : i32 to index
        %swap3A_1241 = arith.constant 208 : index
        %swap3A_1242 = tpu.vector_load %arg7[%swap3A_1239, %swap3A_1240, %swap3A_1241] {strides = array<i32>} : memref<4x32x768xf32, #tpu.memory_space<vmem>>, vector<1x1x16xf32>,
        %swap3A_1243 = vector.shape_cast %swap3A_1242 : vector<1x1x16xf32> to vector<16xf32>
        %swap3A_1244 = vector.shape_cast %add3A_1238 : vector<16xf32> to vector<1x1x16xf32>
        tpu.vector_store %arg7[%swap3A_1239, %swap3A_1240, %swap3A_1241], %swap3A_1244 {strides = array<i32>} : memref<4x32x768xf32, #tpu.memory_space<vmem>>, vector<1x1x16xf32>,
        %get3A_1245 = arith.index_cast %select_n3A_525 : i32 to index
        %get3A_1246 = arith.index_cast %add3A_1076 : i32 to index
        %get3A_1247 = arith.constant 224 : index
        %get3A_1248 = tpu.vector_load %arg7[%get3A_1245, %get3A_1246, %get3A_1247] {strides = array<i32>} : memref<4x32x768xf32, #tpu.memory_space<vmem>>, vector<1x1x16xf32>,
        %get3A_1249 = vector.shape_cast %get3A_1248 : vector<1x1x16xf32> to vector<16xf32>
        %add3A_1250 = arith.addf %get3A_1249, %get3A_740 : vector<16xf32>
        %swap3A_1251 = arith.index_cast %select_n3A_525 : i32 to index
        %swap3A_1252 = arith.index_cast %add3A_1076 : i32 to index
        %swap3A_1253 = arith.constant 224 : index
        %swap3A_1254 = tpu.vector_load %arg7[%swap3A_1251, %swap3A_1252, %swap3A_1253] {strides = array<i32>} : memref<4x32x768xf32, #tpu.memory_space<vmem>>, vector<1x1x16xf32>,
        %swap3A_1255 = vector.shape_cast %swap3A_1254 : vector<1x1x16xf32> to vector<16xf32>
        %swap3A_1256 = vector.shape_cast %add3A_1250 : vector<16xf32> to vector<1x1x16xf32>
        tpu.vector_store %arg7[%swap3A_1251, %swap3A_1252, %swap3A_1253], %swap3A_1256 {strides = array<i32>} : memref<4x32x768xf32, #tpu.memory_space<vmem>>, vector<1x1x16xf32>,
        %get3A_1257 = arith.index_cast %select_n3A_525 : i32 to index
        %get3A_1258 = arith.index_cast %add3A_1076 : i32 to index
        %get3A_1259 = arith.constant 240 : index
        %get3A_1260 = tpu.vector_load %arg7[%get3A_1257, %get3A_1258, %get3A_1259] {strides = array<i32>} : memref<4x32x768xf32, #tpu.memory_space<vmem>>, vector<1x1x16xf32>,
        %get3A_1261 = vector.shape_cast %get3A_1260 : vector<1x1x16xf32> to vector<16xf32>
        %add3A_1262 = arith.addf %get3A_1261, %get3A_745 : vector<16xf32>
        %swap3A_1263 = arith.index_cast %select_n3A_525 : i32 to index
        %swap3A_1264 = arith.index_cast %add3A_1076 : i32 to index
        %swap3A_1265 = arith.constant 240 : index
        %swap3A_1266 = tpu.vector_load %arg7[%swap3A_1263, %swap3A_1264, %swap3A_1265] {strides = array<i32>} : memref<4x32x768xf32, #tpu.memory_space<vmem>>, vector<1x1x16xf32>,
        %swap3A_1267 = vector.shape_cast %swap3A_1266 : vector<1x1x16xf32> to vector<16xf32>
        %swap3A_1268 = vector.shape_cast %add3A_1262 : vector<16xf32> to vector<1x1x16xf32>
        tpu.vector_store %arg7[%swap3A_1263, %swap3A_1264, %swap3A_1265], %swap3A_1268 {strides = array<i32>} : memref<4x32x768xf32, #tpu.memory_space<vmem>>, vector<1x1x16xf32>,
        %get3A_1269 = arith.index_cast %select_n3A_525 : i32 to index
        %get3A_1270 = arith.index_cast %add3A_1076 : i32 to index
        %get3A_1271 = arith.constant 256 : index
        %get3A_1272 = tpu.vector_load %arg7[%get3A_1269, %get3A_1270, %get3A_1271] {strides = array<i32>} : memref<4x32x768xf32, #tpu.memory_space<vmem>>, vector<1x1x16xf32>,
        %get3A_1273 = vector.shape_cast %get3A_1272 : vector<1x1x16xf32> to vector<16xf32>
        %add3A_1274 = arith.addf %get3A_1273, %get3A_750 : vector<16xf32>
        %swap3A_1275 = arith.index_cast %select_n3A_525 : i32 to index
        %swap3A_1276 = arith.index_cast %add3A_1076 : i32 to index
        %swap3A_1277 = arith.constant 256 : index
        %swap3A_1278 = tpu.vector_load %arg7[%swap3A_1275, %swap3A_1276, %swap3A_1277] {strides = array<i32>} : memref<4x32x768xf32, #tpu.memory_space<vmem>>, vector<1x1x16xf32>,
        %swap3A_1279 = vector.shape_cast %swap3A_1278 : vector<1x1x16xf32> to vector<16xf32>
        %swap3A_1280 = vector.shape_cast %add3A_1274 : vector<16xf32> to vector<1x1x16xf32>
        tpu.vector_store %arg7[%swap3A_1275, %swap3A_1276, %swap3A_1277], %swap3A_1280 {strides = array<i32>} : memref<4x32x768xf32, #tpu.memory_space<vmem>>, vector<1x1x16xf32>,
        %get3A_1281 = arith.index_cast %select_n3A_525 : i32 to index
        %get3A_1282 = arith.index_cast %add3A_1076 : i32 to index
        %get3A_1283 = arith.constant 272 : index
        %get3A_1284 = tpu.vector_load %arg7[%get3A_1281, %get3A_1282, %get3A_1283] {strides = array<i32>} : memref<4x32x768xf32, #tpu.memory_space<vmem>>, vector<1x1x16xf32>,
        %get3A_1285 = vector.shape_cast %get3A_1284 : vector<1x1x16xf32> to vector<16xf32>
        %add3A_1286 = arith.addf %get3A_1285, %get3A_755 : vector<16xf32>
        %swap3A_1287 = arith.index_cast %select_n3A_525 : i32 to index
        %swap3A_1288 = arith.index_cast %add3A_1076 : i32 to index
        %swap3A_1289 = arith.constant 272 : index
        %swap3A_1290 = tpu.vector_load %arg7[%swap3A_1287, %swap3A_1288, %swap3A_1289] {strides = array<i32>} : memref<4x32x768xf32, #tpu.memory_space<vmem>>, vector<1x1x16xf32>,
        %swap3A_1291 = vector.shape_cast %swap3A_1290 : vector<1x1x16xf32> to vector<16xf32>
        %swap3A_1292 = vector.shape_cast %add3A_1286 : vector<16xf32> to vector<1x1x16xf32>
        tpu.vector_store %arg7[%swap3A_1287, %swap3A_1288, %swap3A_1289], %swap3A_1292 {strides = array<i32>} : memref<4x32x768xf32, #tpu.memory_space<vmem>>, vector<1x1x16xf32>,
        %get3A_1293 = arith.index_cast %select_n3A_525 : i32 to index
        %get3A_1294 = arith.index_cast %add3A_1076 : i32 to index
        %get3A_1295 = arith.constant 288 : index
        %get3A_1296 = tpu.vector_load %arg7[%get3A_1293, %get3A_1294, %get3A_1295] {strides = array<i32>} : memref<4x32x768xf32, #tpu.memory_space<vmem>>, vector<1x1x16xf32>,
        %get3A_1297 = vector.shape_cast %get3A_1296 : vector<1x1x16xf32> to vector<16xf32>
        %add3A_1298 = arith.addf %get3A_1297, %get3A_760 : vector<16xf32>
        %swap3A_1299 = arith.index_cast %select_n3A_525 : i32 to index
        %swap3A_1300 = arith.index_cast %add3A_1076 : i32 to index
        %swap3A_1301 = arith.constant 288 : index
        %swap3A_1302 = tpu.vector_load %arg7[%swap3A_1299, %swap3A_1300, %swap3A_1301] {strides = array<i32>} : memref<4x32x768xf32, #tpu.memory_space<vmem>>, vector<1x1x16xf32>,
        %swap3A_1303 = vector.shape_cast %swap3A_1302 : vector<1x1x16xf32> to vector<16xf32>
        %swap3A_1304 = vector.shape_cast %add3A_1298 : vector<16xf32> to vector<1x1x16xf32>
        tpu.vector_store %arg7[%swap3A_1299, %swap3A_1300, %swap3A_1301], %swap3A_1304 {strides = array<i32>} : memref<4x32x768xf32, #tpu.memory_space<vmem>>, vector<1x1x16xf32>,
        %get3A_1305 = arith.index_cast %select_n3A_525 : i32 to index
        %get3A_1306 = arith.index_cast %add3A_1076 : i32 to index
        %get3A_1307 = arith.constant 304 : index
        %get3A_1308 = tpu.vector_load %arg7[%get3A_1305, %get3A_1306, %get3A_1307] {strides = array<i32>} : memref<4x32x768xf32, #tpu.memory_space<vmem>>, vector<1x1x16xf32>,
        %get3A_1309 = vector.shape_cast %get3A_1308 : vector<1x1x16xf32> to vector<16xf32>
        %add3A_1310 = arith.addf %get3A_1309, %get3A_765 : vector<16xf32>
        %swap3A_1311 = arith.index_cast %select_n3A_525 : i32 to index
        %swap3A_1312 = arith.index_cast %add3A_1076 : i32 to index
        %swap3A_1313 = arith.constant 304 : index
        %swap3A_1314 = tpu.vector_load %arg7[%swap3A_1311, %swap3A_1312, %swap3A_1313] {strides = array<i32>} : memref<4x32x768xf32, #tpu.memory_space<vmem>>, vector<1x1x16xf32>,
        %swap3A_1315 = vector.shape_cast %swap3A_1314 : vector<1x1x16xf32> to vector<16xf32>
        %swap3A_1316 = vector.shape_cast %add3A_1310 : vector<16xf32> to vector<1x1x16xf32>
        tpu.vector_store %arg7[%swap3A_1311, %swap3A_1312, %swap3A_1313], %swap3A_1316 {strides = array<i32>} : memref<4x32x768xf32, #tpu.memory_space<vmem>>, vector<1x1x16xf32>,
        %get3A_1317 = arith.index_cast %select_n3A_525 : i32 to index
        %get3A_1318 = arith.index_cast %add3A_1076 : i32 to index
        %get3A_1319 = arith.constant 320 : index
        %get3A_1320 = tpu.vector_load %arg7[%get3A_1317, %get3A_1318, %get3A_1319] {strides = array<i32>} : memref<4x32x768xf32, #tpu.memory_space<vmem>>, vector<1x1x16xf32>,
        %get3A_1321 = vector.shape_cast %get3A_1320 : vector<1x1x16xf32> to vector<16xf32>
        %add3A_1322 = arith.addf %get3A_1321, %get3A_770 : vector<16xf32>
        %swap3A_1323 = arith.index_cast %select_n3A_525 : i32 to index
        %swap3A_1324 = arith.index_cast %add3A_1076 : i32 to index
        %swap3A_1325 = arith.constant 320 : index
        %swap3A_1326 = tpu.vector_load %arg7[%swap3A_1323, %swap3A_1324, %swap3A_1325] {strides = array<i32>} : memref<4x32x768xf32, #tpu.memory_space<vmem>>, vector<1x1x16xf32>,
        %swap3A_1327 = vector.shape_cast %swap3A_1326 : vector<1x1x16xf32> to vector<16xf32>
        %swap3A_1328 = vector.shape_cast %add3A_1322 : vector<16xf32> to vector<1x1x16xf32>
        tpu.vector_store %arg7[%swap3A_1323, %swap3A_1324, %swap3A_1325], %swap3A_1328 {strides = array<i32>} : memref<4x32x768xf32, #tpu.memory_space<vmem>>, vector<1x1x16xf32>,
        %get3A_1329 = arith.index_cast %select_n3A_525 : i32 to index
        %get3A_1330 = arith.index_cast %add3A_1076 : i32 to index
        %get3A_1331 = arith.constant 336 : index
        %get3A_1332 = tpu.vector_load %arg7[%get3A_1329, %get3A_1330, %get3A_1331] {strides = array<i32>} : memref<4x32x768xf32, #tpu.memory_space<vmem>>, vector<1x1x16xf32>,
        %get3A_1333 = vector.shape_cast %get3A_1332 : vector<1x1x16xf32> to vector<16xf32>
        %add3A_1334 = arith.addf %get3A_1333, %get3A_775 : vector<16xf32>
        %swap3A_1335 = arith.index_cast %select_n3A_525 : i32 to index
        %swap3A_1336 = arith.index_cast %add3A_1076 : i32 to index
        %swap3A_1337 = arith.constant 336 : index
        %swap3A_1338 = tpu.vector_load %arg7[%swap3A_1335, %swap3A_1336, %swap3A_1337] {strides = array<i32>} : memref<4x32x768xf32, #tpu.memory_space<vmem>>, vector<1x1x16xf32>,
        %swap3A_1339 = vector.shape_cast %swap3A_1338 : vector<1x1x16xf32> to vector<16xf32>
        %swap3A_1340 = vector.shape_cast %add3A_1334 : vector<16xf32> to vector<1x1x16xf32>
        tpu.vector_store %arg7[%swap3A_1335, %swap3A_1336, %swap3A_1337], %swap3A_1340 {strides = array<i32>} : memref<4x32x768xf32, #tpu.memory_space<vmem>>, vector<1x1x16xf32>,
        %get3A_1341 = arith.index_cast %select_n3A_525 : i32 to index
        %get3A_1342 = arith.index_cast %add3A_1076 : i32 to index
        %get3A_1343 = arith.constant 352 : index
        %get3A_1344 = tpu.vector_load %arg7[%get3A_1341, %get3A_1342, %get3A_1343] {strides = array<i32>} : memref<4x32x768xf32, #tpu.memory_space<vmem>>, vector<1x1x16xf32>,
        %get3A_1345 = vector.shape_cast %get3A_1344 : vector<1x1x16xf32> to vector<16xf32>
        %add3A_1346 = arith.addf %get3A_1345, %get3A_780 : vector<16xf32>
        %swap3A_1347 = arith.index_cast %select_n3A_525 : i32 to index
        %swap3A_1348 = arith.index_cast %add3A_1076 : i32 to index
        %swap3A_1349 = arith.constant 352 : index
        %swap3A_1350 = tpu.vector_load %arg7[%swap3A_1347, %swap3A_1348, %swap3A_1349] {strides = array<i32>} : memref<4x32x768xf32, #tpu.memory_space<vmem>>, vector<1x1x16xf32>,
        %swap3A_1351 = vector.shape_cast %swap3A_1350 : vector<1x1x16xf32> to vector<16xf32>
        %swap3A_1352 = vector.shape_cast %add3A_1346 : vector<16xf32> to vector<1x1x16xf32>
        tpu.vector_store %arg7[%swap3A_1347, %swap3A_1348, %swap3A_1349], %swap3A_1352 {strides = array<i32>} : memref<4x32x768xf32, #tpu.memory_space<vmem>>, vector<1x1x16xf32>,
        %get3A_1353 = arith.index_cast %select_n3A_525 : i32 to index
        %get3A_1354 = arith.index_cast %add3A_1076 : i32 to index
        %get3A_1355 = arith.constant 368 : index
        %get3A_1356 = tpu.vector_load %arg7[%get3A_1353, %get3A_1354, %get3A_1355] {strides = array<i32>} : memref<4x32x768xf32, #tpu.memory_space<vmem>>, vector<1x1x16xf32>,
        %get3A_1357 = vector.shape_cast %get3A_1356 : vector<1x1x16xf32> to vector<16xf32>
        %add3A_1358 = arith.addf %get3A_1357, %get3A_785 : vector<16xf32>
        %swap3A_1359 = arith.index_cast %select_n3A_525 : i32 to index
        %swap3A_1360 = arith.index_cast %add3A_1076 : i32 to index
        %swap3A_1361 = arith.constant 368 : index
        %swap3A_1362 = tpu.vector_load %arg7[%swap3A_1359, %swap3A_1360, %swap3A_1361] {strides = array<i32>} : memref<4x32x768xf32, #tpu.memory_space<vmem>>, vector<1x1x16xf32>,
        %swap3A_1363 = vector.shape_cast %swap3A_1362 : vector<1x1x16xf32> to vector<16xf32>
        %swap3A_1364 = vector.shape_cast %add3A_1358 : vector<16xf32> to vector<1x1x16xf32>
        tpu.vector_store %arg7[%swap3A_1359, %swap3A_1360, %swap3A_1361], %swap3A_1364 {strides = array<i32>} : memref<4x32x768xf32, #tpu.memory_space<vmem>>, vector<1x1x16xf32>,
        %get3A_1365 = arith.index_cast %select_n3A_578 : i32 to index
        %get3A_1366 = arith.index_cast %scan3A_665 : i32 to index
        %get3A_1367 = arith.constant 384 : index
        %get3A_1368 = tpu.vector_load %arg8[%get3A_1365, %get3A_1366, %get3A_1367] {strides = array<i32>} : memref<2x16x768xf32, #tpu.memory_space<vmem>>, vector<1x1x16xf32>,
        %get3A_1369 = vector.shape_cast %get3A_1368 : vector<1x1x16xf32> to vector<16xf32>
        %get3A_1370 = arith.index_cast %select_n3A_578 : i32 to index
        %get3A_1371 = arith.index_cast %scan3A_665 : i32 to index
        %get3A_1372 = arith.constant 400 : index
        %get3A_1373 = tpu.vector_load %arg8[%get3A_1370, %get3A_1371, %get3A_1372] {strides = array<i32>} : memref<2x16x768xf32, #tpu.memory_space<vmem>>, vector<1x1x16xf32>,
        %get3A_1374 = vector.shape_cast %get3A_1373 : vector<1x1x16xf32> to vector<16xf32>
        %get3A_1375 = arith.index_cast %select_n3A_578 : i32 to index
        %get3A_1376 = arith.index_cast %scan3A_665 : i32 to index
        %get3A_1377 = arith.constant 416 : index
        %get3A_1378 = tpu.vector_load %arg8[%get3A_1375, %get3A_1376, %get3A_1377] {strides = array<i32>} : memref<2x16x768xf32, #tpu.memory_space<vmem>>, vector<1x1x16xf32>,
        %get3A_1379 = vector.shape_cast %get3A_1378 : vector<1x1x16xf32> to vector<16xf32>
        %get3A_1380 = arith.index_cast %select_n3A_578 : i32 to index
        %get3A_1381 = arith.index_cast %scan3A_665 : i32 to index
        %get3A_1382 = arith.constant 432 : index
        %get3A_1383 = tpu.vector_load %arg8[%get3A_1380, %get3A_1381, %get3A_1382] {strides = array<i32>} : memref<2x16x768xf32, #tpu.memory_space<vmem>>, vector<1x1x16xf32>,
        %get3A_1384 = vector.shape_cast %get3A_1383 : vector<1x1x16xf32> to vector<16xf32>
        %get3A_1385 = arith.index_cast %select_n3A_578 : i32 to index
        %get3A_1386 = arith.index_cast %scan3A_665 : i32 to index
        %get3A_1387 = arith.constant 448 : index
        %get3A_1388 = tpu.vector_load %arg8[%get3A_1385, %get3A_1386, %get3A_1387] {strides = array<i32>} : memref<2x16x768xf32, #tpu.memory_space<vmem>>, vector<1x1x16xf32>,
        %get3A_1389 = vector.shape_cast %get3A_1388 : vector<1x1x16xf32> to vector<16xf32>
        %get3A_1390 = arith.index_cast %select_n3A_578 : i32 to index
        %get3A_1391 = arith.index_cast %scan3A_665 : i32 to index
        %get3A_1392 = arith.constant 464 : index
        %get3A_1393 = tpu.vector_load %arg8[%get3A_1390, %get3A_1391, %get3A_1392] {strides = array<i32>} : memref<2x16x768xf32, #tpu.memory_space<vmem>>, vector<1x1x16xf32>,
        %get3A_1394 = vector.shape_cast %get3A_1393 : vector<1x1x16xf32> to vector<16xf32>
        %get3A_1395 = arith.index_cast %select_n3A_578 : i32 to index
        %get3A_1396 = arith.index_cast %scan3A_665 : i32 to index
        %get3A_1397 = arith.constant 480 : index
        %get3A_1398 = tpu.vector_load %arg8[%get3A_1395, %get3A_1396, %get3A_1397] {strides = array<i32>} : memref<2x16x768xf32, #tpu.memory_space<vmem>>, vector<1x1x16xf32>,
        %get3A_1399 = vector.shape_cast %get3A_1398 : vector<1x1x16xf32> to vector<16xf32>
        %get3A_1400 = arith.index_cast %select_n3A_578 : i32 to index
        %get3A_1401 = arith.index_cast %scan3A_665 : i32 to index
        %get3A_1402 = arith.constant 496 : index
        %get3A_1403 = tpu.vector_load %arg8[%get3A_1400, %get3A_1401, %get3A_1402] {strides = array<i32>} : memref<2x16x768xf32, #tpu.memory_space<vmem>>, vector<1x1x16xf32>,
        %get3A_1404 = vector.shape_cast %get3A_1403 : vector<1x1x16xf32> to vector<16xf32>
        %get3A_1405 = arith.index_cast %select_n3A_578 : i32 to index
        %get3A_1406 = arith.index_cast %scan3A_665 : i32 to index
        %get3A_1407 = arith.constant 512 : index
        %get3A_1408 = tpu.vector_load %arg8[%get3A_1405, %get3A_1406, %get3A_1407] {strides = array<i32>} : memref<2x16x768xf32, #tpu.memory_space<vmem>>, vector<1x1x16xf32>,
        %get3A_1409 = vector.shape_cast %get3A_1408 : vector<1x1x16xf32> to vector<16xf32>
        %get3A_1410 = arith.index_cast %select_n3A_578 : i32 to index
        %get3A_1411 = arith.index_cast %scan3A_665 : i32 to index
        %get3A_1412 = arith.constant 528 : index
        %get3A_1413 = tpu.vector_load %arg8[%get3A_1410, %get3A_1411, %get3A_1412] {strides = array<i32>} : memref<2x16x768xf32, #tpu.memory_space<vmem>>, vector<1x1x16xf32>,
        %get3A_1414 = vector.shape_cast %get3A_1413 : vector<1x1x16xf32> to vector<16xf32>
        %get3A_1415 = arith.index_cast %select_n3A_578 : i32 to index
        %get3A_1416 = arith.index_cast %scan3A_665 : i32 to index
        %get3A_1417 = arith.constant 544 : index
        %get3A_1418 = tpu.vector_load %arg8[%get3A_1415, %get3A_1416, %get3A_1417] {strides = array<i32>} : memref<2x16x768xf32, #tpu.memory_space<vmem>>, vector<1x1x16xf32>,
        %get3A_1419 = vector.shape_cast %get3A_1418 : vector<1x1x16xf32> to vector<16xf32>
        %get3A_1420 = arith.index_cast %select_n3A_578 : i32 to index
        %get3A_1421 = arith.index_cast %scan3A_665 : i32 to index
        %get3A_1422 = arith.constant 560 : index
        %get3A_1423 = tpu.vector_load %arg8[%get3A_1420, %get3A_1421, %get3A_1422] {strides = array<i32>} : memref<2x16x768xf32, #tpu.memory_space<vmem>>, vector<1x1x16xf32>,
        %get3A_1424 = vector.shape_cast %get3A_1423 : vector<1x1x16xf32> to vector<16xf32>
        %get3A_1425 = arith.index_cast %select_n3A_578 : i32 to index
        %get3A_1426 = arith.index_cast %scan3A_665 : i32 to index
        %get3A_1427 = arith.constant 576 : index
        %get3A_1428 = tpu.vector_load %arg8[%get3A_1425, %get3A_1426, %get3A_1427] {strides = array<i32>} : memref<2x16x768xf32, #tpu.memory_space<vmem>>, vector<1x1x16xf32>,
        %get3A_1429 = vector.shape_cast %get3A_1428 : vector<1x1x16xf32> to vector<16xf32>
        %get3A_1430 = arith.index_cast %select_n3A_578 : i32 to index
        %get3A_1431 = arith.index_cast %scan3A_665 : i32 to index
        %get3A_1432 = arith.constant 592 : index
        %get3A_1433 = tpu.vector_load %arg8[%get3A_1430, %get3A_1431, %get3A_1432] {strides = array<i32>} : memref<2x16x768xf32, #tpu.memory_space<vmem>>, vector<1x1x16xf32>,
        %get3A_1434 = vector.shape_cast %get3A_1433 : vector<1x1x16xf32> to vector<16xf32>
        %get3A_1435 = arith.index_cast %select_n3A_578 : i32 to index
        %get3A_1436 = arith.index_cast %scan3A_665 : i32 to index
        %get3A_1437 = arith.constant 608 : index
        %get3A_1438 = tpu.vector_load %arg8[%get3A_1435, %get3A_1436, %get3A_1437] {strides = array<i32>} : memref<2x16x768xf32, #tpu.memory_space<vmem>>, vector<1x1x16xf32>,
        %get3A_1439 = vector.shape_cast %get3A_1438 : vector<1x1x16xf32> to vector<16xf32>
        %get3A_1440 = arith.index_cast %select_n3A_578 : i32 to index
        %get3A_1441 = arith.index_cast %scan3A_665 : i32 to index
        %get3A_1442 = arith.constant 624 : index
        %get3A_1443 = tpu.vector_load %arg8[%get3A_1440, %get3A_1441, %get3A_1442] {strides = array<i32>} : memref<2x16x768xf32, #tpu.memory_space<vmem>>, vector<1x1x16xf32>,
        %get3A_1444 = vector.shape_cast %get3A_1443 : vector<1x1x16xf32> to vector<16xf32>
        %get3A_1445 = arith.index_cast %select_n3A_578 : i32 to index
        %get3A_1446 = arith.index_cast %scan3A_665 : i32 to index
        %get3A_1447 = arith.constant 640 : index
        %get3A_1448 = tpu.vector_load %arg8[%get3A_1445, %get3A_1446, %get3A_1447] {strides = array<i32>} : memref<2x16x768xf32, #tpu.memory_space<vmem>>, vector<1x1x16xf32>,
        %get3A_1449 = vector.shape_cast %get3A_1448 : vector<1x1x16xf32> to vector<16xf32>
        %get3A_1450 = arith.index_cast %select_n3A_578 : i32 to index
        %get3A_1451 = arith.index_cast %scan3A_665 : i32 to index
        %get3A_1452 = arith.constant 656 : index
        %get3A_1453 = tpu.vector_load %arg8[%get3A_1450, %get3A_1451, %get3A_1452] {strides = array<i32>} : memref<2x16x768xf32, #tpu.memory_space<vmem>>, vector<1x1x16xf32>,
        %get3A_1454 = vector.shape_cast %get3A_1453 : vector<1x1x16xf32> to vector<16xf32>
        %get3A_1455 = arith.index_cast %select_n3A_578 : i32 to index
        %get3A_1456 = arith.index_cast %scan3A_665 : i32 to index
        %get3A_1457 = arith.constant 672 : index
        %get3A_1458 = tpu.vector_load %arg8[%get3A_1455, %get3A_1456, %get3A_1457] {strides = array<i32>} : memref<2x16x768xf32, #tpu.memory_space<vmem>>, vector<1x1x16xf32>,
        %get3A_1459 = vector.shape_cast %get3A_1458 : vector<1x1x16xf32> to vector<16xf32>
        %get3A_1460 = arith.index_cast %select_n3A_578 : i32 to index
        %get3A_1461 = arith.index_cast %scan3A_665 : i32 to index
        %get3A_1462 = arith.constant 688 : index
        %get3A_1463 = tpu.vector_load %arg8[%get3A_1460, %get3A_1461, %get3A_1462] {strides = array<i32>} : memref<2x16x768xf32, #tpu.memory_space<vmem>>, vector<1x1x16xf32>,
        %get3A_1464 = vector.shape_cast %get3A_1463 : vector<1x1x16xf32> to vector<16xf32>
        %get3A_1465 = arith.index_cast %select_n3A_578 : i32 to index
        %get3A_1466 = arith.index_cast %scan3A_665 : i32 to index
        %get3A_1467 = arith.constant 704 : index
        %get3A_1468 = tpu.vector_load %arg8[%get3A_1465, %get3A_1466, %get3A_1467] {strides = array<i32>} : memref<2x16x768xf32, #tpu.memory_space<vmem>>, vector<1x1x16xf32>,
        %get3A_1469 = vector.shape_cast %get3A_1468 : vector<1x1x16xf32> to vector<16xf32>
        %get3A_1470 = arith.index_cast %select_n3A_578 : i32 to index
        %get3A_1471 = arith.index_cast %scan3A_665 : i32 to index
        %get3A_1472 = arith.constant 720 : index
        %get3A_1473 = tpu.vector_load %arg8[%get3A_1470, %get3A_1471, %get3A_1472] {strides = array<i32>} : memref<2x16x768xf32, #tpu.memory_space<vmem>>, vector<1x1x16xf32>,
        %get3A_1474 = vector.shape_cast %get3A_1473 : vector<1x1x16xf32> to vector<16xf32>
        %get3A_1475 = arith.index_cast %select_n3A_578 : i32 to index
        %get3A_1476 = arith.index_cast %scan3A_665 : i32 to index
        %get3A_1477 = arith.constant 736 : index
        %get3A_1478 = tpu.vector_load %arg8[%get3A_1475, %get3A_1476, %get3A_1477] {strides = array<i32>} : memref<2x16x768xf32, #tpu.memory_space<vmem>>, vector<1x1x16xf32>,
        %get3A_1479 = vector.shape_cast %get3A_1478 : vector<1x1x16xf32> to vector<16xf32>
        %get3A_1480 = arith.index_cast %select_n3A_578 : i32 to index
        %get3A_1481 = arith.index_cast %scan3A_665 : i32 to index
        %get3A_1482 = arith.constant 752 : index
        %get3A_1483 = tpu.vector_load %arg8[%get3A_1480, %get3A_1481, %get3A_1482] {strides = array<i32>} : memref<2x16x768xf32, #tpu.memory_space<vmem>>, vector<1x1x16xf32>,
        %get3A_1484 = vector.shape_cast %get3A_1483 : vector<1x1x16xf32> to vector<16xf32>
        %add3A_1485 = arith.constant 0 : i32
        %add3A_1486 = arith.addi %add3A_1485, %scan3A_665 : i32
        %get3A_1487 = arith.index_cast %select_n3A_525 : i32 to index
        %get3A_1488 = arith.index_cast %add3A_1486 : i32 to index
        %get3A_1489 = arith.constant 384 : index
        %get3A_1490 = tpu.vector_load %arg7[%get3A_1487, %get3A_1488, %get3A_1489] {strides = array<i32>} : memref<4x32x768xf32, #tpu.memory_space<vmem>>, vector<1x1x16xf32>,
        %get3A_1491 = vector.shape_cast %get3A_1490 : vector<1x1x16xf32> to vector<16xf32>
        %add3A_1492 = arith.addf %get3A_1491, %get3A_1369 : vector<16xf32>
        %swap3A_1493 = arith.index_cast %select_n3A_525 : i32 to index
        %swap3A_1494 = arith.index_cast %add3A_1486 : i32 to index
        %swap3A_1495 = arith.constant 384 : index
        %swap3A_1496 = tpu.vector_load %arg7[%swap3A_1493, %swap3A_1494, %swap3A_1495] {strides = array<i32>} : memref<4x32x768xf32, #tpu.memory_space<vmem>>, vector<1x1x16xf32>,
        %swap3A_1497 = vector.shape_cast %swap3A_1496 : vector<1x1x16xf32> to vector<16xf32>
        %swap3A_1498 = vector.shape_cast %add3A_1492 : vector<16xf32> to vector<1x1x16xf32>
        tpu.vector_store %arg7[%swap3A_1493, %swap3A_1494, %swap3A_1495], %swap3A_1498 {strides = array<i32>} : memref<4x32x768xf32, #tpu.memory_space<vmem>>, vector<1x1x16xf32>,
        %get3A_1499 = arith.index_cast %select_n3A_525 : i32 to index
        %get3A_1500 = arith.index_cast %add3A_1486 : i32 to index
        %get3A_1501 = arith.constant 400 : index
        %get3A_1502 = tpu.vector_load %arg7[%get3A_1499, %get3A_1500, %get3A_1501] {strides = array<i32>} : memref<4x32x768xf32, #tpu.memory_space<vmem>>, vector<1x1x16xf32>,
        %get3A_1503 = vector.shape_cast %get3A_1502 : vector<1x1x16xf32> to vector<16xf32>
        %add3A_1504 = arith.addf %get3A_1503, %get3A_1374 : vector<16xf32>
        %swap3A_1505 = arith.index_cast %select_n3A_525 : i32 to index
        %swap3A_1506 = arith.index_cast %add3A_1486 : i32 to index
        %swap3A_1507 = arith.constant 400 : index
        %swap3A_1508 = tpu.vector_load %arg7[%swap3A_1505, %swap3A_1506, %swap3A_1507] {strides = array<i32>} : memref<4x32x768xf32, #tpu.memory_space<vmem>>, vector<1x1x16xf32>,
        %swap3A_1509 = vector.shape_cast %swap3A_1508 : vector<1x1x16xf32> to vector<16xf32>
        %swap3A_1510 = vector.shape_cast %add3A_1504 : vector<16xf32> to vector<1x1x16xf32>
        tpu.vector_store %arg7[%swap3A_1505, %swap3A_1506, %swap3A_1507], %swap3A_1510 {strides = array<i32>} : memref<4x32x768xf32, #tpu.memory_space<vmem>>, vector<1x1x16xf32>,
        %get3A_1511 = arith.index_cast %select_n3A_525 : i32 to index
        %get3A_1512 = arith.index_cast %add3A_1486 : i32 to index
        %get3A_1513 = arith.constant 416 : index
        %get3A_1514 = tpu.vector_load %arg7[%get3A_1511, %get3A_1512, %get3A_1513] {strides = array<i32>} : memref<4x32x768xf32, #tpu.memory_space<vmem>>, vector<1x1x16xf32>,
        %get3A_1515 = vector.shape_cast %get3A_1514 : vector<1x1x16xf32> to vector<16xf32>
        %add3A_1516 = arith.addf %get3A_1515, %get3A_1379 : vector<16xf32>
        %swap3A_1517 = arith.index_cast %select_n3A_525 : i32 to index
        %swap3A_1518 = arith.index_cast %add3A_1486 : i32 to index
        %swap3A_1519 = arith.constant 416 : index
        %swap3A_1520 = tpu.vector_load %arg7[%swap3A_1517, %swap3A_1518, %swap3A_1519] {strides = array<i32>} : memref<4x32x768xf32, #tpu.memory_space<vmem>>, vector<1x1x16xf32>,
        %swap3A_1521 = vector.shape_cast %swap3A_1520 : vector<1x1x16xf32> to vector<16xf32>
        %swap3A_1522 = vector.shape_cast %add3A_1516 : vector<16xf32> to vector<1x1x16xf32>
        tpu.vector_store %arg7[%swap3A_1517, %swap3A_1518, %swap3A_1519], %swap3A_1522 {strides = array<i32>} : memref<4x32x768xf32, #tpu.memory_space<vmem>>, vector<1x1x16xf32>,
        %get3A_1523 = arith.index_cast %select_n3A_525 : i32 to index
        %get3A_1524 = arith.index_cast %add3A_1486 : i32 to index
        %get3A_1525 = arith.constant 432 : index
        %get3A_1526 = tpu.vector_load %arg7[%get3A_1523, %get3A_1524, %get3A_1525] {strides = array<i32>} : memref<4x32x768xf32, #tpu.memory_space<vmem>>, vector<1x1x16xf32>,
        %get3A_1527 = vector.shape_cast %get3A_1526 : vector<1x1x16xf32> to vector<16xf32>
        %add3A_1528 = arith.addf %get3A_1527, %get3A_1384 : vector<16xf32>
        %swap3A_1529 = arith.index_cast %select_n3A_525 : i32 to index
        %swap3A_1530 = arith.index_cast %add3A_1486 : i32 to index
        %swap3A_1531 = arith.constant 432 : index
        %swap3A_1532 = tpu.vector_load %arg7[%swap3A_1529, %swap3A_1530, %swap3A_1531] {strides = array<i32>} : memref<4x32x768xf32, #tpu.memory_space<vmem>>, vector<1x1x16xf32>,
        %swap3A_1533 = vector.shape_cast %swap3A_1532 : vector<1x1x16xf32> to vector<16xf32>
        %swap3A_1534 = vector.shape_cast %add3A_1528 : vector<16xf32> to vector<1x1x16xf32>
        tpu.vector_store %arg7[%swap3A_1529, %swap3A_1530, %swap3A_1531], %swap3A_1534 {strides = array<i32>} : memref<4x32x768xf32, #tpu.memory_space<vmem>>, vector<1x1x16xf32>,
        %get3A_1535 = arith.index_cast %select_n3A_525 : i32 to index
        %get3A_1536 = arith.index_cast %add3A_1486 : i32 to index
        %get3A_1537 = arith.constant 448 : index
        %get3A_1538 = tpu.vector_load %arg7[%get3A_1535, %get3A_1536, %get3A_1537] {strides = array<i32>} : memref<4x32x768xf32, #tpu.memory_space<vmem>>, vector<1x1x16xf32>,
        %get3A_1539 = vector.shape_cast %get3A_1538 : vector<1x1x16xf32> to vector<16xf32>
        %add3A_1540 = arith.addf %get3A_1539, %get3A_1389 : vector<16xf32>
        %swap3A_1541 = arith.index_cast %select_n3A_525 : i32 to index
        %swap3A_1542 = arith.index_cast %add3A_1486 : i32 to index
        %swap3A_1543 = arith.constant 448 : index
        %swap3A_1544 = tpu.vector_load %arg7[%swap3A_1541, %swap3A_1542, %swap3A_1543] {strides = array<i32>} : memref<4x32x768xf32, #tpu.memory_space<vmem>>, vector<1x1x16xf32>,
        %swap3A_1545 = vector.shape_cast %swap3A_1544 : vector<1x1x16xf32> to vector<16xf32>
        %swap3A_1546 = vector.shape_cast %add3A_1540 : vector<16xf32> to vector<1x1x16xf32>
        tpu.vector_store %arg7[%swap3A_1541, %swap3A_1542, %swap3A_1543], %swap3A_1546 {strides = array<i32>} : memref<4x32x768xf32, #tpu.memory_space<vmem>>, vector<1x1x16xf32>,
        %get3A_1547 = arith.index_cast %select_n3A_525 : i32 to index
        %get3A_1548 = arith.index_cast %add3A_1486 : i32 to index
        %get3A_1549 = arith.constant 464 : index
        %get3A_1550 = tpu.vector_load %arg7[%get3A_1547, %get3A_1548, %get3A_1549] {strides = array<i32>} : memref<4x32x768xf32, #tpu.memory_space<vmem>>, vector<1x1x16xf32>,
        %get3A_1551 = vector.shape_cast %get3A_1550 : vector<1x1x16xf32> to vector<16xf32>
        %add3A_1552 = arith.addf %get3A_1551, %get3A_1394 : vector<16xf32>
        %swap3A_1553 = arith.index_cast %select_n3A_525 : i32 to index
        %swap3A_1554 = arith.index_cast %add3A_1486 : i32 to index
        %swap3A_1555 = arith.constant 464 : index
        %swap3A_1556 = tpu.vector_load %arg7[%swap3A_1553, %swap3A_1554, %swap3A_1555] {strides = array<i32>} : memref<4x32x768xf32, #tpu.memory_space<vmem>>, vector<1x1x16xf32>,
        %swap3A_1557 = vector.shape_cast %swap3A_1556 : vector<1x1x16xf32> to vector<16xf32>
        %swap3A_1558 = vector.shape_cast %add3A_1552 : vector<16xf32> to vector<1x1x16xf32>
        tpu.vector_store %arg7[%swap3A_1553, %swap3A_1554, %swap3A_1555], %swap3A_1558 {strides = array<i32>} : memref<4x32x768xf32, #tpu.memory_space<vmem>>, vector<1x1x16xf32>,
        %get3A_1559 = arith.index_cast %select_n3A_525 : i32 to index
        %get3A_1560 = arith.index_cast %add3A_1486 : i32 to index
        %get3A_1561 = arith.constant 480 : index
        %get3A_1562 = tpu.vector_load %arg7[%get3A_1559, %get3A_1560, %get3A_1561] {strides = array<i32>} : memref<4x32x768xf32, #tpu.memory_space<vmem>>, vector<1x1x16xf32>,
        %get3A_1563 = vector.shape_cast %get3A_1562 : vector<1x1x16xf32> to vector<16xf32>
        %add3A_1564 = arith.addf %get3A_1563, %get3A_1399 : vector<16xf32>
        %swap3A_1565 = arith.index_cast %select_n3A_525 : i32 to index
        %swap3A_1566 = arith.index_cast %add3A_1486 : i32 to index
        %swap3A_1567 = arith.constant 480 : index
        %swap3A_1568 = tpu.vector_load %arg7[%swap3A_1565, %swap3A_1566, %swap3A_1567] {strides = array<i32>} : memref<4x32x768xf32, #tpu.memory_space<vmem>>, vector<1x1x16xf32>,
        %swap3A_1569 = vector.shape_cast %swap3A_1568 : vector<1x1x16xf32> to vector<16xf32>
        %swap3A_1570 = vector.shape_cast %add3A_1564 : vector<16xf32> to vector<1x1x16xf32>
        tpu.vector_store %arg7[%swap3A_1565, %swap3A_1566, %swap3A_1567], %swap3A_1570 {strides = array<i32>} : memref<4x32x768xf32, #tpu.memory_space<vmem>>, vector<1x1x16xf32>,
        %get3A_1571 = arith.index_cast %select_n3A_525 : i32 to index
        %get3A_1572 = arith.index_cast %add3A_1486 : i32 to index
        %get3A_1573 = arith.constant 496 : index
        %get3A_1574 = tpu.vector_load %arg7[%get3A_1571, %get3A_1572, %get3A_1573] {strides = array<i32>} : memref<4x32x768xf32, #tpu.memory_space<vmem>>, vector<1x1x16xf32>,
        %get3A_1575 = vector.shape_cast %get3A_1574 : vector<1x1x16xf32> to vector<16xf32>
        %add3A_1576 = arith.addf %get3A_1575, %get3A_1404 : vector<16xf32>
        %swap3A_1577 = arith.index_cast %select_n3A_525 : i32 to index
        %swap3A_1578 = arith.index_cast %add3A_1486 : i32 to index
        %swap3A_1579 = arith.constant 496 : index
        %swap3A_1580 = tpu.vector_load %arg7[%swap3A_1577, %swap3A_1578, %swap3A_1579] {strides = array<i32>} : memref<4x32x768xf32, #tpu.memory_space<vmem>>, vector<1x1x16xf32>,
        %swap3A_1581 = vector.shape_cast %swap3A_1580 : vector<1x1x16xf32> to vector<16xf32>
        %swap3A_1582 = vector.shape_cast %add3A_1576 : vector<16xf32> to vector<1x1x16xf32>
        tpu.vector_store %arg7[%swap3A_1577, %swap3A_1578, %swap3A_1579], %swap3A_1582 {strides = array<i32>} : memref<4x32x768xf32, #tpu.memory_space<vmem>>, vector<1x1x16xf32>,
        %get3A_1583 = arith.index_cast %select_n3A_525 : i32 to index
        %get3A_1584 = arith.index_cast %add3A_1486 : i32 to index
        %get3A_1585 = arith.constant 512 : index
        %get3A_1586 = tpu.vector_load %arg7[%get3A_1583, %get3A_1584, %get3A_1585] {strides = array<i32>} : memref<4x32x768xf32, #tpu.memory_space<vmem>>, vector<1x1x16xf32>,
        %get3A_1587 = vector.shape_cast %get3A_1586 : vector<1x1x16xf32> to vector<16xf32>
        %add3A_1588 = arith.addf %get3A_1587, %get3A_1409 : vector<16xf32>
        %swap3A_1589 = arith.index_cast %select_n3A_525 : i32 to index
        %swap3A_1590 = arith.index_cast %add3A_1486 : i32 to index
        %swap3A_1591 = arith.constant 512 : index
        %swap3A_1592 = tpu.vector_load %arg7[%swap3A_1589, %swap3A_1590, %swap3A_1591] {strides = array<i32>} : memref<4x32x768xf32, #tpu.memory_space<vmem>>, vector<1x1x16xf32>,
        %swap3A_1593 = vector.shape_cast %swap3A_1592 : vector<1x1x16xf32> to vector<16xf32>
        %swap3A_1594 = vector.shape_cast %add3A_1588 : vector<16xf32> to vector<1x1x16xf32>
        tpu.vector_store %arg7[%swap3A_1589, %swap3A_1590, %swap3A_1591], %swap3A_1594 {strides = array<i32>} : memref<4x32x768xf32, #tpu.memory_space<vmem>>, vector<1x1x16xf32>,
        %get3A_1595 = arith.index_cast %select_n3A_525 : i32 to index
        %get3A_1596 = arith.index_cast %add3A_1486 : i32 to index
        %get3A_1597 = arith.constant 528 : index
        %get3A_1598 = tpu.vector_load %arg7[%get3A_1595, %get3A_1596, %get3A_1597] {strides = array<i32>} : memref<4x32x768xf32, #tpu.memory_space<vmem>>, vector<1x1x16xf32>,
        %get3A_1599 = vector.shape_cast %get3A_1598 : vector<1x1x16xf32> to vector<16xf32>
        %add3A_1600 = arith.addf %get3A_1599, %get3A_1414 : vector<16xf32>
        %swap3A_1601 = arith.index_cast %select_n3A_525 : i32 to index
        %swap3A_1602 = arith.index_cast %add3A_1486 : i32 to index
        %swap3A_1603 = arith.constant 528 : index
        %swap3A_1604 = tpu.vector_load %arg7[%swap3A_1601, %swap3A_1602, %swap3A_1603] {strides = array<i32>} : memref<4x32x768xf32, #tpu.memory_space<vmem>>, vector<1x1x16xf32>,
        %swap3A_1605 = vector.shape_cast %swap3A_1604 : vector<1x1x16xf32> to vector<16xf32>
        %swap3A_1606 = vector.shape_cast %add3A_1600 : vector<16xf32> to vector<1x1x16xf32>
        tpu.vector_store %arg7[%swap3A_1601, %swap3A_1602, %swap3A_1603], %swap3A_1606 {strides = array<i32>} : memref<4x32x768xf32, #tpu.memory_space<vmem>>, vector<1x1x16xf32>,
        %get3A_1607 = arith.index_cast %select_n3A_525 : i32 to index
        %get3A_1608 = arith.index_cast %add3A_1486 : i32 to index
        %get3A_1609 = arith.constant 544 : index
        %get3A_1610 = tpu.vector_load %arg7[%get3A_1607, %get3A_1608, %get3A_1609] {strides = array<i32>} : memref<4x32x768xf32, #tpu.memory_space<vmem>>, vector<1x1x16xf32>,
        %get3A_1611 = vector.shape_cast %get3A_1610 : vector<1x1x16xf32> to vector<16xf32>
        %add3A_1612 = arith.addf %get3A_1611, %get3A_1419 : vector<16xf32>
        %swap3A_1613 = arith.index_cast %select_n3A_525 : i32 to index
        %swap3A_1614 = arith.index_cast %add3A_1486 : i32 to index
        %swap3A_1615 = arith.constant 544 : index
        %swap3A_1616 = tpu.vector_load %arg7[%swap3A_1613, %swap3A_1614, %swap3A_1615] {strides = array<i32>} : memref<4x32x768xf32, #tpu.memory_space<vmem>>, vector<1x1x16xf32>,
        %swap3A_1617 = vector.shape_cast %swap3A_1616 : vector<1x1x16xf32> to vector<16xf32>
        %swap3A_1618 = vector.shape_cast %add3A_1612 : vector<16xf32> to vector<1x1x16xf32>
        tpu.vector_store %arg7[%swap3A_1613, %swap3A_1614, %swap3A_1615], %swap3A_1618 {strides = array<i32>} : memref<4x32x768xf32, #tpu.memory_space<vmem>>, vector<1x1x16xf32>,
        %get3A_1619 = arith.index_cast %select_n3A_525 : i32 to index
        %get3A_1620 = arith.index_cast %add3A_1486 : i32 to index
        %get3A_1621 = arith.constant 560 : index
        %get3A_1622 = tpu.vector_load %arg7[%get3A_1619, %get3A_1620, %get3A_1621] {strides = array<i32>} : memref<4x32x768xf32, #tpu.memory_space<vmem>>, vector<1x1x16xf32>,
        %get3A_1623 = vector.shape_cast %get3A_1622 : vector<1x1x16xf32> to vector<16xf32>
        %add3A_1624 = arith.addf %get3A_1623, %get3A_1424 : vector<16xf32>
        %swap3A_1625 = arith.index_cast %select_n3A_525 : i32 to index
        %swap3A_1626 = arith.index_cast %add3A_1486 : i32 to index
        %swap3A_1627 = arith.constant 560 : index
        %swap3A_1628 = tpu.vector_load %arg7[%swap3A_1625, %swap3A_1626, %swap3A_1627] {strides = array<i32>} : memref<4x32x768xf32, #tpu.memory_space<vmem>>, vector<1x1x16xf32>,
        %swap3A_1629 = vector.shape_cast %swap3A_1628 : vector<1x1x16xf32> to vector<16xf32>
        %swap3A_1630 = vector.shape_cast %add3A_1624 : vector<16xf32> to vector<1x1x16xf32>
        tpu.vector_store %arg7[%swap3A_1625, %swap3A_1626, %swap3A_1627], %swap3A_1630 {strides = array<i32>} : memref<4x32x768xf32, #tpu.memory_space<vmem>>, vector<1x1x16xf32>,
        %get3A_1631 = arith.index_cast %select_n3A_525 : i32 to index
        %get3A_1632 = arith.index_cast %add3A_1486 : i32 to index
        %get3A_1633 = arith.constant 576 : index
        %get3A_1634 = tpu.vector_load %arg7[%get3A_1631, %get3A_1632, %get3A_1633] {strides = array<i32>} : memref<4x32x768xf32, #tpu.memory_space<vmem>>, vector<1x1x16xf32>,
        %get3A_1635 = vector.shape_cast %get3A_1634 : vector<1x1x16xf32> to vector<16xf32>
        %add3A_1636 = arith.addf %get3A_1635, %get3A_1429 : vector<16xf32>
        %swap3A_1637 = arith.index_cast %select_n3A_525 : i32 to index
        %swap3A_1638 = arith.index_cast %add3A_1486 : i32 to index
        %swap3A_1639 = arith.constant 576 : index
        %swap3A_1640 = tpu.vector_load %arg7[%swap3A_1637, %swap3A_1638, %swap3A_1639] {strides = array<i32>} : memref<4x32x768xf32, #tpu.memory_space<vmem>>, vector<1x1x16xf32>,
        %swap3A_1641 = vector.shape_cast %swap3A_1640 : vector<1x1x16xf32> to vector<16xf32>
        %swap3A_1642 = vector.shape_cast %add3A_1636 : vector<16xf32> to vector<1x1x16xf32>
        tpu.vector_store %arg7[%swap3A_1637, %swap3A_1638, %swap3A_1639], %swap3A_1642 {strides = array<i32>} : memref<4x32x768xf32, #tpu.memory_space<vmem>>, vector<1x1x16xf32>,
        %get3A_1643 = arith.index_cast %select_n3A_525 : i32 to index
        %get3A_1644 = arith.index_cast %add3A_1486 : i32 to index
        %get3A_1645 = arith.constant 592 : index
        %get3A_1646 = tpu.vector_load %arg7[%get3A_1643, %get3A_1644, %get3A_1645] {strides = array<i32>} : memref<4x32x768xf32, #tpu.memory_space<vmem>>, vector<1x1x16xf32>,
        %get3A_1647 = vector.shape_cast %get3A_1646 : vector<1x1x16xf32> to vector<16xf32>
        %add3A_1648 = arith.addf %get3A_1647, %get3A_1434 : vector<16xf32>
        %swap3A_1649 = arith.index_cast %select_n3A_525 : i32 to index
        %swap3A_1650 = arith.index_cast %add3A_1486 : i32 to index
        %swap3A_1651 = arith.constant 592 : index
        %swap3A_1652 = tpu.vector_load %arg7[%swap3A_1649, %swap3A_1650, %swap3A_1651] {strides = array<i32>} : memref<4x32x768xf32, #tpu.memory_space<vmem>>, vector<1x1x16xf32>,
        %swap3A_1653 = vector.shape_cast %swap3A_1652 : vector<1x1x16xf32> to vector<16xf32>
        %swap3A_1654 = vector.shape_cast %add3A_1648 : vector<16xf32> to vector<1x1x16xf32>
        tpu.vector_store %arg7[%swap3A_1649, %swap3A_1650, %swap3A_1651], %swap3A_1654 {strides = array<i32>} : memref<4x32x768xf32, #tpu.memory_space<vmem>>, vector<1x1x16xf32>,
        %get3A_1655 = arith.index_cast %select_n3A_525 : i32 to index
        %get3A_1656 = arith.index_cast %add3A_1486 : i32 to index
        %get3A_1657 = arith.constant 608 : index
        %get3A_1658 = tpu.vector_load %arg7[%get3A_1655, %get3A_1656, %get3A_1657] {strides = array<i32>} : memref<4x32x768xf32, #tpu.memory_space<vmem>>, vector<1x1x16xf32>,
        %get3A_1659 = vector.shape_cast %get3A_1658 : vector<1x1x16xf32> to vector<16xf32>
        %add3A_1660 = arith.addf %get3A_1659, %get3A_1439 : vector<16xf32>
        %swap3A_1661 = arith.index_cast %select_n3A_525 : i32 to index
        %swap3A_1662 = arith.index_cast %add3A_1486 : i32 to index
        %swap3A_1663 = arith.constant 608 : index
        %swap3A_1664 = tpu.vector_load %arg7[%swap3A_1661, %swap3A_1662, %swap3A_1663] {strides = array<i32>} : memref<4x32x768xf32, #tpu.memory_space<vmem>>, vector<1x1x16xf32>,
        %swap3A_1665 = vector.shape_cast %swap3A_1664 : vector<1x1x16xf32> to vector<16xf32>
        %swap3A_1666 = vector.shape_cast %add3A_1660 : vector<16xf32> to vector<1x1x16xf32>
        tpu.vector_store %arg7[%swap3A_1661, %swap3A_1662, %swap3A_1663], %swap3A_1666 {strides = array<i32>} : memref<4x32x768xf32, #tpu.memory_space<vmem>>, vector<1x1x16xf32>,
        %get3A_1667 = arith.index_cast %select_n3A_525 : i32 to index
        %get3A_1668 = arith.index_cast %add3A_1486 : i32 to index
        %get3A_1669 = arith.constant 624 : index
        %get3A_1670 = tpu.vector_load %arg7[%get3A_1667, %get3A_1668, %get3A_1669] {strides = array<i32>} : memref<4x32x768xf32, #tpu.memory_space<vmem>>, vector<1x1x16xf32>,
        %get3A_1671 = vector.shape_cast %get3A_1670 : vector<1x1x16xf32> to vector<16xf32>
        %add3A_1672 = arith.addf %get3A_1671, %get3A_1444 : vector<16xf32>
        %swap3A_1673 = arith.index_cast %select_n3A_525 : i32 to index
        %swap3A_1674 = arith.index_cast %add3A_1486 : i32 to index
        %swap3A_1675 = arith.constant 624 : index
        %swap3A_1676 = tpu.vector_load %arg7[%swap3A_1673, %swap3A_1674, %swap3A_1675] {strides = array<i32>} : memref<4x32x768xf32, #tpu.memory_space<vmem>>, vector<1x1x16xf32>,
        %swap3A_1677 = vector.shape_cast %swap3A_1676 : vector<1x1x16xf32> to vector<16xf32>
        %swap3A_1678 = vector.shape_cast %add3A_1672 : vector<16xf32> to vector<1x1x16xf32>
        tpu.vector_store %arg7[%swap3A_1673, %swap3A_1674, %swap3A_1675], %swap3A_1678 {strides = array<i32>} : memref<4x32x768xf32, #tpu.memory_space<vmem>>, vector<1x1x16xf32>,
        %get3A_1679 = arith.index_cast %select_n3A_525 : i32 to index
        %get3A_1680 = arith.index_cast %add3A_1486 : i32 to index
        %get3A_1681 = arith.constant 640 : index
        %get3A_1682 = tpu.vector_load %arg7[%get3A_1679, %get3A_1680, %get3A_1681] {strides = array<i32>} : memref<4x32x768xf32, #tpu.memory_space<vmem>>, vector<1x1x16xf32>,
        %get3A_1683 = vector.shape_cast %get3A_1682 : vector<1x1x16xf32> to vector<16xf32>
        %add3A_1684 = arith.addf %get3A_1683, %get3A_1449 : vector<16xf32>
        %swap3A_1685 = arith.index_cast %select_n3A_525 : i32 to index
        %swap3A_1686 = arith.index_cast %add3A_1486 : i32 to index
        %swap3A_1687 = arith.constant 640 : index
        %swap3A_1688 = tpu.vector_load %arg7[%swap3A_1685, %swap3A_1686, %swap3A_1687] {strides = array<i32>} : memref<4x32x768xf32, #tpu.memory_space<vmem>>, vector<1x1x16xf32>,
        %swap3A_1689 = vector.shape_cast %swap3A_1688 : vector<1x1x16xf32> to vector<16xf32>
        %swap3A_1690 = vector.shape_cast %add3A_1684 : vector<16xf32> to vector<1x1x16xf32>
        tpu.vector_store %arg7[%swap3A_1685, %swap3A_1686, %swap3A_1687], %swap3A_1690 {strides = array<i32>} : memref<4x32x768xf32, #tpu.memory_space<vmem>>, vector<1x1x16xf32>,
        %get3A_1691 = arith.index_cast %select_n3A_525 : i32 to index
        %get3A_1692 = arith.index_cast %add3A_1486 : i32 to index
        %get3A_1693 = arith.constant 656 : index
        %get3A_1694 = tpu.vector_load %arg7[%get3A_1691, %get3A_1692, %get3A_1693] {strides = array<i32>} : memref<4x32x768xf32, #tpu.memory_space<vmem>>, vector<1x1x16xf32>,
        %get3A_1695 = vector.shape_cast %get3A_1694 : vector<1x1x16xf32> to vector<16xf32>
        %add3A_1696 = arith.addf %get3A_1695, %get3A_1454 : vector<16xf32>
        %swap3A_1697 = arith.index_cast %select_n3A_525 : i32 to index
        %swap3A_1698 = arith.index_cast %add3A_1486 : i32 to index
        %swap3A_1699 = arith.constant 656 : index
        %swap3A_1700 = tpu.vector_load %arg7[%swap3A_1697, %swap3A_1698, %swap3A_1699] {strides = array<i32>} : memref<4x32x768xf32, #tpu.memory_space<vmem>>, vector<1x1x16xf32>,
        %swap3A_1701 = vector.shape_cast %swap3A_1700 : vector<1x1x16xf32> to vector<16xf32>
        %swap3A_1702 = vector.shape_cast %add3A_1696 : vector<16xf32> to vector<1x1x16xf32>
        tpu.vector_store %arg7[%swap3A_1697, %swap3A_1698, %swap3A_1699], %swap3A_1702 {strides = array<i32>} : memref<4x32x768xf32, #tpu.memory_space<vmem>>, vector<1x1x16xf32>,
        %get3A_1703 = arith.index_cast %select_n3A_525 : i32 to index
        %get3A_1704 = arith.index_cast %add3A_1486 : i32 to index
        %get3A_1705 = arith.constant 672 : index
        %get3A_1706 = tpu.vector_load %arg7[%get3A_1703, %get3A_1704, %get3A_1705] {strides = array<i32>} : memref<4x32x768xf32, #tpu.memory_space<vmem>>, vector<1x1x16xf32>,
        %get3A_1707 = vector.shape_cast %get3A_1706 : vector<1x1x16xf32> to vector<16xf32>
        %add3A_1708 = arith.addf %get3A_1707, %get3A_1459 : vector<16xf32>
        %swap3A_1709 = arith.index_cast %select_n3A_525 : i32 to index
        %swap3A_1710 = arith.index_cast %add3A_1486 : i32 to index
        %swap3A_1711 = arith.constant 672 : index
        %swap3A_1712 = tpu.vector_load %arg7[%swap3A_1709, %swap3A_1710, %swap3A_1711] {strides = array<i32>} : memref<4x32x768xf32, #tpu.memory_space<vmem>>, vector<1x1x16xf32>,
        %swap3A_1713 = vector.shape_cast %swap3A_1712 : vector<1x1x16xf32> to vector<16xf32>
        %swap3A_1714 = vector.shape_cast %add3A_1708 : vector<16xf32> to vector<1x1x16xf32>
        tpu.vector_store %arg7[%swap3A_1709, %swap3A_1710, %swap3A_1711], %swap3A_1714 {strides = array<i32>} : memref<4x32x768xf32, #tpu.memory_space<vmem>>, vector<1x1x16xf32>,
        %get3A_1715 = arith.index_cast %select_n3A_525 : i32 to index
        %get3A_1716 = arith.index_cast %add3A_1486 : i32 to index
        %get3A_1717 = arith.constant 688 : index
        %get3A_1718 = tpu.vector_load %arg7[%get3A_1715, %get3A_1716, %get3A_1717] {strides = array<i32>} : memref<4x32x768xf32, #tpu.memory_space<vmem>>, vector<1x1x16xf32>,
        %get3A_1719 = vector.shape_cast %get3A_1718 : vector<1x1x16xf32> to vector<16xf32>
        %add3A_1720 = arith.addf %get3A_1719, %get3A_1464 : vector<16xf32>
        %swap3A_1721 = arith.index_cast %select_n3A_525 : i32 to index
        %swap3A_1722 = arith.index_cast %add3A_1486 : i32 to index
        %swap3A_1723 = arith.constant 688 : index
        %swap3A_1724 = tpu.vector_load %arg7[%swap3A_1721, %swap3A_1722, %swap3A_1723] {strides = array<i32>} : memref<4x32x768xf32, #tpu.memory_space<vmem>>, vector<1x1x16xf32>,
        %swap3A_1725 = vector.shape_cast %swap3A_1724 : vector<1x1x16xf32> to vector<16xf32>
        %swap3A_1726 = vector.shape_cast %add3A_1720 : vector<16xf32> to vector<1x1x16xf32>
        tpu.vector_store %arg7[%swap3A_1721, %swap3A_1722, %swap3A_1723], %swap3A_1726 {strides = array<i32>} : memref<4x32x768xf32, #tpu.memory_space<vmem>>, vector<1x1x16xf32>,
        %get3A_1727 = arith.index_cast %select_n3A_525 : i32 to index
        %get3A_1728 = arith.index_cast %add3A_1486 : i32 to index
        %get3A_1729 = arith.constant 704 : index
        %get3A_1730 = tpu.vector_load %arg7[%get3A_1727, %get3A_1728, %get3A_1729] {strides = array<i32>} : memref<4x32x768xf32, #tpu.memory_space<vmem>>, vector<1x1x16xf32>,
        %get3A_1731 = vector.shape_cast %get3A_1730 : vector<1x1x16xf32> to vector<16xf32>
        %add3A_1732 = arith.addf %get3A_1731, %get3A_1469 : vector<16xf32>
        %swap3A_1733 = arith.index_cast %select_n3A_525 : i32 to index
        %swap3A_1734 = arith.index_cast %add3A_1486 : i32 to index
        %swap3A_1735 = arith.constant 704 : index
        %swap3A_1736 = tpu.vector_load %arg7[%swap3A_1733, %swap3A_1734, %swap3A_1735] {strides = array<i32>} : memref<4x32x768xf32, #tpu.memory_space<vmem>>, vector<1x1x16xf32>,
        %swap3A_1737 = vector.shape_cast %swap3A_1736 : vector<1x1x16xf32> to vector<16xf32>
        %swap3A_1738 = vector.shape_cast %add3A_1732 : vector<16xf32> to vector<1x1x16xf32>
        tpu.vector_store %arg7[%swap3A_1733, %swap3A_1734, %swap3A_1735], %swap3A_1738 {strides = array<i32>} : memref<4x32x768xf32, #tpu.memory_space<vmem>>, vector<1x1x16xf32>,
        %get3A_1739 = arith.index_cast %select_n3A_525 : i32 to index
        %get3A_1740 = arith.index_cast %add3A_1486 : i32 to index
        %get3A_1741 = arith.constant 720 : index
        %get3A_1742 = tpu.vector_load %arg7[%get3A_1739, %get3A_1740, %get3A_1741] {strides = array<i32>} : memref<4x32x768xf32, #tpu.memory_space<vmem>>, vector<1x1x16xf32>,
        %get3A_1743 = vector.shape_cast %get3A_1742 : vector<1x1x16xf32> to vector<16xf32>
        %add3A_1744 = arith.addf %get3A_1743, %get3A_1474 : vector<16xf32>
        %swap3A_1745 = arith.index_cast %select_n3A_525 : i32 to index
        %swap3A_1746 = arith.index_cast %add3A_1486 : i32 to index
        %swap3A_1747 = arith.constant 720 : index
        %swap3A_1748 = tpu.vector_load %arg7[%swap3A_1745, %swap3A_1746, %swap3A_1747] {strides = array<i32>} : memref<4x32x768xf32, #tpu.memory_space<vmem>>, vector<1x1x16xf32>,
        %swap3A_1749 = vector.shape_cast %swap3A_1748 : vector<1x1x16xf32> to vector<16xf32>
        %swap3A_1750 = vector.shape_cast %add3A_1744 : vector<16xf32> to vector<1x1x16xf32>
        tpu.vector_store %arg7[%swap3A_1745, %swap3A_1746, %swap3A_1747], %swap3A_1750 {strides = array<i32>} : memref<4x32x768xf32, #tpu.memory_space<vmem>>, vector<1x1x16xf32>,
        %get3A_1751 = arith.index_cast %select_n3A_525 : i32 to index
        %get3A_1752 = arith.index_cast %add3A_1486 : i32 to index
        %get3A_1753 = arith.constant 736 : index
        %get3A_1754 = tpu.vector_load %arg7[%get3A_1751, %get3A_1752, %get3A_1753] {strides = array<i32>} : memref<4x32x768xf32, #tpu.memory_space<vmem>>, vector<1x1x16xf32>,
        %get3A_1755 = vector.shape_cast %get3A_1754 : vector<1x1x16xf32> to vector<16xf32>
        %add3A_1756 = arith.addf %get3A_1755, %get3A_1479 : vector<16xf32>
        %swap3A_1757 = arith.index_cast %select_n3A_525 : i32 to index
        %swap3A_1758 = arith.index_cast %add3A_1486 : i32 to index
        %swap3A_1759 = arith.constant 736 : index
        %swap3A_1760 = tpu.vector_load %arg7[%swap3A_1757, %swap3A_1758, %swap3A_1759] {strides = array<i32>} : memref<4x32x768xf32, #tpu.memory_space<vmem>>, vector<1x1x16xf32>,
        %swap3A_1761 = vector.shape_cast %swap3A_1760 : vector<1x1x16xf32> to vector<16xf32>
        %swap3A_1762 = vector.shape_cast %add3A_1756 : vector<16xf32> to vector<1x1x16xf32>
        tpu.vector_store %arg7[%swap3A_1757, %swap3A_1758, %swap3A_1759], %swap3A_1762 {strides = array<i32>} : memref<4x32x768xf32, #tpu.memory_space<vmem>>, vector<1x1x16xf32>,
        %get3A_1763 = arith.index_cast %select_n3A_525 : i32 to index
        %get3A_1764 = arith.index_cast %add3A_1486 : i32 to index
        %get3A_1765 = arith.constant 752 : index
        %get3A_1766 = tpu.vector_load %arg7[%get3A_1763, %get3A_1764, %get3A_1765] {strides = array<i32>} : memref<4x32x768xf32, #tpu.memory_space<vmem>>, vector<1x1x16xf32>,
        %get3A_1767 = vector.shape_cast %get3A_1766 : vector<1x1x16xf32> to vector<16xf32>
        %add3A_1768 = arith.addf %get3A_1767, %get3A_1484 : vector<16xf32>
        %swap3A_1769 = arith.index_cast %select_n3A_525 : i32 to index
        %swap3A_1770 = arith.index_cast %add3A_1486 : i32 to index
        %swap3A_1771 = arith.constant 752 : index
        %swap3A_1772 = tpu.vector_load %arg7[%swap3A_1769, %swap3A_1770, %swap3A_1771] {strides = array<i32>} : memref<4x32x768xf32, #tpu.memory_space<vmem>>, vector<1x1x16xf32>,
        %swap3A_1773 = vector.shape_cast %swap3A_1772 : vector<1x1x16xf32> to vector<16xf32>
        %swap3A_1774 = vector.shape_cast %add3A_1768 : vector<16xf32> to vector<1x1x16xf32>
        tpu.vector_store %arg7[%swap3A_1769, %swap3A_1770, %swap3A_1771], %swap3A_1774 {strides = array<i32>} : memref<4x32x768xf32, #tpu.memory_space<vmem>>, vector<1x1x16xf32>,
        %add3A_1775 = arith.constant 16 : i32
        %add3A_1776 = arith.addi %add3A_1775, %scan3A_665 : i32
        %get3A_1777 = arith.index_cast %select_n3A_525 : i32 to index
        %get3A_1778 = arith.index_cast %add3A_1776 : i32 to index
        %get3A_1779 = arith.constant 384 : index
        %get3A_1780 = tpu.vector_load %arg7[%get3A_1777, %get3A_1778, %get3A_1779] {strides = array<i32>} : memref<4x32x768xf32, #tpu.memory_space<vmem>>, vector<1x1x16xf32>,
        %get3A_1781 = vector.shape_cast %get3A_1780 : vector<1x1x16xf32> to vector<16xf32>
        %add3A_1782 = arith.addf %get3A_1781, %get3A_1369 : vector<16xf32>
        %swap3A_1783 = arith.index_cast %select_n3A_525 : i32 to index
        %swap3A_1784 = arith.index_cast %add3A_1776 : i32 to index
        %swap3A_1785 = arith.constant 384 : index
        %swap3A_1786 = tpu.vector_load %arg7[%swap3A_1783, %swap3A_1784, %swap3A_1785] {strides = array<i32>} : memref<4x32x768xf32, #tpu.memory_space<vmem>>, vector<1x1x16xf32>,
        %swap3A_1787 = vector.shape_cast %swap3A_1786 : vector<1x1x16xf32> to vector<16xf32>
        %swap3A_1788 = vector.shape_cast %add3A_1782 : vector<16xf32> to vector<1x1x16xf32>
        tpu.vector_store %arg7[%swap3A_1783, %swap3A_1784, %swap3A_1785], %swap3A_1788 {strides = array<i32>} : memref<4x32x768xf32, #tpu.memory_space<vmem>>, vector<1x1x16xf32>,
        %get3A_1789 = arith.index_cast %select_n3A_525 : i32 to index
        %get3A_1790 = arith.index_cast %add3A_1776 : i32 to index
        %get3A_1791 = arith.constant 400 : index
        %get3A_1792 = tpu.vector_load %arg7[%get3A_1789, %get3A_1790, %get3A_1791] {strides = array<i32>} : memref<4x32x768xf32, #tpu.memory_space<vmem>>, vector<1x1x16xf32>,
        %get3A_1793 = vector.shape_cast %get3A_1792 : vector<1x1x16xf32> to vector<16xf32>
        %add3A_1794 = arith.addf %get3A_1793, %get3A_1374 : vector<16xf32>
        %swap3A_1795 = arith.index_cast %select_n3A_525 : i32 to index
        %swap3A_1796 = arith.index_cast %add3A_1776 : i32 to index
        %swap3A_1797 = arith.constant 400 : index
        %swap3A_1798 = tpu.vector_load %arg7[%swap3A_1795, %swap3A_1796, %swap3A_1797] {strides = array<i32>} : memref<4x32x768xf32, #tpu.memory_space<vmem>>, vector<1x1x16xf32>,
        %swap3A_1799 = vector.shape_cast %swap3A_1798 : vector<1x1x16xf32> to vector<16xf32>
        %swap3A_1800 = vector.shape_cast %add3A_1794 : vector<16xf32> to vector<1x1x16xf32>
        tpu.vector_store %arg7[%swap3A_1795, %swap3A_1796, %swap3A_1797], %swap3A_1800 {strides = array<i32>} : memref<4x32x768xf32, #tpu.memory_space<vmem>>, vector<1x1x16xf32>,
        %get3A_1801 = arith.index_cast %select_n3A_525 : i32 to index
        %get3A_1802 = arith.index_cast %add3A_1776 : i32 to index
        %get3A_1803 = arith.constant 416 : index
        %get3A_1804 = tpu.vector_load %arg7[%get3A_1801, %get3A_1802, %get3A_1803] {strides = array<i32>} : memref<4x32x768xf32, #tpu.memory_space<vmem>>, vector<1x1x16xf32>,
        %get3A_1805 = vector.shape_cast %get3A_1804 : vector<1x1x16xf32> to vector<16xf32>
        %add3A_1806 = arith.addf %get3A_1805, %get3A_1379 : vector<16xf32>
        %swap3A_1807 = arith.index_cast %select_n3A_525 : i32 to index
        %swap3A_1808 = arith.index_cast %add3A_1776 : i32 to index
        %swap3A_1809 = arith.constant 416 : index
        %swap3A_1810 = tpu.vector_load %arg7[%swap3A_1807, %swap3A_1808, %swap3A_1809] {strides = array<i32>} : memref<4x32x768xf32, #tpu.memory_space<vmem>>, vector<1x1x16xf32>,
        %swap3A_1811 = vector.shape_cast %swap3A_1810 : vector<1x1x16xf32> to vector<16xf32>
        %swap3A_1812 = vector.shape_cast %add3A_1806 : vector<16xf32> to vector<1x1x16xf32>
        tpu.vector_store %arg7[%swap3A_1807, %swap3A_1808, %swap3A_1809], %swap3A_1812 {strides = array<i32>} : memref<4x32x768xf32, #tpu.memory_space<vmem>>, vector<1x1x16xf32>,
        %get3A_1813 = arith.index_cast %select_n3A_525 : i32 to index
        %get3A_1814 = arith.index_cast %add3A_1776 : i32 to index
        %get3A_1815 = arith.constant 432 : index
        %get3A_1816 = tpu.vector_load %arg7[%get3A_1813, %get3A_1814, %get3A_1815] {strides = array<i32>} : memref<4x32x768xf32, #tpu.memory_space<vmem>>, vector<1x1x16xf32>,
        %get3A_1817 = vector.shape_cast %get3A_1816 : vector<1x1x16xf32> to vector<16xf32>
        %add3A_1818 = arith.addf %get3A_1817, %get3A_1384 : vector<16xf32>
        %swap3A_1819 = arith.index_cast %select_n3A_525 : i32 to index
        %swap3A_1820 = arith.index_cast %add3A_1776 : i32 to index
        %swap3A_1821 = arith.constant 432 : index
        %swap3A_1822 = tpu.vector_load %arg7[%swap3A_1819, %swap3A_1820, %swap3A_1821] {strides = array<i32>} : memref<4x32x768xf32, #tpu.memory_space<vmem>>, vector<1x1x16xf32>,
        %swap3A_1823 = vector.shape_cast %swap3A_1822 : vector<1x1x16xf32> to vector<16xf32>
        %swap3A_1824 = vector.shape_cast %add3A_1818 : vector<16xf32> to vector<1x1x16xf32>
        tpu.vector_store %arg7[%swap3A_1819, %swap3A_1820, %swap3A_1821], %swap3A_1824 {strides = array<i32>} : memref<4x32x768xf32, #tpu.memory_space<vmem>>, vector<1x1x16xf32>,
        %get3A_1825 = arith.index_cast %select_n3A_525 : i32 to index
        %get3A_1826 = arith.index_cast %add3A_1776 : i32 to index
        %get3A_1827 = arith.constant 448 : index
        %get3A_1828 = tpu.vector_load %arg7[%get3A_1825, %get3A_1826, %get3A_1827] {strides = array<i32>} : memref<4x32x768xf32, #tpu.memory_space<vmem>>, vector<1x1x16xf32>,
        %get3A_1829 = vector.shape_cast %get3A_1828 : vector<1x1x16xf32> to vector<16xf32>
        %add3A_1830 = arith.addf %get3A_1829, %get3A_1389 : vector<16xf32>
        %swap3A_1831 = arith.index_cast %select_n3A_525 : i32 to index
        %swap3A_1832 = arith.index_cast %add3A_1776 : i32 to index
        %swap3A_1833 = arith.constant 448 : index
        %swap3A_1834 = tpu.vector_load %arg7[%swap3A_1831, %swap3A_1832, %swap3A_1833] {strides = array<i32>} : memref<4x32x768xf32, #tpu.memory_space<vmem>>, vector<1x1x16xf32>,
        %swap3A_1835 = vector.shape_cast %swap3A_1834 : vector<1x1x16xf32> to vector<16xf32>
        %swap3A_1836 = vector.shape_cast %add3A_1830 : vector<16xf32> to vector<1x1x16xf32>
        tpu.vector_store %arg7[%swap3A_1831, %swap3A_1832, %swap3A_1833], %swap3A_1836 {strides = array<i32>} : memref<4x32x768xf32, #tpu.memory_space<vmem>>, vector<1x1x16xf32>,
        %get3A_1837 = arith.index_cast %select_n3A_525 : i32 to index
        %get3A_1838 = arith.index_cast %add3A_1776 : i32 to index
        %get3A_1839 = arith.constant 464 : index
        %get3A_1840 = tpu.vector_load %arg7[%get3A_1837, %get3A_1838, %get3A_1839] {strides = array<i32>} : memref<4x32x768xf32, #tpu.memory_space<vmem>>, vector<1x1x16xf32>,
        %get3A_1841 = vector.shape_cast %get3A_1840 : vector<1x1x16xf32> to vector<16xf32>
        %add3A_1842 = arith.addf %get3A_1841, %get3A_1394 : vector<16xf32>
        %swap3A_1843 = arith.index_cast %select_n3A_525 : i32 to index
        %swap3A_1844 = arith.index_cast %add3A_1776 : i32 to index
        %swap3A_1845 = arith.constant 464 : index
        %swap3A_1846 = tpu.vector_load %arg7[%swap3A_1843, %swap3A_1844, %swap3A_1845] {strides = array<i32>} : memref<4x32x768xf32, #tpu.memory_space<vmem>>, vector<1x1x16xf32>,
        %swap3A_1847 = vector.shape_cast %swap3A_1846 : vector<1x1x16xf32> to vector<16xf32>
        %swap3A_1848 = vector.shape_cast %add3A_1842 : vector<16xf32> to vector<1x1x16xf32>
        tpu.vector_store %arg7[%swap3A_1843, %swap3A_1844, %swap3A_1845], %swap3A_1848 {strides = array<i32>} : memref<4x32x768xf32, #tpu.memory_space<vmem>>, vector<1x1x16xf32>,
        %get3A_1849 = arith.index_cast %select_n3A_525 : i32 to index
        %get3A_1850 = arith.index_cast %add3A_1776 : i32 to index
        %get3A_1851 = arith.constant 480 : index
        %get3A_1852 = tpu.vector_load %arg7[%get3A_1849, %get3A_1850, %get3A_1851] {strides = array<i32>} : memref<4x32x768xf32, #tpu.memory_space<vmem>>, vector<1x1x16xf32>,
        %get3A_1853 = vector.shape_cast %get3A_1852 : vector<1x1x16xf32> to vector<16xf32>
        %add3A_1854 = arith.addf %get3A_1853, %get3A_1399 : vector<16xf32>
        %swap3A_1855 = arith.index_cast %select_n3A_525 : i32 to index
        %swap3A_1856 = arith.index_cast %add3A_1776 : i32 to index
        %swap3A_1857 = arith.constant 480 : index
        %swap3A_1858 = tpu.vector_load %arg7[%swap3A_1855, %swap3A_1856, %swap3A_1857] {strides = array<i32>} : memref<4x32x768xf32, #tpu.memory_space<vmem>>, vector<1x1x16xf32>,
        %swap3A_1859 = vector.shape_cast %swap3A_1858 : vector<1x1x16xf32> to vector<16xf32>
        %swap3A_1860 = vector.shape_cast %add3A_1854 : vector<16xf32> to vector<1x1x16xf32>
        tpu.vector_store %arg7[%swap3A_1855, %swap3A_1856, %swap3A_1857], %swap3A_1860 {strides = array<i32>} : memref<4x32x768xf32, #tpu.memory_space<vmem>>, vector<1x1x16xf32>,
        %get3A_1861 = arith.index_cast %select_n3A_525 : i32 to index
        %get3A_1862 = arith.index_cast %add3A_1776 : i32 to index
        %get3A_1863 = arith.constant 496 : index
        %get3A_1864 = tpu.vector_load %arg7[%get3A_1861, %get3A_1862, %get3A_1863] {strides = array<i32>} : memref<4x32x768xf32, #tpu.memory_space<vmem>>, vector<1x1x16xf32>,
        %get3A_1865 = vector.shape_cast %get3A_1864 : vector<1x1x16xf32> to vector<16xf32>
        %add3A_1866 = arith.addf %get3A_1865, %get3A_1404 : vector<16xf32>
        %swap3A_1867 = arith.index_cast %select_n3A_525 : i32 to index
        %swap3A_1868 = arith.index_cast %add3A_1776 : i32 to index
        %swap3A_1869 = arith.constant 496 : index
        %swap3A_1870 = tpu.vector_load %arg7[%swap3A_1867, %swap3A_1868, %swap3A_1869] {strides = array<i32>} : memref<4x32x768xf32, #tpu.memory_space<vmem>>, vector<1x1x16xf32>,
        %swap3A_1871 = vector.shape_cast %swap3A_1870 : vector<1x1x16xf32> to vector<16xf32>
        %swap3A_1872 = vector.shape_cast %add3A_1866 : vector<16xf32> to vector<1x1x16xf32>
        tpu.vector_store %arg7[%swap3A_1867, %swap3A_1868, %swap3A_1869], %swap3A_1872 {strides = array<i32>} : memref<4x32x768xf32, #tpu.memory_space<vmem>>, vector<1x1x16xf32>,
        %get3A_1873 = arith.index_cast %select_n3A_525 : i32 to index
        %get3A_1874 = arith.index_cast %add3A_1776 : i32 to index
        %get3A_1875 = arith.constant 512 : index
        %get3A_1876 = tpu.vector_load %arg7[%get3A_1873, %get3A_1874, %get3A_1875] {strides = array<i32>} : memref<4x32x768xf32, #tpu.memory_space<vmem>>, vector<1x1x16xf32>,
        %get3A_1877 = vector.shape_cast %get3A_1876 : vector<1x1x16xf32> to vector<16xf32>
        %add3A_1878 = arith.addf %get3A_1877, %get3A_1409 : vector<16xf32>
        %swap3A_1879 = arith.index_cast %select_n3A_525 : i32 to index
        %swap3A_1880 = arith.index_cast %add3A_1776 : i32 to index
        %swap3A_1881 = arith.constant 512 : index
        %swap3A_1882 = tpu.vector_load %arg7[%swap3A_1879, %swap3A_1880, %swap3A_1881] {strides = array<i32>} : memref<4x32x768xf32, #tpu.memory_space<vmem>>, vector<1x1x16xf32>,
        %swap3A_1883 = vector.shape_cast %swap3A_1882 : vector<1x1x16xf32> to vector<16xf32>
        %swap3A_1884 = vector.shape_cast %add3A_1878 : vector<16xf32> to vector<1x1x16xf32>
        tpu.vector_store %arg7[%swap3A_1879, %swap3A_1880, %swap3A_1881], %swap3A_1884 {strides = array<i32>} : memref<4x32x768xf32, #tpu.memory_space<vmem>>, vector<1x1x16xf32>,
        %get3A_1885 = arith.index_cast %select_n3A_525 : i32 to index
        %get3A_1886 = arith.index_cast %add3A_1776 : i32 to index
        %get3A_1887 = arith.constant 528 : index
        %get3A_1888 = tpu.vector_load %arg7[%get3A_1885, %get3A_1886, %get3A_1887] {strides = array<i32>} : memref<4x32x768xf32, #tpu.memory_space<vmem>>, vector<1x1x16xf32>,
        %get3A_1889 = vector.shape_cast %get3A_1888 : vector<1x1x16xf32> to vector<16xf32>
        %add3A_1890 = arith.addf %get3A_1889, %get3A_1414 : vector<16xf32>
        %swap3A_1891 = arith.index_cast %select_n3A_525 : i32 to index
        %swap3A_1892 = arith.index_cast %add3A_1776 : i32 to index
        %swap3A_1893 = arith.constant 528 : index
        %swap3A_1894 = tpu.vector_load %arg7[%swap3A_1891, %swap3A_1892, %swap3A_1893] {strides = array<i32>} : memref<4x32x768xf32, #tpu.memory_space<vmem>>, vector<1x1x16xf32>,
        %swap3A_1895 = vector.shape_cast %swap3A_1894 : vector<1x1x16xf32> to vector<16xf32>
        %swap3A_1896 = vector.shape_cast %add3A_1890 : vector<16xf32> to vector<1x1x16xf32>
        tpu.vector_store %arg7[%swap3A_1891, %swap3A_1892, %swap3A_1893], %swap3A_1896 {strides = array<i32>} : memref<4x32x768xf32, #tpu.memory_space<vmem>>, vector<1x1x16xf32>,
        %get3A_1897 = arith.index_cast %select_n3A_525 : i32 to index
        %get3A_1898 = arith.index_cast %add3A_1776 : i32 to index
        %get3A_1899 = arith.constant 544 : index
        %get3A_1900 = tpu.vector_load %arg7[%get3A_1897, %get3A_1898, %get3A_1899] {strides = array<i32>} : memref<4x32x768xf32, #tpu.memory_space<vmem>>, vector<1x1x16xf32>,
        %get3A_1901 = vector.shape_cast %get3A_1900 : vector<1x1x16xf32> to vector<16xf32>
        %add3A_1902 = arith.addf %get3A_1901, %get3A_1419 : vector<16xf32>
        %swap3A_1903 = arith.index_cast %select_n3A_525 : i32 to index
        %swap3A_1904 = arith.index_cast %add3A_1776 : i32 to index
        %swap3A_1905 = arith.constant 544 : index
        %swap3A_1906 = tpu.vector_load %arg7[%swap3A_1903, %swap3A_1904, %swap3A_1905] {strides = array<i32>} : memref<4x32x768xf32, #tpu.memory_space<vmem>>, vector<1x1x16xf32>,
        %swap3A_1907 = vector.shape_cast %swap3A_1906 : vector<1x1x16xf32> to vector<16xf32>
        %swap3A_1908 = vector.shape_cast %add3A_1902 : vector<16xf32> to vector<1x1x16xf32>
        tpu.vector_store %arg7[%swap3A_1903, %swap3A_1904, %swap3A_1905], %swap3A_1908 {strides = array<i32>} : memref<4x32x768xf32, #tpu.memory_space<vmem>>, vector<1x1x16xf32>,
        %get3A_1909 = arith.index_cast %select_n3A_525 : i32 to index
        %get3A_1910 = arith.index_cast %add3A_1776 : i32 to index
        %get3A_1911 = arith.constant 560 : index
        %get3A_1912 = tpu.vector_load %arg7[%get3A_1909, %get3A_1910, %get3A_1911] {strides = array<i32>} : memref<4x32x768xf32, #tpu.memory_space<vmem>>, vector<1x1x16xf32>,
        %get3A_1913 = vector.shape_cast %get3A_1912 : vector<1x1x16xf32> to vector<16xf32>
        %add3A_1914 = arith.addf %get3A_1913, %get3A_1424 : vector<16xf32>
        %swap3A_1915 = arith.index_cast %select_n3A_525 : i32 to index
        %swap3A_1916 = arith.index_cast %add3A_1776 : i32 to index
        %swap3A_1917 = arith.constant 560 : index
        %swap3A_1918 = tpu.vector_load %arg7[%swap3A_1915, %swap3A_1916, %swap3A_1917] {strides = array<i32>} : memref<4x32x768xf32, #tpu.memory_space<vmem>>, vector<1x1x16xf32>,
        %swap3A_1919 = vector.shape_cast %swap3A_1918 : vector<1x1x16xf32> to vector<16xf32>
        %swap3A_1920 = vector.shape_cast %add3A_1914 : vector<16xf32> to vector<1x1x16xf32>
        tpu.vector_store %arg7[%swap3A_1915, %swap3A_1916, %swap3A_1917], %swap3A_1920 {strides = array<i32>} : memref<4x32x768xf32, #tpu.memory_space<vmem>>, vector<1x1x16xf32>,
        %get3A_1921 = arith.index_cast %select_n3A_525 : i32 to index
        %get3A_1922 = arith.index_cast %add3A_1776 : i32 to index
        %get3A_1923 = arith.constant 576 : index
        %get3A_1924 = tpu.vector_load %arg7[%get3A_1921, %get3A_1922, %get3A_1923] {strides = array<i32>} : memref<4x32x768xf32, #tpu.memory_space<vmem>>, vector<1x1x16xf32>,
        %get3A_1925 = vector.shape_cast %get3A_1924 : vector<1x1x16xf32> to vector<16xf32>
        %add3A_1926 = arith.addf %get3A_1925, %get3A_1429 : vector<16xf32>
        %swap3A_1927 = arith.index_cast %select_n3A_525 : i32 to index
        %swap3A_1928 = arith.index_cast %add3A_1776 : i32 to index
        %swap3A_1929 = arith.constant 576 : index
        %swap3A_1930 = tpu.vector_load %arg7[%swap3A_1927, %swap3A_1928, %swap3A_1929] {strides = array<i32>} : memref<4x32x768xf32, #tpu.memory_space<vmem>>, vector<1x1x16xf32>,
        %swap3A_1931 = vector.shape_cast %swap3A_1930 : vector<1x1x16xf32> to vector<16xf32>
        %swap3A_1932 = vector.shape_cast %add3A_1926 : vector<16xf32> to vector<1x1x16xf32>
        tpu.vector_store %arg7[%swap3A_1927, %swap3A_1928, %swap3A_1929], %swap3A_1932 {strides = array<i32>} : memref<4x32x768xf32, #tpu.memory_space<vmem>>, vector<1x1x16xf32>,
        %get3A_1933 = arith.index_cast %select_n3A_525 : i32 to index
        %get3A_1934 = arith.index_cast %add3A_1776 : i32 to index
        %get3A_1935 = arith.constant 592 : index
        %get3A_1936 = tpu.vector_load %arg7[%get3A_1933, %get3A_1934, %get3A_1935] {strides = array<i32>} : memref<4x32x768xf32, #tpu.memory_space<vmem>>, vector<1x1x16xf32>,
        %get3A_1937 = vector.shape_cast %get3A_1936 : vector<1x1x16xf32> to vector<16xf32>
        %add3A_1938 = arith.addf %get3A_1937, %get3A_1434 : vector<16xf32>
        %swap3A_1939 = arith.index_cast %select_n3A_525 : i32 to index
        %swap3A_1940 = arith.index_cast %add3A_1776 : i32 to index
        %swap3A_1941 = arith.constant 592 : index
        %swap3A_1942 = tpu.vector_load %arg7[%swap3A_1939, %swap3A_1940, %swap3A_1941] {strides = array<i32>} : memref<4x32x768xf32, #tpu.memory_space<vmem>>, vector<1x1x16xf32>,
        %swap3A_1943 = vector.shape_cast %swap3A_1942 : vector<1x1x16xf32> to vector<16xf32>
        %swap3A_1944 = vector.shape_cast %add3A_1938 : vector<16xf32> to vector<1x1x16xf32>
        tpu.vector_store %arg7[%swap3A_1939, %swap3A_1940, %swap3A_1941], %swap3A_1944 {strides = array<i32>} : memref<4x32x768xf32, #tpu.memory_space<vmem>>, vector<1x1x16xf32>,
        %get3A_1945 = arith.index_cast %select_n3A_525 : i32 to index
        %get3A_1946 = arith.index_cast %add3A_1776 : i32 to index
        %get3A_1947 = arith.constant 608 : index
        %get3A_1948 = tpu.vector_load %arg7[%get3A_1945, %get3A_1946, %get3A_1947] {strides = array<i32>} : memref<4x32x768xf32, #tpu.memory_space<vmem>>, vector<1x1x16xf32>,
        %get3A_1949 = vector.shape_cast %get3A_1948 : vector<1x1x16xf32> to vector<16xf32>
        %add3A_1950 = arith.addf %get3A_1949, %get3A_1439 : vector<16xf32>
        %swap3A_1951 = arith.index_cast %select_n3A_525 : i32 to index
        %swap3A_1952 = arith.index_cast %add3A_1776 : i32 to index
        %swap3A_1953 = arith.constant 608 : index
        %swap3A_1954 = tpu.vector_load %arg7[%swap3A_1951, %swap3A_1952, %swap3A_1953] {strides = array<i32>} : memref<4x32x768xf32, #tpu.memory_space<vmem>>, vector<1x1x16xf32>,
        %swap3A_1955 = vector.shape_cast %swap3A_1954 : vector<1x1x16xf32> to vector<16xf32>
        %swap3A_1956 = vector.shape_cast %add3A_1950 : vector<16xf32> to vector<1x1x16xf32>
        tpu.vector_store %arg7[%swap3A_1951, %swap3A_1952, %swap3A_1953], %swap3A_1956 {strides = array<i32>} : memref<4x32x768xf32, #tpu.memory_space<vmem>>, vector<1x1x16xf32>,
        %get3A_1957 = arith.index_cast %select_n3A_525 : i32 to index
        %get3A_1958 = arith.index_cast %add3A_1776 : i32 to index
        %get3A_1959 = arith.constant 624 : index
        %get3A_1960 = tpu.vector_load %arg7[%get3A_1957, %get3A_1958, %get3A_1959] {strides = array<i32>} : memref<4x32x768xf32, #tpu.memory_space<vmem>>, vector<1x1x16xf32>,
        %get3A_1961 = vector.shape_cast %get3A_1960 : vector<1x1x16xf32> to vector<16xf32>
        %add3A_1962 = arith.addf %get3A_1961, %get3A_1444 : vector<16xf32>
        %swap3A_1963 = arith.index_cast %select_n3A_525 : i32 to index
        %swap3A_1964 = arith.index_cast %add3A_1776 : i32 to index
        %swap3A_1965 = arith.constant 624 : index
        %swap3A_1966 = tpu.vector_load %arg7[%swap3A_1963, %swap3A_1964, %swap3A_1965] {strides = array<i32>} : memref<4x32x768xf32, #tpu.memory_space<vmem>>, vector<1x1x16xf32>,
        %swap3A_1967 = vector.shape_cast %swap3A_1966 : vector<1x1x16xf32> to vector<16xf32>
        %swap3A_1968 = vector.shape_cast %add3A_1962 : vector<16xf32> to vector<1x1x16xf32>
        tpu.vector_store %arg7[%swap3A_1963, %swap3A_1964, %swap3A_1965], %swap3A_1968 {strides = array<i32>} : memref<4x32x768xf32, #tpu.memory_space<vmem>>, vector<1x1x16xf32>,
        %get3A_1969 = arith.index_cast %select_n3A_525 : i32 to index
        %get3A_1970 = arith.index_cast %add3A_1776 : i32 to index
        %get3A_1971 = arith.constant 640 : index
        %get3A_1972 = tpu.vector_load %arg7[%get3A_1969, %get3A_1970, %get3A_1971] {strides = array<i32>} : memref<4x32x768xf32, #tpu.memory_space<vmem>>, vector<1x1x16xf32>,
        %get3A_1973 = vector.shape_cast %get3A_1972 : vector<1x1x16xf32> to vector<16xf32>
        %add3A_1974 = arith.addf %get3A_1973, %get3A_1449 : vector<16xf32>
        %swap3A_1975 = arith.index_cast %select_n3A_525 : i32 to index
        %swap3A_1976 = arith.index_cast %add3A_1776 : i32 to index
        %swap3A_1977 = arith.constant 640 : index
        %swap3A_1978 = tpu.vector_load %arg7[%swap3A_1975, %swap3A_1976, %swap3A_1977] {strides = array<i32>} : memref<4x32x768xf32, #tpu.memory_space<vmem>>, vector<1x1x16xf32>,
        %swap3A_1979 = vector.shape_cast %swap3A_1978 : vector<1x1x16xf32> to vector<16xf32>
        %swap3A_1980 = vector.shape_cast %add3A_1974 : vector<16xf32> to vector<1x1x16xf32>
        tpu.vector_store %arg7[%swap3A_1975, %swap3A_1976, %swap3A_1977], %swap3A_1980 {strides = array<i32>} : memref<4x32x768xf32, #tpu.memory_space<vmem>>, vector<1x1x16xf32>,
        %get3A_1981 = arith.index_cast %select_n3A_525 : i32 to index
        %get3A_1982 = arith.index_cast %add3A_1776 : i32 to index
        %get3A_1983 = arith.constant 656 : index
        %get3A_1984 = tpu.vector_load %arg7[%get3A_1981, %get3A_1982, %get3A_1983] {strides = array<i32>} : memref<4x32x768xf32, #tpu.memory_space<vmem>>, vector<1x1x16xf32>,
        %get3A_1985 = vector.shape_cast %get3A_1984 : vector<1x1x16xf32> to vector<16xf32>
        %add3A_1986 = arith.addf %get3A_1985, %get3A_1454 : vector<16xf32>
        %swap3A_1987 = arith.index_cast %select_n3A_525 : i32 to index
        %swap3A_1988 = arith.index_cast %add3A_1776 : i32 to index
        %swap3A_1989 = arith.constant 656 : index
        %swap3A_1990 = tpu.vector_load %arg7[%swap3A_1987, %swap3A_1988, %swap3A_1989] {strides = array<i32>} : memref<4x32x768xf32, #tpu.memory_space<vmem>>, vector<1x1x16xf32>,
        %swap3A_1991 = vector.shape_cast %swap3A_1990 : vector<1x1x16xf32> to vector<16xf32>
        %swap3A_1992 = vector.shape_cast %add3A_1986 : vector<16xf32> to vector<1x1x16xf32>
        tpu.vector_store %arg7[%swap3A_1987, %swap3A_1988, %swap3A_1989], %swap3A_1992 {strides = array<i32>} : memref<4x32x768xf32, #tpu.memory_space<vmem>>, vector<1x1x16xf32>,
        %get3A_1993 = arith.index_cast %select_n3A_525 : i32 to index
        %get3A_1994 = arith.index_cast %add3A_1776 : i32 to index
        %get3A_1995 = arith.constant 672 : index
        %get3A_1996 = tpu.vector_load %arg7[%get3A_1993, %get3A_1994, %get3A_1995] {strides = array<i32>} : memref<4x32x768xf32, #tpu.memory_space<vmem>>, vector<1x1x16xf32>,
        %get3A_1997 = vector.shape_cast %get3A_1996 : vector<1x1x16xf32> to vector<16xf32>
        %add3A_1998 = arith.addf %get3A_1997, %get3A_1459 : vector<16xf32>
        %swap3A_1999 = arith.index_cast %select_n3A_525 : i32 to index
        %swap3A_2000 = arith.index_cast %add3A_1776 : i32 to index
        %swap3A_2001 = arith.constant 672 : index
        %swap3A_2002 = tpu.vector_load %arg7[%swap3A_1999, %swap3A_2000, %swap3A_2001] {strides = array<i32>} : memref<4x32x768xf32, #tpu.memory_space<vmem>>, vector<1x1x16xf32>,
        %swap3A_2003 = vector.shape_cast %swap3A_2002 : vector<1x1x16xf32> to vector<16xf32>
        %swap3A_2004 = vector.shape_cast %add3A_1998 : vector<16xf32> to vector<1x1x16xf32>
        tpu.vector_store %arg7[%swap3A_1999, %swap3A_2000, %swap3A_2001], %swap3A_2004 {strides = array<i32>} : memref<4x32x768xf32, #tpu.memory_space<vmem>>, vector<1x1x16xf32>,
        %get3A_2005 = arith.index_cast %select_n3A_525 : i32 to index
        %get3A_2006 = arith.index_cast %add3A_1776 : i32 to index
        %get3A_2007 = arith.constant 688 : index
        %get3A_2008 = tpu.vector_load %arg7[%get3A_2005, %get3A_2006, %get3A_2007] {strides = array<i32>} : memref<4x32x768xf32, #tpu.memory_space<vmem>>, vector<1x1x16xf32>,
        %get3A_2009 = vector.shape_cast %get3A_2008 : vector<1x1x16xf32> to vector<16xf32>
        %add3A_2010 = arith.addf %get3A_2009, %get3A_1464 : vector<16xf32>
        %swap3A_2011 = arith.index_cast %select_n3A_525 : i32 to index
        %swap3A_2012 = arith.index_cast %add3A_1776 : i32 to index
        %swap3A_2013 = arith.constant 688 : index
        %swap3A_2014 = tpu.vector_load %arg7[%swap3A_2011, %swap3A_2012, %swap3A_2013] {strides = array<i32>} : memref<4x32x768xf32, #tpu.memory_space<vmem>>, vector<1x1x16xf32>,
        %swap3A_2015 = vector.shape_cast %swap3A_2014 : vector<1x1x16xf32> to vector<16xf32>
        %swap3A_2016 = vector.shape_cast %add3A_2010 : vector<16xf32> to vector<1x1x16xf32>
        tpu.vector_store %arg7[%swap3A_2011, %swap3A_2012, %swap3A_2013], %swap3A_2016 {strides = array<i32>} : memref<4x32x768xf32, #tpu.memory_space<vmem>>, vector<1x1x16xf32>,
        %get3A_2017 = arith.index_cast %select_n3A_525 : i32 to index
        %get3A_2018 = arith.index_cast %add3A_1776 : i32 to index
        %get3A_2019 = arith.constant 704 : index
        %get3A_2020 = tpu.vector_load %arg7[%get3A_2017, %get3A_2018, %get3A_2019] {strides = array<i32>} : memref<4x32x768xf32, #tpu.memory_space<vmem>>, vector<1x1x16xf32>,
        %get3A_2021 = vector.shape_cast %get3A_2020 : vector<1x1x16xf32> to vector<16xf32>
        %add3A_2022 = arith.addf %get3A_2021, %get3A_1469 : vector<16xf32>
        %swap3A_2023 = arith.index_cast %select_n3A_525 : i32 to index
        %swap3A_2024 = arith.index_cast %add3A_1776 : i32 to index
        %swap3A_2025 = arith.constant 704 : index
        %swap3A_2026 = tpu.vector_load %arg7[%swap3A_2023, %swap3A_2024, %swap3A_2025] {strides = array<i32>} : memref<4x32x768xf32, #tpu.memory_space<vmem>>, vector<1x1x16xf32>,
        %swap3A_2027 = vector.shape_cast %swap3A_2026 : vector<1x1x16xf32> to vector<16xf32>
        %swap3A_2028 = vector.shape_cast %add3A_2022 : vector<16xf32> to vector<1x1x16xf32>
        tpu.vector_store %arg7[%swap3A_2023, %swap3A_2024, %swap3A_2025], %swap3A_2028 {strides = array<i32>} : memref<4x32x768xf32, #tpu.memory_space<vmem>>, vector<1x1x16xf32>,
        %get3A_2029 = arith.index_cast %select_n3A_525 : i32 to index
        %get3A_2030 = arith.index_cast %add3A_1776 : i32 to index
        %get3A_2031 = arith.constant 720 : index
        %get3A_2032 = tpu.vector_load %arg7[%get3A_2029, %get3A_2030, %get3A_2031] {strides = array<i32>} : memref<4x32x768xf32, #tpu.memory_space<vmem>>, vector<1x1x16xf32>,
        %get3A_2033 = vector.shape_cast %get3A_2032 : vector<1x1x16xf32> to vector<16xf32>
        %add3A_2034 = arith.addf %get3A_2033, %get3A_1474 : vector<16xf32>
        %swap3A_2035 = arith.index_cast %select_n3A_525 : i32 to index
        %swap3A_2036 = arith.index_cast %add3A_1776 : i32 to index
        %swap3A_2037 = arith.constant 720 : index
        %swap3A_2038 = tpu.vector_load %arg7[%swap3A_2035, %swap3A_2036, %swap3A_2037] {strides = array<i32>} : memref<4x32x768xf32, #tpu.memory_space<vmem>>, vector<1x1x16xf32>,
        %swap3A_2039 = vector.shape_cast %swap3A_2038 : vector<1x1x16xf32> to vector<16xf32>
        %swap3A_2040 = vector.shape_cast %add3A_2034 : vector<16xf32> to vector<1x1x16xf32>
        tpu.vector_store %arg7[%swap3A_2035, %swap3A_2036, %swap3A_2037], %swap3A_2040 {strides = array<i32>} : memref<4x32x768xf32, #tpu.memory_space<vmem>>, vector<1x1x16xf32>,
        %get3A_2041 = arith.index_cast %select_n3A_525 : i32 to index
        %get3A_2042 = arith.index_cast %add3A_1776 : i32 to index
        %get3A_2043 = arith.constant 736 : index
        %get3A_2044 = tpu.vector_load %arg7[%get3A_2041, %get3A_2042, %get3A_2043] {strides = array<i32>} : memref<4x32x768xf32, #tpu.memory_space<vmem>>, vector<1x1x16xf32>,
        %get3A_2045 = vector.shape_cast %get3A_2044 : vector<1x1x16xf32> to vector<16xf32>
        %add3A_2046 = arith.addf %get3A_2045, %get3A_1479 : vector<16xf32>
        %swap3A_2047 = arith.index_cast %select_n3A_525 : i32 to index
        %swap3A_2048 = arith.index_cast %add3A_1776 : i32 to index
        %swap3A_2049 = arith.constant 736 : index
        %swap3A_2050 = tpu.vector_load %arg7[%swap3A_2047, %swap3A_2048, %swap3A_2049] {strides = array<i32>} : memref<4x32x768xf32, #tpu.memory_space<vmem>>, vector<1x1x16xf32>,
        %swap3A_2051 = vector.shape_cast %swap3A_2050 : vector<1x1x16xf32> to vector<16xf32>
        %swap3A_2052 = vector.shape_cast %add3A_2046 : vector<16xf32> to vector<1x1x16xf32>
        tpu.vector_store %arg7[%swap3A_2047, %swap3A_2048, %swap3A_2049], %swap3A_2052 {strides = array<i32>} : memref<4x32x768xf32, #tpu.memory_space<vmem>>, vector<1x1x16xf32>,
        %get3A_2053 = arith.index_cast %select_n3A_525 : i32 to index
        %get3A_2054 = arith.index_cast %add3A_1776 : i32 to index
        %get3A_2055 = arith.constant 752 : index
        %get3A_2056 = tpu.vector_load %arg7[%get3A_2053, %get3A_2054, %get3A_2055] {strides = array<i32>} : memref<4x32x768xf32, #tpu.memory_space<vmem>>, vector<1x1x16xf32>,
        %get3A_2057 = vector.shape_cast %get3A_2056 : vector<1x1x16xf32> to vector<16xf32>
        %add3A_2058 = arith.addf %get3A_2057, %get3A_1484 : vector<16xf32>
        %swap3A_2059 = arith.index_cast %select_n3A_525 : i32 to index
        %swap3A_2060 = arith.index_cast %add3A_1776 : i32 to index
        %swap3A_2061 = arith.constant 752 : index
        %swap3A_2062 = tpu.vector_load %arg7[%swap3A_2059, %swap3A_2060, %swap3A_2061] {strides = array<i32>} : memref<4x32x768xf32, #tpu.memory_space<vmem>>, vector<1x1x16xf32>,
        %swap3A_2063 = vector.shape_cast %swap3A_2062 : vector<1x1x16xf32> to vector<16xf32>
        %swap3A_2064 = vector.shape_cast %add3A_2058 : vector<16xf32> to vector<1x1x16xf32>
        tpu.vector_store %arg7[%swap3A_2059, %swap3A_2060, %swap3A_2061], %swap3A_2064 {strides = array<i32>} : memref<4x32x768xf32, #tpu.memory_space<vmem>>, vector<1x1x16xf32>,
        %scan3A_2065 = arith.constant 0 : i32
        scf.yield %scan3A_2065 : i32
      }
      %scan3A_598 = arith.constant 16 : i32
      %mul3A_599 = arith.constant 2 : i32
      %mul3A_600 = arith.muli %select_n3A_562, %mul3A_599 : i32
      %add3A_601 = arith.constant 0 : i32
      %add3A_602 = arith.addi %mul3A_600, %add3A_601 : i32
      %mul3A_603 = arith.constant 2048 : i32
      %mul3A_604 = arith.muli %add3A_602, %mul3A_603 : i32
      %add3A_605 = arith.addi %mul3A_604, %mul3A_2 : i32
      %mul3A_606 = arith.constant 16 : i32
      %mul3A_607 = arith.muli %select_n3A_546, %mul3A_606 : i32
      %add3A_608 = arith.addi %add3A_605, %mul3A_607 : i32
      %dma_start3A_609 = arith.constant 0 : i32
      %dma_start3A_610 = arith.constant 0 : i32
      %dma_start3A_611 = tpu.memref_slice %arg7[%select_n3A_525, %dma_start3A_609, %dma_start3A_610] : memref<4x32x768xf32, #tpu.memory_space<vmem>> -> memref<1x16x768xf32, #tpu.memory_space<vmem>>
      %dma_start3A_612 = tpu.memref_squeeze %dma_start3A_611 : memref<1x16x768xf32, #tpu.memory_space<vmem>> -> memref<16x768xf32, #tpu.memory_space<vmem>>
      %dma_start3A_613 = arith.constant 0 : i32
      %dma_start3A_614 = tpu.memref_slice %arg5[%add3A_608, %dma_start3A_613] : memref<8192x768xf32, #tpu.memory_space<hbm>> -> memref<16x768xf32, #tpu.memory_space<hbm>>
      %dma_start3A_615 = arith.constant 0 : i32
      %dma_start3A_616 = tpu.memref_slice %arg5[%add3A_608, %dma_start3A_615] : memref<8192x768xf32, #tpu.memory_space<hbm>> -> memref<16x768xf32, #tpu.memory_space<hbm>>
      %dma_start3A_617 = arith.constant 0 : i32
      %dma_start3A_618 = arith.constant 0 : i32
      %dma_start3A_619 = tpu.memref_slice %arg7[%select_n3A_525, %dma_start3A_617, %dma_start3A_618] : memref<4x32x768xf32, #tpu.memory_space<vmem>> -> memref<1x16x768xf32, #tpu.memory_space<vmem>>
      %dma_start3A_620 = tpu.memref_squeeze %dma_start3A_619 : memref<1x16x768xf32, #tpu.memory_space<vmem>> -> memref<16x768xf32, #tpu.memory_space<vmem>>
      tpu.enqueue_dma source(%dma_start3A_620 : memref<16x768xf32, #tpu.memory_space<vmem>>) target(%dma_start3A_616 : memref<16x768xf32, #tpu.memory_space<hbm>>) target_semaphore(%arg12 : memref<!tpu.dma_semaphore, #tpu.memory_space<semaphore_mem>>)
      %mul3A_621 = arith.constant 2 : i32
      %mul3A_622 = arith.muli %select_n3A_562, %mul3A_621 : i32
      %add3A_623 = arith.constant 1 : i32
      %add3A_624 = arith.addi %mul3A_622, %add3A_623 : i32
      %mul3A_625 = arith.constant 2048 : i32
      %mul3A_626 = arith.muli %add3A_624, %mul3A_625 : i32
      %add3A_627 = arith.addi %mul3A_626, %mul3A_2 : i32
      %mul3A_628 = arith.constant 16 : i32
      %mul3A_629 = arith.muli %select_n3A_546, %mul3A_628 : i32
      %add3A_630 = arith.addi %add3A_627, %mul3A_629 : i32
      %dma_start3A_631 = arith.constant 16 : i32
      %dma_start3A_632 = arith.constant 0 : i32
      %dma_start3A_633 = tpu.memref_slice %arg7[%select_n3A_525, %dma_start3A_631, %dma_start3A_632] : memref<4x32x768xf32, #tpu.memory_space<vmem>> -> memref<1x16x768xf32, #tpu.memory_space<vmem>>
      %dma_start3A_634 = tpu.memref_squeeze %dma_start3A_633 : memref<1x16x768xf32, #tpu.memory_space<vmem>> -> memref<16x768xf32, #tpu.memory_space<vmem>>
      %dma_start3A_635 = arith.constant 0 : i32
      %dma_start3A_636 = tpu.memref_slice %arg5[%add3A_630, %dma_start3A_635] : memref<8192x768xf32, #tpu.memory_space<hbm>> -> memref<16x768xf32, #tpu.memory_space<hbm>>
      %dma_start3A_637 = arith.constant 0 : i32
      %dma_start3A_638 = tpu.memref_slice %arg5[%add3A_630, %dma_start3A_637] : memref<8192x768xf32, #tpu.memory_space<hbm>> -> memref<16x768xf32, #tpu.memory_space<hbm>>
      %dma_start3A_639 = arith.constant 16 : i32
      %dma_start3A_640 = arith.constant 0 : i32
      %dma_start3A_641 = tpu.memref_slice %arg7[%select_n3A_525, %dma_start3A_639, %dma_start3A_640] : memref<4x32x768xf32, #tpu.memory_space<vmem>> -> memref<1x16x768xf32, #tpu.memory_space<vmem>>
      %dma_start3A_642 = tpu.memref_squeeze %dma_start3A_641 : memref<1x16x768xf32, #tpu.memory_space<vmem>> -> memref<16x768xf32, #tpu.memory_space<vmem>>
      tpu.enqueue_dma source(%dma_start3A_642 : memref<16x768xf32, #tpu.memory_space<vmem>>) target(%dma_start3A_638 : memref<16x768xf32, #tpu.memory_space<hbm>>) target_semaphore(%arg12 : memref<!tpu.dma_semaphore, #tpu.memory_space<semaphore_mem>>)
      %eq3A_643 = arith.constant 1 : i32
      %eq3A_644 = arith.cmpi eq, %select_n3A_562, %eq3A_643 : i32
      %add3A_645 = arith.constant 2 : i32
      %add3A_646 = arith.addi %select_n3A_546, %add3A_645 : i32
      %lt3A_647 = arith.constant 4 : i32
      %lt3A_648 = arith.cmpi slt, %add3A_646, %lt3A_647 : i32
      %and3A_649 = arith.andi %eq3A_644, %lt3A_648 : i1
      %convert_element_type3A_650 = arith.extui %and3A_649 : i1 to i32
      %cond3A_651 = arith.constant 0 : i32
      %cond3A_652 = arith.cmpi ne, %convert_element_type3A_650, %cond3A_651 : i32
      scf.if %cond3A_652 {
        %add3A_665 = arith.constant 2 : i32
        %add3A_666 = arith.addi %select_n3A_546, %add3A_665 : i32
        %mul3A_667 = arith.constant 16 : i32
        %mul3A_668 = arith.muli %add3A_666, %mul3A_667 : i32
        %add3A_669 = arith.addi %mul3A_2, %mul3A_668 : i32
        %dma_start3A_670 = arith.constant 0 : i32
        %dma_start3A_671 = arith.constant 0 : i32
        %dma_start3A_672 = tpu.memref_slice %arg8[%select_n3A_578, %dma_start3A_670, %dma_start3A_671] : memref<2x16x768xf32, #tpu.memory_space<vmem>> -> memref<1x16x768xf32, #tpu.memory_space<vmem>>
        %dma_start3A_673 = tpu.memref_squeeze %dma_start3A_672 : memref<1x16x768xf32, #tpu.memory_space<vmem>> -> memref<16x768xf32, #tpu.memory_space<vmem>>
        %dma_start3A_674 = arith.constant 0 : i32
        %dma_start3A_675 = tpu.memref_slice %arg4[%add3A_669, %dma_start3A_674] : memref<2048x768xf32, #tpu.memory_space<hbm>> -> memref<16x768xf32, #tpu.memory_space<hbm>>
        %dma_start3A_676 = arith.constant 0 : i32
        %dma_start3A_677 = arith.constant 0 : i32
        %dma_start3A_678 = tpu.memref_slice %arg8[%select_n3A_578, %dma_start3A_676, %dma_start3A_677] : memref<2x16x768xf32, #tpu.memory_space<vmem>> -> memref<1x16x768xf32, #tpu.memory_space<vmem>>
        %dma_start3A_679 = tpu.memref_squeeze %dma_start3A_678 : memref<1x16x768xf32, #tpu.memory_space<vmem>> -> memref<16x768xf32, #tpu.memory_space<vmem>>
        %dma_start3A_680 = arith.constant 0 : i32
        %dma_start3A_681 = tpu.memref_slice %arg4[%add3A_669, %dma_start3A_680] : memref<2048x768xf32, #tpu.memory_space<hbm>> -> memref<16x768xf32, #tpu.memory_space<hbm>>
        tpu.enqueue_dma source(%dma_start3A_681 : memref<16x768xf32, #tpu.memory_space<hbm>>) target(%dma_start3A_679 : memref<16x768xf32, #tpu.memory_space<vmem>>) target_semaphore(%arg10 : memref<!tpu.dma_semaphore, #tpu.memory_space<semaphore_mem>>)
      } else {
      }
      %ge3A = arith.constant 1 : i32
      %ge3A_653 = arith.cmpi sge, %scan3A_515, %ge3A : i32
      %convert_element_type3A_654 = arith.extui %ge3A_653 : i1 to i32
      %cond3A_655 = arith.constant 0 : i32
      %cond3A_656 = arith.cmpi ne, %convert_element_type3A_654, %cond3A_655 : i32
      scf.if %cond3A_656 {
        %sub3A_665 = arith.constant 1 : i32
        %sub3A_666 = arith.subi %scan3A_515, %sub3A_665 : i32
        %jit3A_667 = arith.constant 4 : i32
        %eq3A_668 = arith.constant 0 : i32
        %eq3A_669 = arith.cmpi eq, %jit3A_667, %eq3A_668 : i32
        %jit3A_670 = arith.constant 1 : i32
        %select_n3A_671 = arith.select %eq3A_669, %jit3A_670, %jit3A_667 : i32
        %rem3A_672 = arith.remsi %sub3A_666, %select_n3A_671 : i32
        %ne3A_673 = arith.constant 0 : i32
        %ne3A_674 = arith.cmpi ne, %rem3A_672, %ne3A_673 : i32
        %lt3A_675 = arith.constant 0 : i32
        %lt3A_676 = arith.cmpi slt, %rem3A_672, %lt3A_675 : i32
        %lt3A_677 = arith.constant 0 : i32
        %lt3A_678 = arith.cmpi slt, %select_n3A_671, %lt3A_677 : i32
        %ne3A_679 = arith.xori %lt3A_676, %lt3A_678 : i1
        %and3A_680 = arith.andi %ne3A_679, %ne3A_674 : i1
        %add3A_681 = arith.addi %rem3A_672, %select_n3A_671 : i32
        %select_n3A_682 = arith.select %and3A_680, %add3A_681, %rem3A_672 : i32
        %dma_wait3A_683 = arith.constant 0 : i32
        %dma_wait3A_684 = arith.constant 0 : i32
        %dma_wait3A_685 = tpu.memref_slice %arg7[%select_n3A_682, %dma_wait3A_683, %dma_wait3A_684] : memref<4x32x768xf32, #tpu.memory_space<vmem>> -> memref<1x16x768xf32, #tpu.memory_space<vmem>>
        %dma_wait3A_686 = tpu.memref_squeeze %dma_wait3A_685 : memref<1x16x768xf32, #tpu.memory_space<vmem>> -> memref<16x768xf32, #tpu.memory_space<vmem>>
        %dma_wait3A_687 = arith.constant 0 : i32
        %dma_wait3A_688 = tpu.memref_slice %arg5[%mul3A_2, %dma_wait3A_687] : memref<8192x768xf32, #tpu.memory_space<hbm>> -> memref<16x768xf32, #tpu.memory_space<hbm>>
        %dma_wait3A_689 = arith.constant 0 : i32
        %dma_wait3A_690 = tpu.memref_slice %arg5[%mul3A_2, %dma_wait3A_689] : memref<8192x768xf32, #tpu.memory_space<hbm>> -> memref<16x768xf32, #tpu.memory_space<hbm>>
        %dma_wait3A_691 = arith.constant 0 : i32
        %dma_wait3A_692 = arith.constant 0 : i32
        %dma_wait3A_693 = tpu.memref_slice %arg7[%select_n3A_682, %dma_wait3A_691, %dma_wait3A_692] : memref<4x32x768xf32, #tpu.memory_space<vmem>> -> memref<1x16x768xf32, #tpu.memory_space<vmem>>
        %dma_wait3A_694 = tpu.memref_squeeze %dma_wait3A_693 : memref<1x16x768xf32, #tpu.memory_space<vmem>> -> memref<16x768xf32, #tpu.memory_space<vmem>>
        tpu.wait_dma2 semaphore(%arg12 : memref<!tpu.dma_semaphore, #tpu.memory_space<semaphore_mem>>) src(%dma_wait3A_694 : memref<16x768xf32, #tpu.memory_space<vmem>>) dst(%dma_wait3A_690 : memref<16x768xf32, #tpu.memory_space<hbm>>)
        %sub3A_695 = arith.constant 1 : i32
        %sub3A_696 = arith.subi %scan3A_515, %sub3A_695 : i32
        %jit3A_697 = arith.constant 4 : i32
        %eq3A_698 = arith.constant 0 : i32
        %eq3A_699 = arith.cmpi eq, %jit3A_697, %eq3A_698 : i32
        %jit3A_700 = arith.constant 1 : i32
        %select_n3A_701 = arith.select %eq3A_699, %jit3A_700, %jit3A_697 : i32
        %rem3A_702 = arith.remsi %sub3A_696, %select_n3A_701 : i32
        %ne3A_703 = arith.constant 0 : i32
        %ne3A_704 = arith.cmpi ne, %rem3A_702, %ne3A_703 : i32
        %lt3A_705 = arith.constant 0 : i32
        %lt3A_706 = arith.cmpi slt, %rem3A_702, %lt3A_705 : i32
        %lt3A_707 = arith.constant 0 : i32
        %lt3A_708 = arith.cmpi slt, %select_n3A_701, %lt3A_707 : i32
        %ne3A_709 = arith.xori %lt3A_706, %lt3A_708 : i1
        %and3A_710 = arith.andi %ne3A_709, %ne3A_704 : i1
        %add3A_711 = arith.addi %rem3A_702, %select_n3A_701 : i32
        %select_n3A_712 = arith.select %and3A_710, %add3A_711, %rem3A_702 : i32
        %dma_wait3A_713 = arith.constant 16 : i32
        %dma_wait3A_714 = arith.constant 0 : i32
        %dma_wait3A_715 = tpu.memref_slice %arg7[%select_n3A_712, %dma_wait3A_713, %dma_wait3A_714] : memref<4x32x768xf32, #tpu.memory_space<vmem>> -> memref<1x16x768xf32, #tpu.memory_space<vmem>>
        %dma_wait3A_716 = tpu.memref_squeeze %dma_wait3A_715 : memref<1x16x768xf32, #tpu.memory_space<vmem>> -> memref<16x768xf32, #tpu.memory_space<vmem>>
        %dma_wait3A_717 = arith.constant 0 : i32
        %dma_wait3A_718 = tpu.memref_slice %arg5[%mul3A_2, %dma_wait3A_717] : memref<8192x768xf32, #tpu.memory_space<hbm>> -> memref<16x768xf32, #tpu.memory_space<hbm>>
        %dma_wait3A_719 = arith.constant 0 : i32
        %dma_wait3A_720 = tpu.memref_slice %arg5[%mul3A_2, %dma_wait3A_719] : memref<8192x768xf32, #tpu.memory_space<hbm>> -> memref<16x768xf32, #tpu.memory_space<hbm>>
        %dma_wait3A_721 = arith.constant 16 : i32
        %dma_wait3A_722 = arith.constant 0 : i32
        %dma_wait3A_723 = tpu.memref_slice %arg7[%select_n3A_712, %dma_wait3A_721, %dma_wait3A_722] : memref<4x32x768xf32, #tpu.memory_space<vmem>> -> memref<1x16x768xf32, #tpu.memory_space<vmem>>
        %dma_wait3A_724 = tpu.memref_squeeze %dma_wait3A_723 : memref<1x16x768xf32, #tpu.memory_space<vmem>> -> memref<16x768xf32, #tpu.memory_space<vmem>>
        tpu.wait_dma2 semaphore(%arg12 : memref<!tpu.dma_semaphore, #tpu.memory_space<semaphore_mem>>) src(%dma_wait3A_724 : memref<16x768xf32, #tpu.memory_space<vmem>>) dst(%dma_wait3A_720 : memref<16x768xf32, #tpu.memory_space<hbm>>)
      } else {
      }
      %add3A_657 = arith.constant 3 : i32
      %add3A_658 = arith.addi %scan3A_515, %add3A_657 : i32
      %lt3A_659 = arith.constant 8 : i32
      %lt3A_660 = arith.cmpi slt, %add3A_658, %lt3A_659 : i32
      %convert_element_type3A_661 = arith.extui %lt3A_660 : i1 to i32
      %cond3A_662 = arith.constant 0 : i32
      %cond3A_663 = arith.cmpi ne, %convert_element_type3A_661, %cond3A_662 : i32
      scf.if %cond3A_663 {
        %add3A_665 = arith.constant 3 : i32
        %add3A_666 = arith.addi %scan3A_515, %add3A_665 : i32
        %add3A_667 = arith.constant 3 : i32
        %add3A_668 = arith.addi %scan3A_515, %add3A_667 : i32
        %jit3A_669 = arith.constant 4 : i32
        %eq3A_670 = arith.constant 0 : i32
        %eq3A_671 = arith.cmpi eq, %jit3A_669, %eq3A_670 : i32
        %jit3A_672 = arith.constant 1 : i32
        %select_n3A_673 = arith.select %eq3A_671, %jit3A_672, %jit3A_669 : i32
        %rem3A_674 = arith.remsi %add3A_668, %select_n3A_673 : i32
        %ne3A_675 = arith.constant 0 : i32
        %ne3A_676 = arith.cmpi ne, %rem3A_674, %ne3A_675 : i32
        %lt3A_677 = arith.constant 0 : i32
        %lt3A_678 = arith.cmpi slt, %rem3A_674, %lt3A_677 : i32
        %lt3A_679 = arith.constant 0 : i32
        %lt3A_680 = arith.cmpi slt, %select_n3A_673, %lt3A_679 : i32
        %ne3A_681 = arith.xori %lt3A_678, %lt3A_680 : i1
        %and3A_682 = arith.andi %ne3A_681, %ne3A_676 : i1
        %add3A_683 = arith.addi %rem3A_674, %select_n3A_673 : i32
        %select_n3A_684 = arith.select %and3A_682, %add3A_683, %rem3A_674 : i32
        %dma_start3A_685 = arith.constant 0 : i32
        %dma_start3A_686 = arith.constant 0 : i32
        %dma_start3A_687 = tpu.memref_slice %arg7[%select_n3A_684, %dma_start3A_685, %dma_start3A_686] : memref<4x32x768xf32, #tpu.memory_space<vmem>> -> memref<1x32x768xf32, #tpu.memory_space<vmem>>
        %dma_start3A_688 = tpu.memref_squeeze %dma_start3A_687 : memref<1x32x768xf32, #tpu.memory_space<vmem>> -> memref<32x768xf32, #tpu.memory_space<vmem>>
        %dma_start3A_689 = arith.constant 0 : i32
        %dma_start3A_690 = tpu.memref_slice %arg6[%add3A_666, %dma_start3A_689] : memref<8x32xi32, #tpu.memory_space<vmem>> -> memref<1x32xi32, #tpu.memory_space<vmem>>
        %dma_start3A_691 = tpu.memref_squeeze %dma_start3A_690 : memref<1x32xi32, #tpu.memory_space<vmem>> -> memref<32xi32, #tpu.memory_space<vmem>>
        %dma_start3A_692 = arith.constant 0 : i32
        %dma_start3A_693 = arith.constant 0 : i32
        %dma_start3A_694 = tpu.memref_slice %arg3[%dma_start3A_692, %dma_start3A_693] : memref<50257x768xf32, #tpu.memory_space<hbm>> -> memref<50257x768xf32, #tpu.memory_space<hbm>>
        tpu.enqueue_indirect_dma source(%dma_start3A_694 : memref<50257x768xf32, #tpu.memory_space<hbm>>) target(%dma_start3A_688 : memref<32x768xf32, #tpu.memory_space<vmem>>) offsets(%dma_start3A_691 : memref<32xi32, #tpu.memory_space<vmem>>) semaphore(%arg11 : memref<!tpu.dma_semaphore, #tpu.memory_space<semaphore_mem>>)
      } else {
      }
      %scan3A_664 = arith.constant 0 : i32
      scf.yield %scan3A_664 : i32
    }
    %scan3A_488 = arith.constant 8 : i32
    %dma_wait3A_489 = arith.constant 3 : i32
    %dma_wait3A_490 = arith.constant 0 : i32
    %dma_wait3A_491 = arith.constant 0 : i32
    %dma_wait3A_492 = tpu.memref_slice %arg7[%dma_wait3A_489, %dma_wait3A_490, %dma_wait3A_491] : memref<4x32x768xf32, #tpu.memory_space<vmem>> -> memref<1x16x768xf32, #tpu.memory_space<vmem>>
    %dma_wait3A_493 = tpu.memref_squeeze %dma_wait3A_492 : memref<1x16x768xf32, #tpu.memory_space<vmem>> -> memref<16x768xf32, #tpu.memory_space<vmem>>
    %dma_wait3A_494 = arith.constant 0 : i32
    %dma_wait3A_495 = tpu.memref_slice %arg5[%mul3A_2, %dma_wait3A_494] : memref<8192x768xf32, #tpu.memory_space<hbm>> -> memref<16x768xf32, #tpu.memory_space<hbm>>
    %dma_wait3A_496 = arith.constant 0 : i32
    %dma_wait3A_497 = tpu.memref_slice %arg5[%mul3A_2, %dma_wait3A_496] : memref<8192x768xf32, #tpu.memory_space<hbm>> -> memref<16x768xf32, #tpu.memory_space<hbm>>
    %dma_wait3A_498 = arith.constant 0 : i32
    %dma_wait3A_499 = arith.constant 0 : i32
    %dma_wait3A_500 = tpu.memref_slice %arg7[%dma_wait3A_489, %dma_wait3A_498, %dma_wait3A_499] : memref<4x32x768xf32, #tpu.memory_space<vmem>> -> memref<1x16x768xf32, #tpu.memory_space<vmem>>
    %dma_wait3A_501 = tpu.memref_squeeze %dma_wait3A_500 : memref<1x16x768xf32, #tpu.memory_space<vmem>> -> memref<16x768xf32, #tpu.memory_space<vmem>>
    tpu.wait_dma2 semaphore(%arg12 : memref<!tpu.dma_semaphore, #tpu.memory_space<semaphore_mem>>) src(%dma_wait3A_501 : memref<16x768xf32, #tpu.memory_space<vmem>>) dst(%dma_wait3A_497 : memref<16x768xf32, #tpu.memory_space<hbm>>)
    %dma_wait3A_502 = arith.constant 3 : i32
    %dma_wait3A_503 = arith.constant 16 : i32
    %dma_wait3A_504 = arith.constant 0 : i32
    %dma_wait3A_505 = tpu.memref_slice %arg7[%dma_wait3A_502, %dma_wait3A_503, %dma_wait3A_504] : memref<4x32x768xf32, #tpu.memory_space<vmem>> -> memref<1x16x768xf32, #tpu.memory_space<vmem>>
    %dma_wait3A_506 = tpu.memref_squeeze %dma_wait3A_505 : memref<1x16x768xf32, #tpu.memory_space<vmem>> -> memref<16x768xf32, #tpu.memory_space<vmem>>
    %dma_wait3A_507 = arith.constant 0 : i32
    %dma_wait3A_508 = tpu.memref_slice %arg5[%mul3A_2, %dma_wait3A_507] : memref<8192x768xf32, #tpu.memory_space<hbm>> -> memref<16x768xf32, #tpu.memory_space<hbm>>
    %dma_wait3A_509 = arith.constant 0 : i32
    %dma_wait3A_510 = tpu.memref_slice %arg5[%mul3A_2, %dma_wait3A_509] : memref<8192x768xf32, #tpu.memory_space<hbm>> -> memref<16x768xf32, #tpu.memory_space<hbm>>
    %dma_wait3A_511 = arith.constant 16 : i32
    %dma_wait3A_512 = arith.constant 0 : i32
    %dma_wait3A_513 = tpu.memref_slice %arg7[%dma_wait3A_502, %dma_wait3A_511, %dma_wait3A_512] : memref<4x32x768xf32, #tpu.memory_space<vmem>> -> memref<1x16x768xf32, #tpu.memory_space<vmem>>
    %dma_wait3A_514 = tpu.memref_squeeze %dma_wait3A_513 : memref<1x16x768xf32, #tpu.memory_space<vmem>> -> memref<16x768xf32, #tpu.memory_space<vmem>>
    tpu.wait_dma2 semaphore(%arg12 : memref<!tpu.dma_semaphore, #tpu.memory_space<semaphore_mem>>) src(%dma_wait3A_514 : memref<16x768xf32, #tpu.memory_space<vmem>>) dst(%dma_wait3A_510 : memref<16x768xf32, #tpu.memory_space<hbm>>)
    return
  }
}

</mosaic_0001>

<sc_bundles>
// kernel: _embed.3.cloned.1.call-start
scs
__scs_entry_jumppad:
0x0: {  	(pc) =	sbr.rel $0x88, $3  }
0x1: {  	(tag) =	ssettag $0x0;
	lr =	simm.s32 $0x1  }
0x2: {  	[smem:$0x3F9E] =	sst lr;
	_ =	strace $0xD0000000  }
0x3: {  	_ = 	snop  }
0x4: {  	_ = 	snop  }
0x5: {  	_ = 	snop  }
0x6: {  	_ = 	snop  }
0x7: {  	_ = 	snop  }
__scs_overlays_trampoline_lowered:
0x8: {  	[smem:$0x3FAD] =	sst s0  }
0x9: {  	[smem:$0x3FAE] =	sst s1  }
0xa: {  	[smem:$0x3FAF] =	sst s2  }
0xb: {  	[smem:$0x3FB0] =	sst s3  }
0xc: {  	[smem:$0x3FB1] =	sst s4  }
0xd: {  	[smem:$0x3FB2] =	sst s5  }
0xe: {  	[smem:$0x3FB3] =	sst s6  }
0xf: {  	[smem:$0x3FB4] =	sst s7  }
0x10: {  	[smem:$0x3FB5] =	sst s8  }
0x11: {  	[smem:$0x3FB6] =	sst s9;
	s0 =	simm.s32 @!p0 $0x0  }
0x12: {  	s1 =	sld [smem:$0x3F9C];
	s0 =	simm.s32 @p0 $0x1  }
0x13: {  	[smem:$0x3FB7] =	sst s0;
	s0 =	simm.s32 @!p1 $0x0  }
0x14: {  	s2 =	sld [smem:$0x3F9B];
	s0 =	simm.s32 @p1 $0x1  }
0x15: {  	[smem:$0x3FB8] =	sst s0;
	s0 =	simm.s32 @!p2 $0x0  }
0x16: {  	s3 =	sld [smem:$0x3FDB];
	s0 =	simm.s32 @p2 $0x1  }
0x17: {  	s4 =	simm.s32 $0x1BF5;
	[smem:$0x3FBA] =	sst s0  }
0x18: {  	s0 =	sld [smem:$0x3F9D];
	_ =	swait.ge [sflag:s4], $0x0  }
0x19: {  	s7 =	sld [smem:$0x3F9E]  }
0x1a: {  	s8 =	sadd.s32 $0xFFFFE003, lr  }
0x1b: {  	s9 =	sadd.s32 $0xFFFFFEF7, lr;
	s5 =	simm.s32 $0xFFFFFFFF;
	p2 =	slt.u32 s8, $0xFFFFF086  }
0x1c: {  	p1 =	slt.u32 s9, $0xF7A;
	s5 =	simm.s32 @!p2 $0x0  }
0x1d: {  	s5 =	simm.s32 @p1 $0x1;
	p0 =	seq.s32 s7, s2  }
0x1e: {  	s7 =	smul.u32 @!p0 $0xF7A, s2;
	p2 =	seq.s32 @!p0 s5, $0x0  }
0x1f: {  	s9 =	smul.u32 $0xF7A, s1;
	s8 =	simm.s32 @!p0 $0x1BF5;
	p2 =	por !p2, p0  }
0x20: {  	[sflag:s8] =	ssyncset.s32 @!p0 $0xFFFFF086;
	s6 =	sadd.s32 @!p0 s3, s7;
	s7 =	simm.s32 @!p0 $0x108  }
0x21: {  	s3 =	sadd.s32 s3, s9;
	s6 =	sadd.s32 @!p0 $0x88, s6;
	s7 =	simm.s32 @p2 $0x1082  }
0x22: {  	[simem:s7], [sflag:s8] =	dma.local @!p0 [hbm:s6], $0xF7A  }
0x23: {  	s9 =	sor.u32 $0xD0000000, s2;
	s6 =	simm.s32 $0x108;
	_ =	swait.ge @!p0 [sflag:s8], $0x0  }
0x24: {  	s3 =	sadd.s32 $0x88, s3;
	s6 =	simm.s32 @!p1 $0x1082;
	[sflag:s4] =	ssyncset.s32 $0xFFFFF086  }
0x25: {  	[simem:s6], [sflag:s4] =	dma.local [hbm:s3], $0xF7A  }
0x26: {  	[smem:$0x3F9E] =	sst s1;
	(tag) =	ssettag s2;
	_ =	strace s9  }
0x27: {  	s1 =	sld [smem:$0x3FAE]  }
0x28: {  	s2 =	sld [smem:$0x3FAF]  }
0x29: {  	s4 =	sld [smem:$0x3FB1]  }
0x2a: {  	p0 =	seq.s32 s5, $0x0;
	s5 =	sld [smem:$0x3FB2]  }
0x2b: {  	s6 =	sld [smem:$0x3FB3]  }
0x2c: {  	s7 =	sld [smem:$0x3FB4]  }
0x2d: {  	s3 =	simm.s32 $0x108;
	s8 =	sld [smem:$0x3FB5]  }
0x2e: {  	s3 =	simm.s32 @!p0 $0x1082;
	s9 =	sld [smem:$0x3FB6]  }
0x2f: {  	lr =	sadd.s32 s0, s3;
	s0 =	sld [smem:$0x3FAD]  }
0x30: {  	s3 =	sld [smem:$0x3FB0]  }
0x31: {  	[smem:$0x3FB9] =	sst s10  }
0x32: {  	s10 =	sld [smem:$0x3FB7];
	_ =	sdelay $0x3  }
0x33: {  	p0 =	seq.s32 s10, $0x1;
	s10 =	sld [smem:$0x3FB9];
	_ =	sdelay $0x3  }
0x34: {  	[smem:$0x3FB9] =	sst s10  }
0x35: {  	s10 =	sld [smem:$0x3FB8];
	_ =	sdelay $0x3  }
0x36: {  	p1 =	seq.s32 s10, $0x1;
	s10 =	sld [smem:$0x3FB9];
	_ =	sdelay $0x3  }
0x37: {  	[smem:$0x3FB9] =	sst s10  }
0x38: {  	s10 =	sld [smem:$0x3FBA]  }
0x39: {  	_ = 	snop;
	(pc) =	sbr.ind lr, $3  }
0x3a: {  	_ = 	snop  }
0x3b: {  	_ = 	snop  }
0x3c: {  	p2 =	seq.s32 s10, $0x1;
	s10 =	sld [smem:$0x3FB9]  }
0x3d: {  	_ =	shalt  }
0x3e: {  	_ =	shalt  }
0x3f: {  	_ =	shalt  }
0x40: {  	_ =	shalt  }
0x41: {  	_ =	shalt  }
0x42: {  	_ =	shalt  }
0x43: {  	_ =	shalt  }
0x44: {  	_ =	shalt  }
0x45: {  	_ =	shalt  }
0x46: {  	_ =	shalt  }
0x47: {  	_ =	shalt  }
0x48: {  	_ =	shalt  }
0x49: {  	_ =	shalt  }
0x4a: {  	_ =	shalt  }
0x4b: {  	_ =	shalt  }
0x4c: {  	_ =	shalt  }
0x4d: {  	_ =	shalt  }
0x4e: {  	_ =	shalt  }
0x4f: {  	_ =	shalt  }
0x50: {  	_ =	shalt  }
0x51: {  	_ =	shalt  }
0x52: {  	_ =	shalt  }
0x53: {  	_ =	shalt  }
0x54: {  	_ =	shalt  }
0x55: {  	_ =	shalt  }
0x56: {  	_ =	shalt  }
0x57: {  	_ =	shalt  }
0x58: {  	_ =	shalt  }
0x59: {  	_ =	shalt  }
0x5a: {  	_ =	shalt  }
0x5b: {  	_ =	shalt  }
0x5c: {  	_ =	shalt  }
0x5d: {  	_ =	shalt  }
0x5e: {  	_ =	shalt  }
0x5f: {  	_ =	shalt  }
0x60: {  	_ =	shalt  }
0x61: {  	_ =	shalt  }
0x62: {  	_ =	shalt  }
0x63: {  	_ =	shalt  }
0x64: {  	_ =	shalt  }
0x65: {  	_ =	shalt  }
0x66: {  	_ =	shalt  }
0x67: {  	_ =	shalt  }
0x68: {  	_ =	shalt  }
0x69: {  	_ =	shalt  }
0x6a: {  	_ =	shalt  }
0x6b: {  	_ =	shalt  }
0x6c: {  	_ =	shalt  }
0x6d: {  	_ =	shalt  }
0x6e: {  	_ =	shalt  }
0x6f: {  	_ =	shalt  }
0x70: {  	_ =	shalt  }
0x71: {  	_ =	shalt  }
0x72: {  	_ =	shalt  }
0x73: {  	_ =	shalt  }
0x74: {  	_ =	shalt  }
0x75: {  	_ =	shalt  }
0x76: {  	_ =	shalt  }
0x77: {  	_ =	shalt  }
0x78: {  	_ =	shalt  }
0x79: {  	_ =	shalt  }
0x7a: {  	_ =	shalt  }
0x7b: {  	_ =	shalt  }
0x7c: {  	_ =	shalt  }
0x7d: {  	_ =	shalt  }
0x7e: {  	_ =	shalt  }
0x7f: {  	_ =	shalt  }
0x80: {  	_ =	shalt  }
0x81: {  	_ =	shalt  }
0x82: {  	_ =	shalt  }
0x83: {  	_ =	shalt  }
0x84: {  	_ =	shalt  }
0x85: {  	_ =	shalt  }
0x86: {  	_ =	shalt  }
0x87: {  	_ =	shalt  }
.Lfunc_end0:
.L_simem_size_0:
called_computation_lowered:
.L_overlay_start_0:
0x88: {  	s2 =	sld [smem:$0x3FD9]  }
0x89: {  	s3 =	sld [smem:$0x3FFE];
	_ =	sdelay $0x1  }
0x8a: {  	s1 =	srdreg.scid  }
0x8b: {  	s0 =	sand.u32 $0x1, s1  }
0x8c: {  	s18 =	sshll.u32 s0, $0xA;
	s2 =	sadd.s32 s3, s2  }
0x8d: {  	s2 =	sadd.s32 s2, s18  }
0x8e: {  	[smem:$0x3FC5] =	sst s2  }
0x8f: {  	_ = 	snop  }
0x90: {  	s2 =	sld [smem:$0x3FC9]  }
0x91: {  	s19 =	sld [smem:$0x3FC8]  }
0x92: {  	s4 =	sld [smem:$0x3FC7]  }
0x93: {  	s5 =	sld [smem:$0x3FD0];
	(tm) =	ssettm $0x1  }
0x94: {  	s6 =	sld [smem:$0x3FFB];
	_ =	sdelay $0x3  }
0x95: {  	_ =	strace s6  }
0x96: {  	s6 =	sld [smem:$0x3FFC];
	_ =	sdelay $0x3  }
0x97: {  	_ =	strace s6  }
0x98: {  	s6 =	sld [smem:$0x3FFD];
	_ =	sdelay $0x3  }
0x99: {  	_ =	strace s6  }
0x9a: {  	_ =	strace $0x8FFFFFFF  }
0x9b: {  	s20 =	sld [smem:$0x3FDB];
	_ =	sdelay $0x1  }
0x9c: {  	s7 =	simm.s32 $_scs_section_size  }
0x9d: {  	s8 =	simm.s32 $_size__tile_overlayer_lowered;
	s9 =	simm.s32 $_tile_overlayer_lowered  }
0x9e: {  	s23 =	simm.s32 $0x1BFF;
	s22 =	sshll.u32 s9, $0x1;
	s6 =	sadd.s32 s7, s20  }
0x9f: {  	s10 =	simm.s32 $0x0;
	s21 =	sshll.u32 s8, $0x1;
	s8 =	sadd.s32 s22, s6  }
0xa0: {  	[timem:s10], [sflag:s23] =	dma.local [hbm:s8], s21  }
0xa1: {  	_ =	swait.ge [sflag:s23], s21  }
0xa2: {  	s7 =	ssub.s32 $0x0, s21;
	[sflag:s23] =	ssyncset.done $0x0  }
0xa3: {  	[sflag:s23] =	ssyncadd.s32 s7;
	_ =	sdelay $0x1  }
0xa4: {  	s24 =	simm.s32 $0x1B8B  }
0xa5: {  	_ =	swait.ge [sflag:s24], $0x1  }
0xa6: {  	[sflag:s24] =	ssyncset.done $0x0  }
0xa7: {  	s25 =	simm.s32 $0x1B8E;
	[sflag:s24] =	ssyncadd.s32 $0xFFFFFFFF  }
0xa8: {  	s26 =	simm.s32 $execute0_lowered;
	[smem:$0x3FD2] =	sst s25  }
0xa9: {  	s7 =	sshll.u32 s26, $0x1;
	_ =	strace $0x80000046;
	[dreg:$0x1] =	wrdreg $0xFFFFFFFF  }
0xaa: {  	s28 =	simm.s32 $_size_execute0_lowered;
	s6 =	sadd.s32 s6, s7;
	[dreg:$0x0] =	wrdreg $0x0  }
0xab: {  	s7 =	sshll.u32 s28, $0x1;
	[dreg:$0x2] =	wrdreg s6  }
0xac: {  	[dreg:$0x3] =	wrdreg s7  }
0xad: {  	[dreg:$0x4] =	wrdreg $0xC0  }
0xae: {  	_ =	task [dreg:s10], $0x5FFFF  }
0xaf: {  	[dreg:$0x1] =	wrdreg $0xFFFFFFFF  }
0xb0: {  	[dreg:$0x0] =	wrdreg $0x60  }
0xb1: {  	[dreg:$0x2] =	wrdreg s2  }
0xb2: {  	[dreg:$0x3] =	wrdreg s19  }
0xb3: {  	[dreg:$0x4] =	wrdreg s4  }
0xb4: {  	[dreg:$0x5] =	wrdreg s5  }
0xb5: {  	[dreg:$0x6] =	wrdreg $0x9  }
0xb6: {  	_ =	task.clear_ibuf [dreg:s10], $0x7FFFF;
	_ =	strace $0x90000046  }
0xb7: {  	s29 =	simm.s32 $0x9;
	_ =	strace $0x80000048  }
0xb8: {  	_ =	swait.ge [sflag:s29], $0x1  }
0xb9: {  	[sflag:s29] =	ssyncadd.s32 $0xFFFFFFFF  }
0xba: {  	_ =	strace $0x90000048  }
0xbb: {  	_ =	sfence  }
0xbc: {  	s30 =	sld [smem:$0x0];
	_ =	sdelay $0x2  }
0xbd: {  	s31 =	sshll.u32 s1, $0xD;
	s1 =	sshrl.u32 s1, $0x2  }
0xbe: {  	s3 =	sand.u32 $0x4000, s31;
	s1 =	sadd.s32 s1, s30  }
0xbf: {  	s0 =	sor.u32 s3, s0;
	s1 =	sshll.u32 s1, $0x11  }
0xc0: {  	s0 =	sor.u32 s1, s0  }
0xc1: {  	s0 =	sadd.s32 $0x8F2B, s0  }
0xc2: {  	[sflag:s0] =	ssyncadd.remote.s32 $0x1  }
0xc3: {  	_ =	sfence.sel $0xFFFF  }
0xc4: {  	[dreg:$0x0] =	wrdreg $0xFFFFFFFF;
	(pc) =	sbr.abs _section_cstart, $3  }
0xc5: {  	[dreg:$0x1] =	wrdreg $0xFFFFFFFF  }
0xc6: {  	_ =	task.clear_ibuf [dreg:s10], $0x2FFFF;
	_ =	strace $0x9FFFFFFF  }
0xc7: {  	(tm) =	ssettm $0x7FFFFFFF  }
tec
execute0_lowered:
.L_overlay_start_1:
0x0: {  	(tag) =	ssettag $0x1  }
0x1: {  	s0 =	rddreg [dreg:$0x0]  }
0x2: {  	s1 =	srdreg.scid;
	s5 =	rddreg [dreg:$0x2]  }
0x3: {  	s2 =	stileid.u32;
	s3 =	rddreg [dreg:$0x3]  }
0x4: {  	s4 =	simm.s32 $0x0;
	s31 =	simm.s32 $0x1;
	s29 =	simm.s32 $0x0  }
0x5: {  	s6 =	sand.u32 $0x1, s1;
	s1 =	rddreg [dreg:$0x1];
	s2 =	sshll.u32 s2, $0x7  }
0x6: {  	[smem:$0x7FF] =	sst s4;
	s13 =	sadd.s32 $0x10, s0;
	s7 =	sshll.u32 s6, $0x6  }
0x7: {  	s6 =	ssub.s32 $0x2, s6;
	s28 =	sadd.s32 $0x200, s1;
	s2 =	sor.u32 s7, s2  }
0x8: {  	s10 =	sshrl.u32 s6, $0x1;
	s17 =	sor.u32 $0x20, s7;
	s8 =	sshll.u32 s2, $0x2  }
0x9: {  	s6 =	ssub.s32 s6, s10;
	s9 =	sand.u32 $0x1E00, s8;
	s23 =	sor.u32 s7, s8  }
0xa: {  	s21 =	sor.u32 s17, s8;
	s11 =	sor.u32 s7, s9;
	s19 =	sor.u32 s17, s9  }
0xb: {  	s7 =	sor.u32 $0x30, s7;
	s22 =	sshrl.u32 s11, $0x3;
	s11 =	sshrl.u32 s23, $0x3  }
0xc: {  	s20 =	sshrl.u32 s19, $0x3;
	s19 =	simm.s32 $0x3;
	s12 =	sadd.s32 s0, s22  }
0xd: {  	s14 =	sor.u32 $0x20, s11;
	s10 =	sadd.s32 s22, s13;
	[dreg:$0x5] =	wrdreg s12  }
0xe: {  	s11 =	sor.u32 $0x30, s11;
	s22 =	sadd.s32 s0, s20;
	[dreg:$0x6] =	wrdreg s10  }
0xf: {  	s12 =	sor.u32 $0x10, s2;
	s24 =	sadd.s32 s0, s14;
	[dreg:$0xd] =	wrdreg s22  }
0x10: {  	s11 =	sadd.s32 s0, s11;
	s15 =	sand.u32 $0x50, s12;
	[dreg:$0x7] =	wrdreg s24  }
0x11: {  	[dreg:$0x8] =	wrdreg s11;
	s11 =	sshrl.u32 s21, $0x3;
	s25 =	sor.u32 s15, s9  }
0x12: {  	s26 =	sor.u32 s8, s15;
	s23 =	sor.u32 $0x20, s11;
	s9 =	sor.u32 s7, s9  }
0x13: {  	s24 =	sor.u32 $0x30, s11;
	s7 =	sor.u32 s7, s8;
	s10 =	sshrl.u32 s25, $0x3  }
0x14: {  	s15 =	sshrl.u32 s26, $0x3;
	s9 =	sshrl.u32 s9, $0x3;
	s7 =	sshrl.u32 s7, $0x3  }
0x15: {  	s25 =	sshrl.u32 s2, $0x3;
	s30 =	sadd.s32 s0, s10;
	s10 =	sadd.s32 s10, s13  }
0x16: {  	s16 =	sor.u32 $0x20, s15;
	s18 =	sor.u32 $0x30, s15;
	s17 =	sadd.s32 s0, s9  }
0x17: {  	s26 =	sor.u32 $0x20, s7;
	s8 =	smul.u32 $0x300, s25;
	[dreg:$0x9] =	wrdreg s30  }
0x18: {  	s7 =	sor.u32 $0x30, s7;
	s25 =	sadd.s32 $0xC00, s5;
	[dreg:$0xa] =	wrdreg s10  }
0x19: {  	s10 =	sadd.s32 s0, s16;
	s16 =	sadd.s32 s0, s24;
	s30 =	sshrl.u32 s12, $0x3  }
0x1a: {  	s21 =	sadd.s32 s0, s7;
	[dreg:$0xb] =	wrdreg s10;
	s10 =	sadd.s32 s0, s18  }
.Ltmp0:
0x1b: {  	[dreg:$0xc] =	wrdreg s10;
	s10 =	sadd.s32 s20, s13;
	(pc) =	sbr.rel .LBB2_1-.Ltmp0, $4  }
0x1c: {  	s24 =	smax.u32 s6, $0x1;
	[dreg:$0xe] =	wrdreg s10;
	s10 =	sadd.s32 s0, s23  }
0x1d: {  	v2 =	vlaneseq.u32;
	s18 =	sadd.s32 s9, s13;
	[dreg:$0xf] =	wrdreg s10;
	s10 =	smul.u32 $0x300, s30  }
0x1e: {  	vm0 =	vmmov $0xffff;
	v1 =	vshrl.u32 v2, $0x3;
	s22 =	sadd.s32 s5, s8;
	s20 =	sadd.s32 s0, s26;
	s26 =	sadd.s32 $0x100, s1  }
0x1f: {  	v0 =	vand.u32 $0x7, v2;
	v2 =	vor.u32 $0x8, v2;
	v1 =	vmul.u32 $0x8, v1;
	s0 =	simm.s32 $0x4;
	_ =	strace $0x80000047;
	s23 =	sadd.s32 s5, s10  }
.LBB2_10:
0x20: {  	s29 =	sadd.s32 $0x1, s29  }
0x21: {  	_ =	swait.ge [sflag:s0], $0x3000;
	p0 =	sne.s32 s29, s24  }
.Ltmp1:
0x22: {  	[sflag:s0] =	ssyncset.done $0x0;
	(pc) =	sbr.rel @!p0 .LBB2_11-.Ltmp1, $4  }
0x23: {  	[sflag:s0] =	ssyncadd.s32 $0xFFFFD000  }
0x24: {  	_ =	swait.ge [sflag:s0], $0x3000  }
0x25: {  	[sflag:s0] =	ssyncset.done $0x0  }
0x26: {  	[sflag:s0] =	ssyncadd.s32 $0xFFFFD000  }
.LBB2_1:
0x27: {  	s5 =	rddreg [dreg:$0x5]  }
0x28: {  	[tilespmem:s4], [sflag:$0x1] =	stream.linear.gather [hbm4b:s5+s4], $0x10, $0x38;
	[tilespmem:$0x1E400] =	vst v63  }
0x29: {  	s13 =	rddreg [dreg:$0x6];
	s6 =	simm.s32 $0x10  }
0x2a: {  	[tilespmem:s6], [sflag:$0x1] =	stream.linear.gather [hbm4b:s13+s4], $0x10, $0x38;
	[tilespmem:$0x1E400] =	vst v63  }
0x2b: {  	s14 =	rddreg [dreg:$0x7];
	s15 =	simm.s32 $0x80  }
0x2c: {  	[tilespmem:s15], [sflag:$0x1] =	stream.linear.gather [hbm4b:s14+s4], $0x10, $0x38;
	[tilespmem:$0x1E400] =	vst v63  }
0x2d: {  	s7 =	simm.s32 $0x90;
	s6 =	rddreg [dreg:$0x8]  }
0x2e: {  	[tilespmem:s7], [sflag:$0x1] =	stream.linear.gather [hbm4b:s6+s4], $0x10, $0x38;
	[tilespmem:$0x1E400] =	vst v63  }
0x2f: {  	s8 =	rddreg [dreg:$0x9];
	s9 =	simm.s32 $0x100  }
0x30: {  	[tilespmem:s9], [sflag:$0x1] =	stream.linear.gather [hbm4b:s8+s4], $0x10, $0x38;
	[tilespmem:$0x1E400] =	vst v63  }
0x31: {  	s10 =	rddreg [dreg:$0xa];
	s11 =	simm.s32 $0x110  }
0x32: {  	[tilespmem:s11], [sflag:$0x1] =	stream.linear.gather [hbm4b:s10+s4], $0x10, $0x38;
	[tilespmem:$0x1E400] =	vst v63  }
0x33: {  	s12 =	rddreg [dreg:$0xb];
	s13 =	simm.s32 $0x180  }
0x34: {  	[tilespmem:s13], [sflag:$0x1] =	stream.linear.gather [hbm4b:s12+s4], $0x10, $0x38;
	[tilespmem:$0x1E400] =	vst v63  }
0x35: {  	s14 =	rddreg [dreg:$0xc];
	s15 =	simm.s32 $0x190  }
0x36: {  	[tilespmem:s15], [sflag:$0x1] =	stream.linear.gather [hbm4b:s14+s4], $0x10, $0x38;
	[tilespmem:$0x1E400] =	vst v63  }
0x37: {  	s7 =	rddreg [dreg:$0xd];
	s8 =	simm.s32 $0x200  }
0x38: {  	[tilespmem:s8], [sflag:$0x1] =	stream.linear.gather [hbm4b:s7+s4], $0x10, $0x38;
	[tilespmem:$0x1E400] =	vst v63  }
0x39: {  	s9 =	rddreg [dreg:$0xe];
	s10 =	simm.s32 $0x210  }
0x3a: {  	[tilespmem:s10], [sflag:$0x1] =	stream.linear.gather [hbm4b:s9+s4], $0x10, $0x38;
	[tilespmem:$0x1E400] =	vst v63  }
0x3b: {  	s11 =	rddreg [dreg:$0xf];
	s12 =	simm.s32 $0x280  }
0x3c: {  	[tilespmem:s12], [sflag:$0x1] =	stream.linear.gather [hbm4b:s11+s4], $0x10, $0x38;
	[tilespmem:$0x1E400] =	vst v63  }
0x3d: {  	s13 =	simm.s32 $0x290  }
0x3e: {  	[tilespmem:s13], [sflag:$0x1] =	stream.linear.gather [hbm4b:s16+s4], $0x10, $0x38;
	[tilespmem:$0x1E400] =	vst v63  }
0x3f: {  	s14 =	simm.s32 $0x300  }
0x40: {  	[tilespmem:s14], [sflag:$0x1] =	stream.linear.gather [hbm4b:s17+s4], $0x10, $0x38;
	[tilespmem:$0x1E400] =	vst v63  }
0x41: {  	s15 =	simm.s32 $0x310  }
0x42: {  	[tilespmem:s15], [sflag:$0x1] =	stream.linear.gather [hbm4b:s18+s4], $0x10, $0x38;
	[tilespmem:$0x1E400] =	vst v63  }
0x43: {  	s6 =	simm.s32 $0x380  }
0x44: {  	[tilespmem:s6], [sflag:$0x1] =	stream.linear.gather [hbm4b:s20+s4], $0x10, $0x38;
	[tilespmem:$0x1E400] =	vst v63  }
0x45: {  	s7 =	simm.s32 $0x390  }
0x46: {  	[tilespmem:s7], [sflag:$0x1] =	stream.linear.gather [hbm4b:s21+s4], $0x10, $0x38;
	[tilespmem:$0x1E400] =	vst v63  }
0x47: {  	s8 =	simm.s32 $0x18400  }
0x48: {  	[tilespmem:s8], [sflag:$0x2] =	stream.linear.gather [hbm4b:s22+s4], $0x3000, $0x38;
	[tilespmem:$0x1E400] =	vst v63  }
0x49: {  	s9 =	simm.s32 $0x1B400  }
0x4a: {  	[tilespmem:s9], [sflag:$0x2] =	stream.linear.gather [hbm4b:s23+s4], $0x3000, $0x38;
	[tilespmem:$0x1E400] =	vst v63  }
0x4b: {  	_ =	swait.ge [sflag:s31], $0x10  }
0x4c: {  	[sflag:s31] =	ssyncset.done $0x0  }
0x4d: {  	[sflag:s31] =	ssyncadd.s32 $0xFFFFFFF0  }
0x4e: {  	_ =	swait.ge [sflag:s31], $0x10  }
0x4f: {  	[sflag:s31] =	ssyncset.done $0x0  }
0x50: {  	[sflag:s31] =	ssyncadd.s32 $0xFFFFFFF0  }
0x51: {  	v3 =	vld [tilespmem:$0x0];
	_ =	sdelay $0x4  }
0x52: {  	v4 =	vshrl.u32 v3, $0x3  }
0x53: {  	v4 =	vmul.u32 $0x30, v4  }
0x54: {  	v3 =	vand.u32 $0x7, v3  }
0x55: {  	v3 =	vor.u32 v3, v4  }
0x56: {  	v4 =	vperm.xlane v3, v0;
	_ =	sdelay $0x1  }
0x57: {  	v4 =	vadd.s32 v1, v4;
	_ =	sdelay $0x3  }
0x58: {  	s10 =	simm.s32 $0x400;
	v3 =	vperm.xlane v3, v2  }
0x59: {  	[tilespmem:s10], [sflag:$0x3] =	stream.indirect_vreg.gather [hbm4b:s1+s4], $0x80, v4, vm0, $0xb8;
	[tilespmem:$0x1E400] =	vst v63  }
0x5a: {  	s11 =	simm.s32 $0xC00;
	v3 =	vadd.s32 v1, v3  }
0x5b: {  	[tilespmem:s11], [sflag:$0x3] =	stream.indirect_vreg.gather [hbm4b:s26+s4], $0x80, v4, vm0, $0xb8;
	[tilespmem:$0x1E400] =	vst v63  }
0x5c: {  	s12 =	simm.s32 $0x1400  }
0x5d: {  	[tilespmem:s12], [sflag:$0x3] =	stream.indirect_vreg.gather [hbm4b:s28+s4], $0x80, v4, vm0, $0xb8;
	[tilespmem:$0x1E400] =	vst v63  }
0x5e: {  	s13 =	simm.s32 $0x1C00  }
0x5f: {  	[tilespmem:s13], [sflag:$0x3] =	stream.indirect_vreg.gather [hbm4b:s1+s4], $0x80, v3, vm0, $0xb8;
	[tilespmem:$0x1E400] =	vst v63  }
0x60: {  	s14 =	simm.s32 $0x2400  }
0x61: {  	[tilespmem:s14], [sflag:$0x3] =	stream.indirect_vreg.gather [hbm4b:s26+s4], $0x80, v3, vm0, $0xb8;
	[tilespmem:$0x1E400] =	vst v63  }
0x62: {  	s15 =	simm.s32 $0x2C00  }
0x63: {  	[tilespmem:s15], [sflag:$0x3] =	stream.indirect_vreg.gather [hbm4b:s28+s4], $0x80, v3, vm0, $0xb8;
	[tilespmem:$0x1E400] =	vst v63  }
0x64: {  	v3 =	vld [tilespmem:$0x10];
	_ =	sdelay $0x4  }
0x65: {  	v59 =	vshrl.u32 v3, $0x3  }
0x66: {  	v4 =	vmul.u32 $0x30, v59  }
0x67: {  	v3 =	vand.u32 $0x7, v3  }
0x68: {  	v3 =	vor.u32 v3, v4  }
0x69: {  	v4 =	vperm.xlane v3, v0;
	_ =	sdelay $0x1  }
0x6a: {  	v4 =	vadd.s32 v1, v4;
	_ =	sdelay $0x3  }
0x6b: {  	s6 =	simm.s32 $0x3400;
	v3 =	vperm.xlane v3, v2  }
0x6c: {  	[tilespmem:s6], [sflag:$0x3] =	stream.indirect_vreg.gather [hbm4b:s1+s4], $0x80, v4, vm0, $0xb8;
	[tilespmem:$0x1E400] =	vst v63  }
0x6d: {  	s7 =	simm.s32 $0x3C00;
	v3 =	vadd.s32 v1, v3  }
0x6e: {  	[tilespmem:s7], [sflag:$0x3] =	stream.indirect_vreg.gather [hbm4b:s26+s4], $0x80, v4, vm0, $0xb8;
	[tilespmem:$0x1E400] =	vst v63  }
0x6f: {  	s8 =	simm.s32 $0x4400  }
0x70: {  	[tilespmem:s8], [sflag:$0x3] =	stream.indirect_vreg.gather [hbm4b:s28+s4], $0x80, v4, vm0, $0xb8;
	[tilespmem:$0x1E400] =	vst v63  }
0x71: {  	s9 =	simm.s32 $0x4C00  }
0x72: {  	[tilespmem:s9], [sflag:$0x3] =	stream.indirect_vreg.gather [hbm4b:s1+s4], $0x80, v3, vm0, $0xb8;
	[tilespmem:$0x1E400] =	vst v63  }
0x73: {  	s10 =	simm.s32 $0x5400  }
0x74: {  	[tilespmem:s10], [sflag:$0x3] =	stream.indirect_vreg.gather [hbm4b:s26+s4], $0x80, v3, vm0, $0xb8;
	[tilespmem:$0x1E400] =	vst v63  }
0x75: {  	s11 =	simm.s32 $0x5C00  }
0x76: {  	[tilespmem:s11], [sflag:$0x3] =	stream.indirect_vreg.gather [hbm4b:s28+s4], $0x80, v3, vm0, $0xb8;
	[tilespmem:$0x1E400] =	vst v63  }
0x77: {  	_ =	swait.ge [sflag:s31], $0x10  }
0x78: {  	[sflag:s31] =	ssyncset.done $0x0  }
0x79: {  	[sflag:s31] =	ssyncadd.s32 $0xFFFFFFF0  }
0x7a: {  	_ =	swait.ge [sflag:s31], $0x10  }
0x7b: {  	[sflag:s31] =	ssyncset.done $0x0  }
0x7c: {  	[sflag:s31] =	ssyncadd.s32 $0xFFFFFFF0  }
0x7d: {  	v3 =	vld [tilespmem:$0x80];
	_ =	sdelay $0x4  }
0x7e: {  	v60 =	vshrl.u32 v3, $0x3  }
0x7f: {  	v4 =	vmul.u32 $0x30, v60  }
0x80: {  	v3 =	vand.u32 $0x7, v3  }
0x81: {  	v3 =	vor.u32 v3, v4  }
0x82: {  	v4 =	vperm.xlane v3, v0;
	_ =	sdelay $0x1  }
0x83: {  	v4 =	vadd.s32 v1, v4;
	_ =	sdelay $0x3  }
0x84: {  	s12 =	simm.s32 $0x6400;
	v3 =	vperm.xlane v3, v2  }
0x85: {  	[tilespmem:s12], [sflag:$0x3] =	stream.indirect_vreg.gather [hbm4b:s1+s4], $0x80, v4, vm0, $0xb8;
	[tilespmem:$0x1E400] =	vst v63  }
0x86: {  	s13 =	simm.s32 $0x6C00;
	v3 =	vadd.s32 v1, v3  }
0x87: {  	[tilespmem:s13], [sflag:$0x3] =	stream.indirect_vreg.gather [hbm4b:s26+s4], $0x80, v4, vm0, $0xb8;
	[tilespmem:$0x1E400] =	vst v63  }
0x88: {  	s14 =	simm.s32 $0x7400  }
0x89: {  	[tilespmem:s14], [sflag:$0x3] =	stream.indirect_vreg.gather [hbm4b:s28+s4], $0x80, v4, vm0, $0xb8;
	[tilespmem:$0x1E400] =	vst v63  }
0x8a: {  	s15 =	simm.s32 $0x7C00  }
0x8b: {  	[tilespmem:s15], [sflag:$0x3] =	stream.indirect_vreg.gather [hbm4b:s1+s4], $0x80, v3, vm0, $0xb8;
	[tilespmem:$0x1E400] =	vst v63  }
0x8c: {  	s6 =	simm.s32 $0x8400  }
0x8d: {  	[tilespmem:s6], [sflag:$0x3] =	stream.indirect_vreg.gather [hbm4b:s26+s4], $0x80, v3, vm0, $0xb8;
	[tilespmem:$0x1E400] =	vst v63  }
0x8e: {  	s7 =	simm.s32 $0x8C00  }
0x8f: {  	[tilespmem:s7], [sflag:$0x3] =	stream.indirect_vreg.gather [hbm4b:s28+s4], $0x80, v3, vm0, $0xb8;
	[tilespmem:$0x1E400] =	vst v63  }
0x90: {  	v3 =	vld [tilespmem:$0x90];
	_ =	sdelay $0x4  }
0x91: {  	v61 =	vshrl.u32 v3, $0x3  }
0x92: {  	v4 =	vmul.u32 $0x30, v61  }
0x93: {  	v3 =	vand.u32 $0x7, v3  }
0x94: {  	v3 =	vor.u32 v3, v4  }
0x95: {  	v4 =	vperm.xlane v3, v0;
	_ =	sdelay $0x1  }
0x96: {  	v4 =	vadd.s32 v1, v4;
	_ =	sdelay $0x3  }
0x97: {  	s8 =	simm.s32 $0x9400;
	v3 =	vperm.xlane v3, v2  }
0x98: {  	[tilespmem:s8], [sflag:$0x3] =	stream.indirect_vreg.gather [hbm4b:s1+s4], $0x80, v4, vm0, $0xb8;
	[tilespmem:$0x1E400] =	vst v63  }
0x99: {  	s9 =	simm.s32 $0x9C00;
	v3 =	vadd.s32 v1, v3  }
0x9a: {  	[tilespmem:s9], [sflag:$0x3] =	stream.indirect_vreg.gather [hbm4b:s26+s4], $0x80, v4, vm0, $0xb8;
	[tilespmem:$0x1E400] =	vst v63  }
0x9b: {  	s10 =	simm.s32 $0xA400  }
0x9c: {  	[tilespmem:s10], [sflag:$0x3] =	stream.indirect_vreg.gather [hbm4b:s28+s4], $0x80, v4, vm0, $0xb8;
	[tilespmem:$0x1E400] =	vst v63  }
0x9d: {  	s11 =	simm.s32 $0xAC00  }
0x9e: {  	[tilespmem:s11], [sflag:$0x3] =	stream.indirect_vreg.gather [hbm4b:s1+s4], $0x80, v3, vm0, $0xb8;
	[tilespmem:$0x1E400] =	vst v63  }
0x9f: {  	s12 =	simm.s32 $0xB400  }
0xa0: {  	[tilespmem:s12], [sflag:$0x3] =	stream.indirect_vreg.gather [hbm4b:s26+s4], $0x80, v3, vm0, $0xb8;
	[tilespmem:$0x1E400] =	vst v63  }
0xa1: {  	s13 =	simm.s32 $0xBC00  }
0xa2: {  	[tilespmem:s13], [sflag:$0x3] =	stream.indirect_vreg.gather [hbm4b:s28+s4], $0x80, v3, vm0, $0xb8;
	[tilespmem:$0x1E400] =	vst v63  }
0xa3: {  	_ =	swait.ge [sflag:s31], $0x10  }
0xa4: {  	[sflag:s31] =	ssyncset.done $0x0  }
0xa5: {  	[sflag:s31] =	ssyncadd.s32 $0xFFFFFFF0  }
0xa6: {  	_ =	swait.ge [sflag:s31], $0x10  }
0xa7: {  	[sflag:s31] =	ssyncset.done $0x0  }
0xa8: {  	[sflag:s31] =	ssyncadd.s32 $0xFFFFFFF0  }
0xa9: {  	v3 =	vld [tilespmem:$0x100];
	_ =	sdelay $0x4  }
0xaa: {  	v62 =	vshrl.u32 v3, $0x3  }
0xab: {  	v4 =	vmul.u32 $0x30, v62  }
0xac: {  	v3 =	vand.u32 $0x7, v3  }
0xad: {  	v3 =	vor.u32 v3, v4  }
0xae: {  	v4 =	vperm.xlane v3, v0;
	_ =	sdelay $0x1  }
0xaf: {  	v4 =	vadd.s32 v1, v4;
	_ =	sdelay $0x3  }
0xb0: {  	s14 =	simm.s32 $0xC400;
	v3 =	vperm.xlane v3, v2  }
0xb1: {  	[tilespmem:s14], [sflag:$0x3] =	stream.indirect_vreg.gather [hbm4b:s1+s4], $0x80, v4, vm0, $0xb8;
	[tilespmem:$0x1E400] =	vst v63  }
0xb2: {  	s15 =	simm.s32 $0xCC00;
	v3 =	vadd.s32 v1, v3  }
0xb3: {  	[tilespmem:s15], [sflag:$0x3] =	stream.indirect_vreg.gather [hbm4b:s26+s4], $0x80, v4, vm0, $0xb8;
	[tilespmem:$0x1E400] =	vst v63  }
0xb4: {  	s6 =	simm.s32 $0xD400  }
0xb5: {  	[tilespmem:s6], [sflag:$0x3] =	stream.indirect_vreg.gather [hbm4b:s28+s4], $0x80, v4, vm0, $0xb8;
	[tilespmem:$0x1E400] =	vst v63  }
0xb6: {  	s7 =	simm.s32 $0xDC00  }
0xb7: {  	[tilespmem:s7], [sflag:$0x3] =	stream.indirect_vreg.gather [hbm4b:s1+s4], $0x80, v3, vm0, $0xb8;
	[tilespmem:$0x1E400] =	vst v63  }
0xb8: {  	s8 =	simm.s32 $0xE400  }
0xb9: {  	[tilespmem:s8], [sflag:$0x3] =	stream.indirect_vreg.gather [hbm4b:s26+s4], $0x80, v3, vm0, $0xb8;
	[tilespmem:$0x1E400] =	vst v63  }
0xba: {  	s9 =	simm.s32 $0xEC00  }
0xbb: {  	[tilespmem:s9], [sflag:$0x3] =	stream.indirect_vreg.gather [hbm4b:s28+s4], $0x80, v3, vm0, $0xb8;
	[tilespmem:$0x1E400] =	vst v63  }
0xbc: {  	v3 =	vld [tilespmem:$0x110];
	_ =	sdelay $0x4  }
0xbd: {  	v63 =	vshrl.u32 v3, $0x3  }
0xbe: {  	v4 =	vmul.u32 $0x30, v63  }
0xbf: {  	v3 =	vand.u32 $0x7, v3  }
0xc0: {  	v3 =	vor.u32 v3, v4  }
0xc1: {  	v4 =	vperm.xlane v3, v0;
	_ =	sdelay $0x1  }
0xc2: {  	v4 =	vadd.s32 v1, v4;
	_ =	sdelay $0x3  }
0xc3: {  	s10 =	simm.s32 $0xF400;
	v3 =	vperm.xlane v3, v2  }
0xc4: {  	[tilespmem:s10], [sflag:$0x3] =	stream.indirect_vreg.gather [hbm4b:s1+s4], $0x80, v4, vm0, $0xb8;
	[tilespmem:$0x1E400] =	vst v63  }
0xc5: {  	s11 =	simm.s32 $0xFC00;
	v3 =	vadd.s32 v1, v3  }
0xc6: {  	[tilespmem:s11], [sflag:$0x3] =	stream.indirect_vreg.gather [hbm4b:s26+s4], $0x80, v4, vm0, $0xb8;
	[tilespmem:$0x1E400] =	vst v63  }
0xc7: {  	s12 =	simm.s32 $0x10400  }
0xc8: {  	[tilespmem:s12], [sflag:$0x3] =	stream.indirect_vreg.gather [hbm4b:s28+s4], $0x80, v4, vm0, $0xb8;
	[tilespmem:$0x1E400] =	vst v63  }
0xc9: {  	s13 =	simm.s32 $0x10C00  }
0xca: {  	[tilespmem:s13], [sflag:$0x3] =	stream.indirect_vreg.gather [hbm4b:s1+s4], $0x80, v3, vm0, $0xb8;
	[tilespmem:$0x1E400] =	vst v63  }
0xcb: {  	s14 =	simm.s32 $0x11400  }
0xcc: {  	[tilespmem:s14], [sflag:$0x3] =	stream.indirect_vreg.gather [hbm4b:s26+s4], $0x80, v3, vm0, $0xb8;
	[tilespmem:$0x1E400] =	vst v63  }
0xcd: {  	s15 =	simm.s32 $0x11C00  }
0xce: {  	[tilespmem:s15], [sflag:$0x3] =	stream.indirect_vreg.gather [hbm4b:s28+s4], $0x80, v3, vm0, $0xb8;
	[tilespmem:$0x1E400] =	vst v63  }
0xcf: {  	_ =	swait.ge [sflag:s31], $0x10  }
0xd0: {  	[sflag:s31] =	ssyncset.done $0x0  }
0xd1: {  	[sflag:s31] =	ssyncadd.s32 $0xFFFFFFF0  }
0xd2: {  	_ =	swait.ge [sflag:s31], $0x10  }
0xd3: {  	[sflag:s31] =	ssyncset.done $0x0  }
0xd4: {  	[sflag:s31] =	ssyncadd.s32 $0xFFFFFFF0  }
0xd5: {  	_ =	swait.ge [sflag:s31], $0x10  }
0xd6: {  	[sflag:s31] =	ssyncset.done $0x0  }
0xd7: {  	[sflag:s31] =	ssyncadd.s32 $0xFFFFFFF0  }
0xd8: {  	_ =	swait.ge [sflag:s31], $0x10  }
0xd9: {  	[sflag:s31] =	ssyncset.done $0x0  }
0xda: {  	[sflag:s31] =	ssyncadd.s32 $0xFFFFFFF0  }
0xdb: {  	_ =	swait.ge [sflag:s31], $0x10  }
0xdc: {  	[sflag:s31] =	ssyncset.done $0x0  }
0xdd: {  	[sflag:s31] =	ssyncadd.s32 $0xFFFFFFF0  }
0xde: {  	_ =	swait.ge [sflag:s31], $0x10  }
0xdf: {  	[sflag:s31] =	ssyncset.done $0x0  }
0xe0: {  	[sflag:s31] =	ssyncadd.s32 $0xFFFFFFF0  }
0xe1: {  	_ =	swait.ge [sflag:s31], $0x10  }
0xe2: {  	[sflag:s31] =	ssyncset.done $0x0  }
0xe3: {  	[sflag:s31] =	ssyncadd.s32 $0xFFFFFFF0  }
0xe4: {  	_ =	swait.ge [sflag:s31], $0x10  }
0xe5: {  	[sflag:s31] =	ssyncset.done $0x0  }
0xe6: {  	[sflag:s31] =	ssyncadd.s32 $0xFFFFFFF0  }
0xe7: {  	_ =	swait.ge [sflag:s31], $0x10  }
.Ltmp2:
0xe8: {  	[sflag:s31] =	ssyncset.done $0x0;
	(pc) =	sbr.rel .LBB2_2-.Ltmp2, $4  }
0xe9: {  	[sflag:s31] =	ssyncadd.s32 $0xFFFFFFF0  }
0xea: {  	_ =	swait.ge [sflag:s31], $0x10  }
0xeb: {  	[sflag:s31] =	ssyncset.done $0x0  }
0xec: {  	s30 =	simm.s32 $0x0;
	[sflag:s31] =	ssyncadd.s32 $0xFFFFFFF0  }
.LBB2_8:
0xed: {  	s5 =	sadd.s32 $0x3, s30  }
0xee: {  	s6 =	sshll.u32 s5, $0x7  }
0xef: {  	s6 =	sand.u32 $0x3FFFFF80, s6  }
0xf0: {  	v3 =	vld [tilespmem:s6+$0x0];
	_ =	sdelay $0x4  }
0xf1: {  	v4 =	vshrl.u32 v3, $0x3  }
0xf2: {  	v4 =	vmul.u32 $0x30, v4  }
0xf3: {  	v3 =	vand.u32 $0x7, v3  }
0xf4: {  	v3 =	vor.u32 v3, v4  }
0xf5: {  	v4 =	vperm.xlane v3, v0;
	_ =	sdelay $0x1  }
0xf6: {  	s5 =	sand.u32 $0x3, s5;
	v4 =	vadd.s32 v1, v4  }
0xf7: {  	s5 =	smul.u32 $0x18000, s5;
	_ =	sdelay $0x1  }
0xf8: {  	s5 =	sshrl.u32 s5, $0x2  }
0xf9: {  	s7 =	sor.u32 $0x400, s5;
	v3 =	vperm.xlane v3, v2  }
0xfa: {  	[tilespmem:s7], [sflag:$0x3] =	stream.indirect_vreg.gather [hbm4b:s1+s4], $0x80, v4, vm0, $0xb8;
	[tilespmem:$0x1E400] =	vst v63  }
0xfb: {  	s14 =	sor.u32 $0xC00, s5;
	v3 =	vadd.s32 v1, v3  }
0xfc: {  	[tilespmem:s14], [sflag:$0x3] =	stream.indirect_vreg.gather [hbm4b:s26+s4], $0x80, v4, vm0, $0xb8;
	[tilespmem:$0x1E400] =	vst v63  }
0xfd: {  	s15 =	sor.u32 $0x1400, s5  }
0xfe: {  	[tilespmem:s15], [sflag:$0x3] =	stream.indirect_vreg.gather [hbm4b:s28+s4], $0x80, v4, vm0, $0xb8;
	[tilespmem:$0x1E400] =	vst v63  }
0xff: {  	s8 =	sor.u32 $0x1C00, s5  }
0x100: {  	[tilespmem:s8], [sflag:$0x3] =	stream.indirect_vreg.gather [hbm4b:s1+s4], $0x80, v3, vm0, $0xb8;
	[tilespmem:$0x1E400] =	vst v63  }
0x101: {  	s9 =	sadd.s32 $0x2400, s5  }
0x102: {  	[tilespmem:s9], [sflag:$0x3] =	stream.indirect_vreg.gather [hbm4b:s26+s4], $0x80, v3, vm0, $0xb8;
	[tilespmem:$0x1E400] =	vst v63  }
0x103: {  	s10 =	sadd.s32 $0x2C00, s5  }
0x104: {  	[tilespmem:s10], [sflag:$0x3] =	stream.indirect_vreg.gather [hbm4b:s28+s4], $0x80, v3, vm0, $0xb8;
	[tilespmem:$0x1E400] =	vst v63  }
0x105: {  	v3 =	vld [tilespmem:s6+$0x10];
	_ =	sdelay $0x4  }
0x106: {  	v63 =	vshrl.u32 v3, $0x3  }
0x107: {  	v4 =	vmul.u32 $0x30, v63  }
0x108: {  	v3 =	vand.u32 $0x7, v3  }
0x109: {  	v3 =	vor.u32 v3, v4  }
0x10a: {  	v4 =	vperm.xlane v3, v0;
	_ =	sdelay $0x1  }
0x10b: {  	v4 =	vadd.s32 v1, v4;
	_ =	sdelay $0x3  }
0x10c: {  	s11 =	sadd.s32 $0x3400, s5;
	v3 =	vperm.xlane v3, v2  }
0x10d: {  	[tilespmem:s11], [sflag:$0x3] =	stream.indirect_vreg.gather [hbm4b:s1+s4], $0x80, v4, vm0, $0xb8;
	[tilespmem:$0x1E400] =	vst v63  }
0x10e: {  	s12 =	sadd.s32 $0x3C00, s5;
	v3 =	vadd.s32 v1, v3  }
0x10f: {  	[tilespmem:s12], [sflag:$0x3] =	stream.indirect_vreg.gather [hbm4b:s26+s4], $0x80, v4, vm0, $0xb8;
	[tilespmem:$0x1E400] =	vst v63  }
0x110: {  	s13 =	sadd.s32 $0x4400, s5  }
0x111: {  	[tilespmem:s13], [sflag:$0x3] =	stream.indirect_vreg.gather [hbm4b:s28+s4], $0x80, v4, vm0, $0xb8;
	[tilespmem:$0x1E400] =	vst v63  }
0x112: {  	s14 =	sadd.s32 $0x4C00, s5  }
0x113: {  	[tilespmem:s14], [sflag:$0x3] =	stream.indirect_vreg.gather [hbm4b:s1+s4], $0x80, v3, vm0, $0xb8;
	[tilespmem:$0x1E400] =	vst v63  }
0x114: {  	s15 =	sadd.s32 $0x5400, s5  }
0x115: {  	[tilespmem:s15], [sflag:$0x3] =	stream.indirect_vreg.gather [hbm4b:s26+s4], $0x80, v3, vm0, $0xb8;
	[tilespmem:$0x1E400] =	vst v63  }
0x116: {  	s5 =	sadd.s32 $0x5C00, s5  }
0x117: {  	[tilespmem:s5], [sflag:$0x3] =	stream.indirect_vreg.gather [hbm4b:s28+s4], $0x80, v3, vm0, $0xb8;
	[tilespmem:$0x1E400] =	vst v63  }
.LBB2_9:
0x118: {  	s30 =	sadd.s32 $0x1, s30  }
0x119: {  	p0 =	sne.s32 s30, $0x8  }
.Ltmp3:
0x11a: {  	_ = 	snop;
	(pc) =	sbr.rel @!p0 .LBB2_10-.Ltmp3, $1  }
0x11b: {  	_ =	sdelay $0x3  }
.LBB2_2:
0x11c: {  	s6 =	sand.u32 $0x1, s30  }
0x11d: {  	p0 =	seq.s32 s6, $0x1  }
0x11e: {  	s8 =	sand.u32 $0x3, s30;
	s5 =	simm.s32 @!p0 $0x2  }
0x11f: {  	s8 =	smul.u32 $0x18000, s8;
	_ =	swait.ge @!p0 [sflag:s5], $0x3000  }
0x120: {  	s7 =	sshrl.u32 s30, $0x1;
	s10 =	simm.s32 $0x0;
	[sflag:s5] =	ssyncset.done @!p0 $0x0  }
0x121: {  	s11 =	simm.s32 $0x0;
	s8 =	sshrl.u32 s8, $0x2;
	[sflag:s5] =	ssyncadd.s32 @!p0 $0xFFFFD000  }
0x122: {  	s15 =	sand.u32 $0x1, s7;
	s9 =	sor.u32 $0x400, s8;
	_ =	swait.ge [sflag:s19], $0x6000  }
0x123: {  	p0 =	seq.s32 s15, $0x1;
	s5 =	simm.s32 $0x1B400;
	[sflag:s19] =	ssyncset.done $0x0  }
0x124: {  	s8 =	sadd.s32 $0x3400, s8;
	s5 =	simm.s32 @!p0 $0x18400;
	[sflag:s19] =	ssyncadd.s32 $0xFFFFA000  }
.LBB2_3:
0x125: {  	s12 =	sshrl.u32 s11, $0x3  }
0x126: {  	s15 =	smul.u32 $0x1800, s12;
	_ =	sdelay $0x1  }
0x127: {  	s13 =	sand.u32 $0x380, s10;
	s12 =	sadd.s32 s15, s5  }
0x128: {  	s14 =	sadd.s32 s13, s12  }
0x129: {  	v14 =	vld [tilespmem:s14+$0x0]  }
0x12a: {  	v15 =	vld [tilespmem:s14+$0x10]  }
0x12b: {  	v16 =	vld [tilespmem:s14+$0x20]  }
0x12c: {  	v17 =	vld [tilespmem:s14+$0x30]  }
0x12d: {  	v18 =	vld [tilespmem:s14+$0x40]  }
0x12e: {  	v19 =	vld [tilespmem:s14+$0x50]  }
0x12f: {  	v20 =	vld [tilespmem:s14+$0x60]  }
0x130: {  	v21 =	vld [tilespmem:s14+$0x70]  }
0x131: {  	v22 =	vld [tilespmem:s14+$0x400]  }
0x132: {  	v23 =	vld [tilespmem:s14+$0x410]  }
0x133: {  	v24 =	vld [tilespmem:s14+$0x420]  }
0x134: {  	v25 =	vld [tilespmem:s14+$0x430]  }
0x135: {  	v26 =	vld [tilespmem:s14+$0x440]  }
0x136: {  	v13 =	vld [tilespmem:s14+$0x450]  }
0x137: {  	v12 =	vld [tilespmem:s14+$0x460]  }
0x138: {  	v11 =	vld [tilespmem:s14+$0x470]  }
0x139: {  	v10 =	vld [tilespmem:s14+$0x800]  }
0x13a: {  	v9 =	vld [tilespmem:s14+$0x810]  }
0x13b: {  	v8 =	vld [tilespmem:s14+$0x820]  }
0x13c: {  	v7 =	vld [tilespmem:s14+$0x830]  }
0x13d: {  	v6 =	vld [tilespmem:s14+$0x840]  }
0x13e: {  	v5 =	vld [tilespmem:s14+$0x850]  }
0x13f: {  	s12 =	sadd.s32 s15, s9;
	v3 =	vld [tilespmem:s14+$0x860]  }
0x140: {  	v4 =	vld [tilespmem:s14+$0x870];
	s12 =	sadd.s32 s13, s12  }
0x141: {  	v27 =	vld [tilespmem:s12+$0x0]  }
0x142: {  	v28 =	vld [tilespmem:s12+$0x10]  }
0x143: {  	v29 =	vld [tilespmem:s12+$0x20]  }
0x144: {  	v30 =	vld [tilespmem:s12+$0x30]  }
0x145: {  	v31 =	vld [tilespmem:s12+$0x40]  }
0x146: {  	v32 =	vld [tilespmem:s12+$0x50];
	v27 =	vadd.f32 v27, v14  }
0x147: {  	v33 =	vld [tilespmem:s12+$0x60];
	v28 =	vadd.f32 v28, v15  }
0x148: {  	v37 =	vld [tilespmem:s12+$0x70];
	v36 =	vadd.f32 v29, v16;
	[tilespmem:s12+$0x0] =	vst v27  }
0x149: {  	v39 =	vld [tilespmem:s12+$0x400];
	v38 =	vadd.f32 v30, v17;
	[tilespmem:s12+$0x10] =	vst v28  }
0x14a: {  	v41 =	vld [tilespmem:s12+$0x410];
	v40 =	vadd.f32 v31, v18;
	[tilespmem:s12+$0x20] =	vst v36  }
0x14b: {  	v43 =	vld [tilespmem:s12+$0x420];
	v42 =	vadd.f32 v32, v19;
	[tilespmem:s12+$0x30] =	vst v38  }
0x14c: {  	v45 =	vld [tilespmem:s12+$0x430];
	v44 =	vadd.f32 v33, v20;
	[tilespmem:s12+$0x40] =	vst v40  }
0x14d: {  	v47 =	vld [tilespmem:s12+$0x440];
	v46 =	vadd.f32 v37, v21;
	[tilespmem:s12+$0x50] =	vst v42  }
0x14e: {  	v49 =	vld [tilespmem:s12+$0x450];
	v48 =	vadd.f32 v39, v22;
	[tilespmem:s12+$0x60] =	vst v44  }
0x14f: {  	v51 =	vld [tilespmem:s12+$0x460];
	v50 =	vadd.f32 v41, v23;
	[tilespmem:s12+$0x70] =	vst v46  }
0x150: {  	v53 =	vld [tilespmem:s12+$0x470];
	v52 =	vadd.f32 v43, v24;
	[tilespmem:s12+$0x400] =	vst v48  }
0x151: {  	v63 =	vld [tilespmem:s12+$0x840];
	v54 =	vadd.f32 v45, v25;
	[tilespmem:s12+$0x410] =	vst v50  }
0x152: {  	v55 =	vld [tilespmem:s12+$0x800];
	v56 =	vadd.f32 v47, v26;
	[tilespmem:s12+$0x420] =	vst v52  }
0x153: {  	v57 =	vld [tilespmem:s12+$0x810];
	v58 =	vadd.f32 v49, v13;
	[tilespmem:s12+$0x430] =	vst v54  }
0x154: {  	v59 =	vld [tilespmem:s12+$0x820];
	v60 =	vadd.f32 v51, v12;
	[tilespmem:s12+$0x440] =	vst v56  }
0x155: {  	v61 =	vld [tilespmem:s12+$0x830];
	v62 =	vadd.f32 v53, v11;
	[tilespmem:s12+$0x450] =	vst v58  }
0x156: {  	v37 =	vld [tilespmem:s12+$0x850];
	v43 =	vadd.f32 v63, v6;
	[tilespmem:s12+$0x460] =	vst v60  }
0x157: {  	v39 =	vld [tilespmem:s12+$0x860];
	v36 =	vadd.f32 v55, v10;
	[tilespmem:s12+$0x470] =	vst v62  }
0x158: {  	v41 =	vld [tilespmem:s12+$0x870];
	v38 =	vadd.f32 v57, v9;
	[tilespmem:s12+$0x840] =	vst v43  }
0x159: {  	v40 =	vadd.f32 v59, v8;
	[tilespmem:s12+$0x800] =	vst v36  }
0x15a: {  	v42 =	vadd.f32 v61, v7;
	[tilespmem:s12+$0x810] =	vst v38  }
0x15b: {  	[tilespmem:s12+$0x820] =	vst v40;
	v44 =	vadd.f32 v37, v5  }
0x15c: {  	[tilespmem:s12+$0x830] =	vst v42;
	v45 =	vadd.f32 v39, v3  }
0x15d: {  	v46 =	vadd.f32 v41, v4;
	[tilespmem:s12+$0x850] =	vst v44  }
0x15e: {  	s15 =	sadd.s32 s15, s8;
	[tilespmem:s12+$0x860] =	vst v45  }
0x15f: {  	s13 =	sadd.s32 s13, s15;
	[tilespmem:s12+$0x870] =	vst v46  }
0x160: {  	v27 =	vld [tilespmem:s13+$0x0]  }
0x161: {  	v28 =	vld [tilespmem:s13+$0x10]  }
0x162: {  	v47 =	vld [tilespmem:s13+$0x20]  }
0x163: {  	v48 =	vld [tilespmem:s13+$0x30]  }
0x164: {  	v49 =	vld [tilespmem:s13+$0x40]  }
0x165: {  	v50 =	vld [tilespmem:s13+$0x50];
	v14 =	vadd.f32 v27, v14  }
0x166: {  	v51 =	vld [tilespmem:s13+$0x60];
	v15 =	vadd.f32 v28, v15  }
0x167: {  	v53 =	vld [tilespmem:s13+$0x70];
	v52 =	vadd.f32 v47, v16;
	[tilespmem:s13+$0x0] =	vst v14  }
0x168: {  	v55 =	vld [tilespmem:s13+$0x400];
	v54 =	vadd.f32 v48, v17;
	[tilespmem:s13+$0x10] =	vst v15  }
0x169: {  	v57 =	vld [tilespmem:s13+$0x410];
	v56 =	vadd.f32 v49, v18;
	[tilespmem:s13+$0x20] =	vst v52  }
0x16a: {  	v59 =	vld [tilespmem:s13+$0x420];
	v58 =	vadd.f32 v50, v19;
	[tilespmem:s13+$0x30] =	vst v54  }
0x16b: {  	v61 =	vld [tilespmem:s13+$0x430];
	v60 =	vadd.f32 v51, v20;
	[tilespmem:s13+$0x40] =	vst v56  }
0x16c: {  	v63 =	vld [tilespmem:s13+$0x440];
	v62 =	vadd.f32 v53, v21;
	[tilespmem:s13+$0x50] =	vst v58  }
0x16d: {  	v30 =	vld [tilespmem:s13+$0x460];
	v27 =	vadd.f32 v55, v22;
	[tilespmem:s13+$0x60] =	vst v60  }
0x16e: {  	v32 =	vld [tilespmem:s13+$0x470];
	v29 =	vadd.f32 v57, v23;
	[tilespmem:s13+$0x70] =	vst v62  }
0x16f: {  	v34 =	vld [tilespmem:s13+$0x800];
	v31 =	vadd.f32 v59, v24;
	[tilespmem:s13+$0x400] =	vst v27  }
0x170: {  	v36 =	vld [tilespmem:s13+$0x810];
	v33 =	vadd.f32 v61, v25;
	[tilespmem:s13+$0x410] =	vst v29  }
0x171: {  	v37 =	vld [tilespmem:s13+$0x820];
	v35 =	vadd.f32 v63, v26;
	[tilespmem:s13+$0x420] =	vst v31  }
0x172: {  	v38 =	vld [tilespmem:s13+$0x830];
	v12 =	vadd.f32 v30, v12;
	[tilespmem:s13+$0x430] =	vst v33  }
0x173: {  	v39 =	vld [tilespmem:s13+$0x840];
	v11 =	vadd.f32 v32, v11;
	[tilespmem:s13+$0x440] =	vst v35  }
0x174: {  	v40 =	vld [tilespmem:s13+$0x850];
	v10 =	vadd.f32 v34, v10;
	[tilespmem:s13+$0x460] =	vst v12  }
0x175: {  	v41 =	vld [tilespmem:s13+$0x860];
	v9 =	vadd.f32 v36, v9;
	[tilespmem:s13+$0x470] =	vst v11  }
0x176: {  	v42 =	vld [tilespmem:s13+$0x870];
	v8 =	vadd.f32 v37, v8;
	[tilespmem:s13+$0x800] =	vst v10  }
0x177: {  	v28 =	vld [tilespmem:s13+$0x450];
	v7 =	vadd.f32 v38, v7;
	[tilespmem:s13+$0x810] =	vst v9  }
0x178: {  	v6 =	vadd.f32 v39, v6;
	[tilespmem:s13+$0x820] =	vst v8  }
0x179: {  	v5 =	vadd.f32 v40, v5;
	[tilespmem:s13+$0x830] =	vst v7  }
0x17a: {  	v3 =	vadd.f32 v41, v3;
	[tilespmem:s13+$0x840] =	vst v6  }
0x17b: {  	v4 =	vadd.f32 v42, v4;
	[tilespmem:s13+$0x850] =	vst v5  }
0x17c: {  	[tilespmem:s13+$0x860] =	vst v3;
	v13 =	vadd.f32 v28, v13  }
0x17d: {  	[tilespmem:s13+$0x870] =	vst v4  }
0x17e: {  	[tilespmem:s13+$0x450] =	vst v13  }
0x17f: {  	v12 =	vld [tilespmem:s14+$0xC00]  }
0x180: {  	v13 =	vld [tilespmem:s14+$0xC10]  }
0x181: {  	v14 =	vld [tilespmem:s14+$0xC20]  }
0x182: {  	v15 =	vld [tilespmem:s14+$0xC30]  }
0x183: {  	v16 =	vld [tilespmem:s14+$0xC40]  }
0x184: {  	v17 =	vld [tilespmem:s14+$0xC50]  }
0x185: {  	v18 =	vld [tilespmem:s14+$0xC60]  }
0x186: {  	v19 =	vld [tilespmem:s14+$0xC70]  }
0x187: {  	v20 =	vld [tilespmem:s14+$0x1000]  }
0x188: {  	v21 =	vld [tilespmem:s14+$0x1010]  }
0x189: {  	v22 =	vld [tilespmem:s14+$0x1020]  }
0x18a: {  	v23 =	vld [tilespmem:s14+$0x1030]  }
0x18b: {  	v24 =	vld [tilespmem:s14+$0x1040]  }
0x18c: {  	v25 =	vld [tilespmem:s14+$0x1050]  }
0x18d: {  	v26 =	vld [tilespmem:s14+$0x1060]  }
0x18e: {  	v11 =	vld [tilespmem:s14+$0x1070]  }
0x18f: {  	v10 =	vld [tilespmem:s14+$0x1400]  }
0x190: {  	v9 =	vld [tilespmem:s14+$0x1410]  }
0x191: {  	v8 =	vld [tilespmem:s14+$0x1420]  }
0x192: {  	v7 =	vld [tilespmem:s14+$0x1430]  }
0x193: {  	v6 =	vld [tilespmem:s14+$0x1440]  }
0x194: {  	v5 =	vld [tilespmem:s14+$0x1450]  }
0x195: {  	v4 =	vld [tilespmem:s14+$0x1460]  }
0x196: {  	v3 =	vld [tilespmem:s14+$0x1470]  }
0x197: {  	v43 =	vld [tilespmem:s12+$0xC00]  }
0x198: {  	v44 =	vld [tilespmem:s12+$0xC10]  }
0x199: {  	v45 =	vld [tilespmem:s12+$0xC20]  }
0x19a: {  	v46 =	vld [tilespmem:s12+$0xC30]  }
0x19b: {  	v47 =	vld [tilespmem:s12+$0xC40]  }
0x19c: {  	v48 =	vld [tilespmem:s12+$0xC50];
	v27 =	vadd.f32 v43, v12  }
0x19d: {  	v49 =	vld [tilespmem:s12+$0xC60];
	v28 =	vadd.f32 v44, v13  }
0x19e: {  	v51 =	vld [tilespmem:s12+$0xC70];
	v50 =	vadd.f32 v45, v14;
	[tilespmem:s12+$0xC00] =	vst v27  }
0x19f: {  	v53 =	vld [tilespmem:s12+$0x1000];
	v52 =	vadd.f32 v46, v15;
	[tilespmem:s12+$0xC10] =	vst v28  }
0x1a0: {  	v55 =	vld [tilespmem:s12+$0x1010];
	v54 =	vadd.f32 v47, v16;
	[tilespmem:s12+$0xC20] =	vst v50  }
0x1a1: {  	v57 =	vld [tilespmem:s12+$0x1020];
	v56 =	vadd.f32 v48, v17;
	[tilespmem:s12+$0xC30] =	vst v52  }
0x1a2: {  	v59 =	vld [tilespmem:s12+$0x1030];
	v58 =	vadd.f32 v49, v18;
	[tilespmem:s12+$0xC40] =	vst v54  }
0x1a3: {  	v61 =	vld [tilespmem:s12+$0x1040];
	v60 =	vadd.f32 v51, v19;
	[tilespmem:s12+$0xC50] =	vst v56  }
0x1a4: {  	v63 =	vld [tilespmem:s12+$0x1050];
	v62 =	vadd.f32 v53, v20;
	[tilespmem:s12+$0xC60] =	vst v58  }
0x1a5: {  	v37 =	vld [tilespmem:s12+$0x1060];
	v36 =	vadd.f32 v55, v21;
	[tilespmem:s12+$0xC70] =	vst v60  }
0x1a6: {  	v39 =	vld [tilespmem:s12+$0x1070];
	v38 =	vadd.f32 v57, v22;
	[tilespmem:s12+$0x1000] =	vst v62  }
0x1a7: {  	v41 =	vld [tilespmem:s12+$0x1400];
	v40 =	vadd.f32 v59, v23;
	[tilespmem:s12+$0x1010] =	vst v36  }
0x1a8: {  	v42 =	vadd.f32 v61, v24;
	v43 =	vld [tilespmem:s12+$0x1410];
	[tilespmem:s12+$0x1020] =	vst v38  }
0x1a9: {  	v44 =	vadd.f32 v63, v25;
	v45 =	vld [tilespmem:s12+$0x1420];
	[tilespmem:s12+$0x1030] =	vst v40  }
0x1aa: {  	v46 =	vadd.f32 v37, v26;
	v47 =	vld [tilespmem:s12+$0x1430];
	[tilespmem:s12+$0x1040] =	vst v42  }
0x1ab: {  	v48 =	vadd.f32 v39, v11;
	v49 =	vld [tilespmem:s12+$0x1440];
	[tilespmem:s12+$0x1050] =	vst v44  }
0x1ac: {  	v51 =	vld [tilespmem:s12+$0x1450];
	[tilespmem:s12+$0x1060] =	vst v46;
	v50 =	vadd.f32 v41, v10  }
0x1ad: {  	v53 =	vld [tilespmem:s12+$0x1460];
	[tilespmem:s12+$0x1070] =	vst v48;
	v52 =	vadd.f32 v43, v9  }
0x1ae: {  	v55 =	vld [tilespmem:s12+$0x1470];
	[tilespmem:s12+$0x1400] =	vst v50;
	v54 =	vadd.f32 v45, v8  }
0x1af: {  	v56 =	vadd.f32 v47, v7;
	[tilespmem:s12+$0x1410] =	vst v52  }
0x1b0: {  	v57 =	vadd.f32 v49, v6;
	[tilespmem:s12+$0x1420] =	vst v54  }
0x1b1: {  	v58 =	vadd.f32 v51, v5;
	[tilespmem:s12+$0x1430] =	vst v56  }
0x1b2: {  	v59 =	vadd.f32 v53, v4;
	[tilespmem:s12+$0x1440] =	vst v57  }
0x1b3: {  	v60 =	vadd.f32 v55, v3;
	[tilespmem:s12+$0x1450] =	vst v58  }
0x1b4: {  	[tilespmem:s12+$0x1460] =	vst v59  }
0x1b5: {  	[tilespmem:s12+$0x1470] =	vst v60  }
0x1b6: {  	v27 =	vld [tilespmem:s13+$0xC00]  }
0x1b7: {  	v28 =	vld [tilespmem:s13+$0xC10]  }
0x1b8: {  	v61 =	vld [tilespmem:s13+$0xC20]  }
0x1b9: {  	v62 =	vld [tilespmem:s13+$0xC30]  }
0x1ba: {  	v63 =	vld [tilespmem:s13+$0xC40]  }
0x1bb: {  	v32 =	vld [tilespmem:s13+$0xC50];
	v12 =	vadd.f32 v27, v12  }
0x1bc: {  	v33 =	vld [tilespmem:s13+$0xC60];
	v13 =	vadd.f32 v28, v13  }
0x1bd: {  	v35 =	vld [tilespmem:s13+$0xC70];
	v34 =	vadd.f32 v61, v14;
	[tilespmem:s13+$0xC00] =	vst v12  }
0x1be: {  	v37 =	vld [tilespmem:s13+$0x1000];
	v36 =	vadd.f32 v62, v15;
	[tilespmem:s13+$0xC10] =	vst v13  }
0x1bf: {  	v39 =	vld [tilespmem:s13+$0x1010];
	v38 =	vadd.f32 v63, v16;
	[tilespmem:s13+$0xC20] =	vst v34  }
0x1c0: {  	v41 =	vld [tilespmem:s13+$0x1020];
	v40 =	vadd.f32 v32, v17;
	[tilespmem:s13+$0xC30] =	vst v36  }
0x1c1: {  	v43 =	vld [tilespmem:s13+$0x1030];
	v42 =	vadd.f32 v33, v18;
	[tilespmem:s13+$0xC40] =	vst v38  }
0x1c2: {  	v45 =	vld [tilespmem:s13+$0x1040];
	v44 =	vadd.f32 v35, v19;
	[tilespmem:s13+$0xC50] =	vst v40  }
0x1c3: {  	v47 =	vld [tilespmem:s13+$0x1050];
	v46 =	vadd.f32 v37, v20;
	[tilespmem:s13+$0xC60] =	vst v42  }
0x1c4: {  	v49 =	vld [tilespmem:s13+$0x1060];
	v48 =	vadd.f32 v39, v21;
	[tilespmem:s13+$0xC70] =	vst v44  }
0x1c5: {  	v51 =	vld [tilespmem:s13+$0x1070];
	v50 =	vadd.f32 v41, v22;
	[tilespmem:s13+$0x1000] =	vst v46  }
0x1c6: {  	v53 =	vld [tilespmem:s13+$0x1400];
	v52 =	vadd.f32 v43, v23;
	[tilespmem:s13+$0x1010] =	vst v48  }
0x1c7: {  	v55 =	vld [tilespmem:s13+$0x1410];
	v54 =	vadd.f32 v45, v24;
	[tilespmem:s13+$0x1020] =	vst v50  }
0x1c8: {  	v57 =	vld [tilespmem:s13+$0x1420];
	v56 =	vadd.f32 v47, v25;
	[tilespmem:s13+$0x1030] =	vst v52  }
0x1c9: {  	v59 =	vld [tilespmem:s13+$0x1430];
	v58 =	vadd.f32 v49, v26;
	[tilespmem:s13+$0x1040] =	vst v54  }
0x1ca: {  	v60 =	vld [tilespmem:s13+$0x1440];
	v11 =	vadd.f32 v51, v11;
	[tilespmem:s13+$0x1050] =	vst v56  }
0x1cb: {  	v10 =	vadd.f32 v53, v10;
	v61 =	vld [tilespmem:s13+$0x1450];
	[tilespmem:s13+$0x1060] =	vst v58  }
0x1cc: {  	v9 =	vadd.f32 v55, v9;
	v62 =	vld [tilespmem:s13+$0x1460];
	[tilespmem:s13+$0x1070] =	vst v11  }
0x1cd: {  	v8 =	vadd.f32 v57, v8;
	v63 =	vld [tilespmem:s13+$0x1470];
	[tilespmem:s13+$0x1400] =	vst v10  }
0x1ce: {  	v7 =	vadd.f32 v59, v7;
	[tilespmem:s13+$0x1410] =	vst v9  }
0x1cf: {  	p0 =	sne.s32 s11, $0xF;
	v6 =	vadd.f32 v60, v6;
	[tilespmem:s13+$0x1420] =	vst v8  }
.Ltmp4:
0x1d0: {  	[tilespmem:s13+$0x1430] =	vst v7;
	v5 =	vadd.f32 v61, v5;
	(pc) =	sbr.rel @p0 .LBB2_3-.Ltmp4, $4  }
0x1d1: {  	[tilespmem:s13+$0x1440] =	vst v6;
	v4 =	vadd.f32 v62, v4  }
0x1d2: {  	v3 =	vadd.f32 v63, v3;
	[tilespmem:s13+$0x1450] =	vst v5  }
0x1d3: {  	[tilespmem:s13+$0x1460] =	vst v4  }
0x1d4: {  	s10 =	sadd.s32 $0x80, s10;
	s11 =	sadd.s32 $0x1, s11;
	[tilespmem:s13+$0x1470] =	vst v3  }
0x1d5: {  	s6 =	sshll.u32 s6, $0xC  }
0x1d6: {  	s10 =	sor.u32 s2, s6;
	s6 =	sshll.u32 s7, $0x4  }
0x1d7: {  	s7 =	sadd.s32 s6, s10  }
0x1d8: {  	s15 =	sand.u32 $0x5, s30;
	s7 =	sshrl.u32 s7, $0x3  }
0x1d9: {  	p0 =	sne.s32 s15, $0x1;
	s14 =	smul.u32 $0x300, s7  }
.Ltmp5:
0x1da: {  	s7 =	sor.u32 $0x100, s7;
	(pc) =	sbr.rel @p0 .LBB2_6-.Ltmp5, $4  }
0x1db: {  	s7 =	smul.u32 $0x300, s7;
	s10 =	sadd.s32 s3, s14  }
0x1dc: {  	[hbm4b:s10+s4] =	stream.linear.scatter [tilespmem:s9], [sflag:$0x4], $0x3000, $0x38;
	[tilespmem:$0x1E400] =	vst v63  }
0x1dd: {  	s7 =	sadd.s32 s3, s7  }
0x1de: {  	[hbm4b:s7+s4] =	stream.linear.scatter [tilespmem:s8], [sflag:$0x4], $0x3000, $0x38;
	[tilespmem:$0x1E400] =	vst v63  }
0x1df: {  	s6 =	sor.u32 s6, s2  }
.Ltmp6:
0x1e0: {  	s6 =	sshrl.u32 s6, $0x3;
	(pc) =	sbr.rel .LBB2_7-.Ltmp6, $3  }
0x1e1: {  	s6 =	smul.u32 $0x300, s6;
	_ =	sdelay $0x1  }
0x1e2: {  	s6 =	sadd.s32 s25, s6  }
0x1e3: {  	[tilespmem:s5], [sflag:$0x2] =	stream.linear.gather [hbm4b:s6+s4], $0x3000, $0x38;
	[tilespmem:$0x1E400] =	vst v63  }
.LBB2_6:
0x1e4: {  	p0 =	seq.s32 s30, $0x0  }
.Ltmp7:
0x1e5: {  	_ = 	snop;
	(pc) =	sbr.rel @p0 .LBB2_8-.Ltmp7, $1  }
0x1e6: {  	_ =	sdelay $0x3  }
.LBB2_7:
0x1e7: {  	_ =	swait.ge [sflag:s0], $0x3000;
	p0 =	sgt.u32 s30, $0x4  }
.Ltmp8:
0x1e8: {  	[sflag:s0] =	ssyncset.done $0x0;
	(pc) =	sbr.rel @p0 .LBB2_9-.Ltmp8, $4  }
.Ltmp9:
0x1e9: {  	[sflag:s0] =	ssyncadd.s32 $0xFFFFD000;
	(pc) =	sbr.rel @!p0 .LBB2_8-.Ltmp9, $4  }
0x1ea: {  	_ =	swait.ge [sflag:s0], $0x3000  }
0x1eb: {  	[sflag:s0] =	ssyncset.done $0x0  }
0x1ec: {  	[sflag:s0] =	ssyncadd.s32 $0xFFFFD000  }
0x1ed: {  	_ = 	snop  }
.LBB2_11:
0x1ee: {  	_ =	sfence.sel $0x180000  }
0x1ef: {  	[bflag:$0x0] =	sbarrier.arrive $0xFFFF  }
0x1f0: {  	_ =	strace $0x90000047  }
0x1f1: {  	s0 =	stileid.u32;
	[bflag:$0x2] =	sbarrier.arrive $0xFFFF  }
0x1f2: {  	p0 =	sne.s32 s0, $0x0;
	s0 =	rddreg [dreg:$0x4]  }
0x1f3: {  	s0 =	sadd.s32 @!p0 $0x100000, s0  }
0x1f4: {  	[sflag:s0] =	ssyncadd.tile.s32 @!p0 $0x1;
	_ =	shalt  }
.Lfunc_end2:
_tile_overlayer_lowered:
.L_overlay_start_2:
0x1f5: {  	(tag) =	ssettag $0x2  }
0x1f6: {  	s0 =	rddreg [dreg:$0x0];
	s2 =	stileid.u32  }
0x1f7: {  	s1 =	rddreg [dreg:$0x1];
	p0 =	sne.s32 s2, $0x0  }
0x1f8: {  	s3 =	rddreg [dreg:$0x2];
	[bflag:$0x3] =	sbarrier.arrive $0xFFFF;
	s2 =	simm.s32 @!p0 $0x1C05  }
0x1f9: {  	[timem:s3], [sflag:s2] =	dma.local @!p0 [hbm:s0], s1  }
0x1fa: {  	s0 =	simm.s32 @!p0 $0x5  }
0x1fb: {  	_ =	swait.ge @!p0 [sflag:s0], s1  }
0x1fc: {  	s1 =	ssub.s32 @!p0 $0x0, s1;
	[sflag:s0] =	ssyncset.done @!p0 $0x0  }
0x1fd: {  	[sflag:s0] =	ssyncadd.s32 @!p0 s1  }
0x1fe: {  	[bflag:$0x3] =	sbarrier.arrive $0xFFFF  }
0x1ff: {  	_ =	shalt  }

</sc_bundles>
